<compile_context>
chip_gen: v7x
topology: tpu7x:2x2x1
jax: 0.10.2.dev20260603
libtpu: 0.0.44.dev20260713+nightly
codegen_flags: <defaults>
</compile_context>

<pallas_src>
import functools

import jax
import jax.numpy as jnp
from jax.experimental import pallas as pl
from jax.experimental.pallas import tpu as pltpu
from jax.experimental.pallas import tpu_sc as plsc

_NUM_CHUNKS = 4
_GATHER_WINDOW = 3200
_BLOCK_M = 1024


def _sc_gather(table, idx_windows, num_idx, embed_dim):
    mesh = plsc.VectorSubcoreMesh(core_axis_name="c", subcore_axis_name="s")
    gw = _GATHER_WINDOW

    @functools.partial(
        pl.kernel,
        mesh=mesh,
        out_type=jax.ShapeDtypeStruct((num_idx, embed_dim), jnp.float32),
        compiler_params=pltpu.CompilerParams(use_tc_tiling_on_sc=False),
    )
    def gather_kernel(table_hbm, i_hbm, o_hbm):
        def body(i_vmem, o_vmem):
            pltpu.sync_copy(table_hbm.at[i_vmem.at[0]], o_vmem)

        pltpu.emit_pipeline(
            body,
            grid=(num_idx // gw,),
            in_specs=[pl.BlockSpec((1, gw), lambda i: (i, 0))],
            out_specs=[pl.BlockSpec((gw, embed_dim), lambda i: (i, 0))],
            core_axis_name=("c", "s"),
            dimension_semantics=(pltpu.PARALLEL,),
        )(i_hbm, o_hbm)

    return gather_kernel(table, idx_windows)


def _tc_matmul(flat, W_bf16, b, block_m=_BLOCK_M):
    B, K = flat.shape
    _, N = W_bf16.shape

    def mm_body(x_ref, w_ref, b_ref, o_ref):
        o_ref[...] = (
            jnp.dot(x_ref[...].astype(jnp.bfloat16), w_ref[...], preferred_element_type=jnp.float32)
            + b_ref[...]
        )

    return pl.pallas_call(
        mm_body,
        grid=(B // block_m,),
        in_specs=[
            pl.BlockSpec((block_m, K), lambda i: (i, 0)),
            pl.BlockSpec((K, N), lambda i: (0, 0)),
            pl.BlockSpec((1, N), lambda i: (0, 0)),
        ],
        out_specs=pl.BlockSpec((block_m, N), lambda i: (i, 0)),
        out_shape=jax.ShapeDtypeStruct((B, N), jnp.float32),
    )(flat, W_bf16, b.reshape(1, N))


def kernel(obs, table, W, b):
    B, OD = obs.shape
    V, E = table.shape
    K, N = W.shape

    W_bf16 = W.astype(jnp.bfloat16)
    cb = B // _NUM_CHUNKS

    rows_chunks = []
    for c in range(_NUM_CHUNKS):
        obs_c = obs[c * cb : (c + 1) * cb]
        idx_c = obs_c.reshape(cb * OD // _GATHER_WINDOW, _GATHER_WINDOW)
        rows_chunks.append(_sc_gather(table, idx_c, cb * OD, E))
    outs = [
        _tc_matmul(rows.reshape(cb, OD * E), W_bf16, b)
        for rows in rows_chunks
    ]
    return jnp.concatenate(outs, axis=0)

# --- scband reference (transcript-rebuilt; emitter-appended) ---
"""Pipeline reference for scband-embedding-representation-5781025980780 (READ-ONLY COPY).

The authoritative reference and input builder live on the scoring server;
editing this copy changes nothing except your own understanding.
"""

import jax, jax.numpy as jnp
import numpy as np

VOCAB = 100000
OBS_DIM = 100
EMBED_PER_OBS = 16
OUTER = 128
BATCH = 16384

def setup_inputs(seed: int = 0) -> dict:
    key = jax.random.key(seed)
    k1, k2, k3, k4 = jax.random.split(key, 4)
    obs = jax.random.randint(k1, (BATCH, OBS_DIM), 0, VOCAB, dtype=jnp.int64 if jax.config.jax_enable_x64 else jnp.int32).astype(jnp.int32)
    table = jax.random.normal(k2, (VOCAB, EMBED_PER_OBS), dtype=jnp.float32)
    W = jax.random.normal(k3, (EMBED_PER_OBS * OBS_DIM, OUTER), dtype=jnp.float32) * (1.0 / np.sqrt(EMBED_PER_OBS * OBS_DIM))
    b = jax.random.normal(k4, (OUTER,), dtype=jnp.float32) * 0.01
    return {"obs": obs, "table": table, "W": W, "b": b}

def reference(obs, table, W, b):
    # nn.Embedding: gather rows of table -> [B, OBS_DIM, EMBED_PER_OBS]
    e = jnp.take(table, obs, axis=0)
    # nn.Flatten(start_dim=-2): merge last two dims -> [B, OBS_DIM * EMBED_PER_OBS]
    flat = e.reshape(e.shape[0], -1)
    # nn.Linear
    out = flat @ W + b
    return out

if __name__ == "__main__":
    import jax
    _d = setup_inputs()
    print(jax.jit(kernel)(*tuple(_d.values())))

</pallas_src>

<mosaic_0001>
#map = affine_map<(d0, d1) -> (0, 0)>
module attributes {stable_mosaic.version = 14 : i64} {
  func.func @gather_kernel(%arg0: i32, %arg1: i32, %arg2: memref<100000x16xf32, #tpu.memory_space<hbm>>, %arg3: memref<128x3200xi32, #tpu.memory_space<hbm>>, %arg4: memref<409600x16xf32, #tpu.memory_space<hbm>>) attributes {dimension_semantics = [#tpu.dimension_semantics<core_parallel>, #tpu.dimension_semantics<subcore_parallel>], iteration_bounds = array<i64: 2, 16>, scalar_prefetch = 0 : i64, scratch_operands = 0 : i64, tpu.core_type = #tpu.core_type<sc_vector_subcore>, window_params = [{transform_indices = #map}, {transform_indices = #map}, {transform_indices = #map}]} {
    %mul3A = arith.constant 1 : i32
    %mul3A_0 = arith.muli %arg1, %mul3A : i32
    %add3A = arith.constant 0 : i32
    %add3A_1 = arith.addi %add3A, %mul3A_0 : i32
    %mul3A_2 = arith.constant 16 : i32
    %mul3A_3 = arith.muli %arg0, %mul3A_2 : i32
    %add3A_4 = arith.addi %add3A_1, %mul3A_3 : i32
    %mul3A_5 = arith.constant 4 : i32
    %mul3A_6 = arith.muli %add3A_4, %mul3A_5 : i32
    "tpu.region"() ({
      %run_scoped3A = memref.alloca() : memref<2x1x3200xi32, #tpu.memory_space<vmem>>
      %run_scoped3A_7 = tpu.sem_alloc : memref<2x!tpu.dma_semaphore, #tpu.memory_space<semaphore_mem>>
      %run_scoped3A_8 = memref.alloca() : memref<2x3200x16xf32, #tpu.memory_space<vmem>>
      %run_scoped3A_9 = tpu.sem_alloc : memref<2x!tpu.dma_semaphore, #tpu.memory_space<semaphore_mem>>
      %add3A_10 = arith.constant 0 : i32
      %add3A_11 = arith.addi %add3A_10, %mul3A_6 : i32
      %select_n3A = arith.constant true
      %select_n3A_12 = arith.constant 0 : i32
      %select_n3A_13 = arith.constant -1 : i32
      %select_n3A_14 = arith.select %select_n3A, %select_n3A_13, %select_n3A_12 : i32
      %eq3A = arith.constant -1 : i32
      %eq3A_15 = arith.cmpi eq, %select_n3A_14, %eq3A : i32
      %select_n3A_16 = arith.constant 3 : i32
      %select_n3A_17 = arith.select %eq3A_15, %select_n3A_16, %select_n3A_14 : i32
      %add3A_18 = arith.addi %select_n3A_17, %mul3A_6 : i32
      %select_n3A_19 = arith.constant true
      %select_n3A_20 = arith.constant 0 : i32
      %select_n3A_21 = arith.constant 1 : i32
      %select_n3A_22 = arith.select %select_n3A_19, %select_n3A_21, %select_n3A_20 : i32
      %eq3A_23 = arith.constant 4 : i32
      %eq3A_24 = arith.cmpi eq, %select_n3A_22, %eq3A_23 : i32
      %select_n3A_25 = arith.constant 0 : i32
      %select_n3A_26 = arith.select %eq3A_24, %select_n3A_25, %select_n3A_22 : i32
      %add3A_27 = arith.addi %select_n3A_26, %mul3A_6 : i32
      %add3A_28 = arith.constant 1 : i32
      %add3A_29 = arith.addi %select_n3A_26, %add3A_28 : i32
      %select_n3A_30 = arith.constant true
      %select_n3A_31 = arith.select %select_n3A_30, %add3A_29, %select_n3A_26 : i32
      %eq3A_32 = arith.constant 4 : i32
      %eq3A_33 = arith.cmpi eq, %select_n3A_31, %eq3A_32 : i32
      %select_n3A_34 = arith.constant 0 : i32
      %select_n3A_35 = arith.select %eq3A_33, %select_n3A_34, %select_n3A_31 : i32
      %add3A_36 = arith.addi %select_n3A_35, %mul3A_6 : i32
      "tpu.trace_start"() <{level = 10 : i32, message = "ep_initialize_0"}> : () -> ()
      %rem3A = arith.constant 0 : i32
      %rem3A_37 = arith.constant 2 : i32
      %rem3A_38 = arith.remui %rem3A, %rem3A_37 : i32
      %mul3A_39 = arith.constant 1 : i32
      %mul3A_40 = arith.muli %mul3A_39, %add3A_11 : i32
      %dma_start3A = arith.constant 0 : i32
      %dma_start3A_41 = arith.constant 0 : i32
      %dma_start3A_42 = tpu.memref_slice %run_scoped3A[%rem3A_38, %dma_start3A, %dma_start3A_41] : memref<2x1x3200xi32, #tpu.memory_space<vmem>> -> memref<1x1x3200xi32, #tpu.memory_space<vmem>>
      %dma_start3A_43 = tpu.memref_squeeze %dma_start3A_42 : memref<1x1x3200xi32, #tpu.memory_space<vmem>> -> memref<1x3200xi32, #tpu.memory_space<vmem>>
      %dma_start3A_44 = arith.constant 0 : i32
      %dma_start3A_45 = tpu.memref_slice %arg3[%mul3A_40, %dma_start3A_44] : memref<128x3200xi32, #tpu.memory_space<hbm>> -> memref<1x3200xi32, #tpu.memory_space<hbm>>
      %dma_start3A_46 = tpu.memref_slice %run_scoped3A_7[%rem3A_38] : memref<2x!tpu.dma_semaphore, #tpu.memory_space<semaphore_mem>> -> memref<1x!tpu.dma_semaphore, #tpu.memory_space<semaphore_mem>>
      %dma_start3A_47 = tpu.memref_squeeze %dma_start3A_46 : memref<1x!tpu.dma_semaphore, #tpu.memory_space<semaphore_mem>> -> memref<!tpu.dma_semaphore, #tpu.memory_space<semaphore_mem>>
      %dma_start3A_48 = arith.constant 0 : i32
      %dma_start3A_49 = arith.constant 0 : i32
      %dma_start3A_50 = tpu.memref_slice %run_scoped3A[%rem3A_38, %dma_start3A_48, %dma_start3A_49] : memref<2x1x3200xi32, #tpu.memory_space<vmem>> -> memref<1x1x3200xi32, #tpu.memory_space<vmem>>
      %dma_start3A_51 = tpu.memref_squeeze %dma_start3A_50 : memref<1x1x3200xi32, #tpu.memory_space<vmem>> -> memref<1x3200xi32, #tpu.memory_space<vmem>>
      %dma_start3A_52 = arith.constant 0 : i32
      %dma_start3A_53 = tpu.memref_slice %arg3[%mul3A_40, %dma_start3A_52] : memref<128x3200xi32, #tpu.memory_space<hbm>> -> memref<1x3200xi32, #tpu.memory_space<hbm>>
      tpu.enqueue_dma source(%dma_start3A_53 : memref<1x3200xi32, #tpu.memory_space<hbm>>) target(%dma_start3A_51 : memref<1x3200xi32, #tpu.memory_space<vmem>>) target_semaphore(%dma_start3A_47 : memref<!tpu.dma_semaphore, #tpu.memory_space<semaphore_mem>>)
      %add3A_54 = arith.constant 0 : i32
      %add3A_55 = arith.constant 1 : i32
      %add3A_56 = arith.addi %add3A_54, %add3A_55 : i32
      %select_n3A_57 = arith.constant true
      %select_n3A_58 = arith.constant 0 : i32
      %select_n3A_59 = arith.select %select_n3A_57, %add3A_56, %select_n3A_58 : i32
      "tpu.trace_stop"() : () -> ()
      %scan3A = arith.constant 0 : i32
      %scan3A_60 = arith.constant 0 : i32
      %scan3A_61 = arith.constant 0 : i32
      %scan3A_62 = arith.constant 0 : i32
      %scan3A_63 = arith.constant 0 : i32
      %scan3A_64 = arith.constant 4 : i32
      %scan3A_65 = arith.addi %scan3A_63, %scan3A_64 : i32
      %scan3A_66 = arith.constant 1 : i32
      %scan3A_67:5 = scf.for %scan3A_121 = %scan3A_63 to %scan3A_65 step %scan3A_66 iter_args(%scan3A_122 = %select_n3A_59, %scan3A_123 = %scan3A, %scan3A_124 = %scan3A_60, %scan3A_125 = %scan3A_61, %scan3A_126 = %scan3A_62) -> (i32, i32, i32, i32, i32)  : i32 {
        %eq3A_127 = arith.constant 0 : i32
        %eq3A_128 = arith.cmpi eq, %scan3A_121, %eq3A_127 : i32
        %eq3A_129 = arith.constant 3 : i32
        %eq3A_130 = arith.cmpi eq, %scan3A_121, %eq3A_129 : i32
        %add3A_131 = arith.addi %scan3A_126, %mul3A_6 : i32
        %sub3A_132 = arith.constant 1 : i32
        %sub3A_133 = arith.subi %scan3A_126, %sub3A_132 : i32
        %select_n3A_134 = arith.constant true
        %select_n3A_135 = arith.select %select_n3A_134, %sub3A_133, %scan3A_126 : i32
        %eq3A_136 = arith.constant -1 : i32
        %eq3A_137 = arith.cmpi eq, %select_n3A_135, %eq3A_136 : i32
        %select_n3A_138 = arith.constant 3 : i32
        %select_n3A_139 = arith.select %eq3A_137, %select_n3A_138, %select_n3A_135 : i32
        %add3A_140 = arith.addi %select_n3A_139, %mul3A_6 : i32
        %add3A_141 = arith.constant 1 : i32
        %add3A_142 = arith.addi %scan3A_126, %add3A_141 : i32
        %select_n3A_143 = arith.constant true
        %select_n3A_144 = arith.select %select_n3A_143, %add3A_142, %scan3A_126 : i32
        %eq3A_145 = arith.constant 4 : i32
        %eq3A_146 = arith.cmpi eq, %select_n3A_144, %eq3A_145 : i32
        %select_n3A_147 = arith.constant 0 : i32
        %select_n3A_148 = arith.select %eq3A_146, %select_n3A_147, %select_n3A_144 : i32
        %add3A_149 = arith.addi %select_n3A_148, %mul3A_6 : i32
        %add3A_150 = arith.constant 1 : i32
        %add3A_151 = arith.addi %select_n3A_148, %add3A_150 : i32
        %select_n3A_152 = arith.constant true
        %select_n3A_153 = arith.select %select_n3A_152, %add3A_151, %select_n3A_148 : i32
        %eq3A_154 = arith.constant 4 : i32
        %eq3A_155 = arith.cmpi eq, %select_n3A_153, %eq3A_154 : i32
        %select_n3A_156 = arith.constant 0 : i32
        %select_n3A_157 = arith.select %eq3A_155, %select_n3A_156, %select_n3A_153 : i32
        %add3A_158 = arith.addi %select_n3A_157, %mul3A_6 : i32
        %ne3A = arith.cmpi ne, %add3A_131, %add3A_149 : i32
        %or3A = arith.constant false
        %or3A_159 = arith.ori %or3A, %ne3A : i1
        %or3A_160 = arith.constant false
        %or3A_161 = arith.ori %or3A_159, %or3A_160 : i1
        %ge3A = arith.constant 3 : i32
        %ge3A_162 = arith.cmpi sge, %scan3A_121, %ge3A : i32
        %not3A = arith.constant true
        %not3A_163 = arith.xori %ge3A_162, %not3A : i1
        %and3A = arith.andi %or3A_161, %not3A_163 : i1
        %convert_element_type3A = arith.extui %and3A : i1 to i32
        %cond3A = arith.constant 0 : i32
        %cond3A_164 = arith.cmpi ne, %convert_element_type3A, %cond3A : i32
        scf.if %cond3A_164 {
          "tpu.trace_start"() <{level = 10 : i32, message = "ep_copy_in"}> : () -> ()
          %rem3A_274 = arith.constant 2 : i32
          %rem3A_275 = arith.remui %scan3A_122, %rem3A_274 : i32
          %mul3A_276 = arith.constant 1 : i32
          %mul3A_277 = arith.muli %mul3A_276, %add3A_149 : i32
          %dma_start3A_278 = arith.constant 0 : i32
          %dma_start3A_279 = arith.constant 0 : i32
          %dma_start3A_280 = tpu.memref_slice %run_scoped3A[%rem3A_275, %dma_start3A_278, %dma_start3A_279] : memref<2x1x3200xi32, #tpu.memory_space<vmem>> -> memref<1x1x3200xi32, #tpu.memory_space<vmem>>
          %dma_start3A_281 = tpu.memref_squeeze %dma_start3A_280 : memref<1x1x3200xi32, #tpu.memory_space<vmem>> -> memref<1x3200xi32, #tpu.memory_space<vmem>>
          %dma_start3A_282 = arith.constant 0 : i32
          %dma_start3A_283 = tpu.memref_slice %arg3[%mul3A_277, %dma_start3A_282] : memref<128x3200xi32, #tpu.memory_space<hbm>> -> memref<1x3200xi32, #tpu.memory_space<hbm>>
          %dma_start3A_284 = tpu.memref_slice %run_scoped3A_7[%rem3A_275] : memref<2x!tpu.dma_semaphore, #tpu.memory_space<semaphore_mem>> -> memref<1x!tpu.dma_semaphore, #tpu.memory_space<semaphore_mem>>
          %dma_start3A_285 = tpu.memref_squeeze %dma_start3A_284 : memref<1x!tpu.dma_semaphore, #tpu.memory_space<semaphore_mem>> -> memref<!tpu.dma_semaphore, #tpu.memory_space<semaphore_mem>>
          %dma_start3A_286 = arith.constant 0 : i32
          %dma_start3A_287 = arith.constant 0 : i32
          %dma_start3A_288 = tpu.memref_slice %run_scoped3A[%rem3A_275, %dma_start3A_286, %dma_start3A_287] : memref<2x1x3200xi32, #tpu.memory_space<vmem>> -> memref<1x1x3200xi32, #tpu.memory_space<vmem>>
          %dma_start3A_289 = tpu.memref_squeeze %dma_start3A_288 : memref<1x1x3200xi32, #tpu.memory_space<vmem>> -> memref<1x3200xi32, #tpu.memory_space<vmem>>
          %dma_start3A_290 = arith.constant 0 : i32
          %dma_start3A_291 = tpu.memref_slice %arg3[%mul3A_277, %dma_start3A_290] : memref<128x3200xi32, #tpu.memory_space<hbm>> -> memref<1x3200xi32, #tpu.memory_space<hbm>>
          tpu.enqueue_dma source(%dma_start3A_291 : memref<1x3200xi32, #tpu.memory_space<hbm>>) target(%dma_start3A_289 : memref<1x3200xi32, #tpu.memory_space<vmem>>) target_semaphore(%dma_start3A_285 : memref<!tpu.dma_semaphore, #tpu.memory_space<semaphore_mem>>)
          "tpu.trace_stop"() : () -> ()
        } else {
        }
        %and3A_165 = arith.constant true
        %and3A_166 = arith.andi %and3A, %and3A_165 : i1
        %add3A_167 = arith.constant 1 : i32
        %add3A_168 = arith.addi %scan3A_122, %add3A_167 : i32
        %select_n3A_169 = arith.select %and3A_166, %add3A_168, %scan3A_122 : i32
        %ne3A_170 = arith.cmpi ne, %add3A_131, %add3A_149 : i32
        %or3A_171 = arith.constant false
        %or3A_172 = arith.ori %or3A_171, %ne3A_170 : i1
        %or3A_173 = arith.constant false
        %or3A_174 = arith.ori %or3A_172, %or3A_173 : i1
        %ge3A_175 = arith.constant 3 : i32
        %ge3A_176 = arith.cmpi sge, %scan3A_121, %ge3A_175 : i32
        %not3A_177 = arith.constant true
        %not3A_178 = arith.xori %ge3A_176, %not3A_177 : i1
        %and3A_179 = arith.andi %or3A_174, %not3A_178 : i1
        %ne3A_180 = arith.cmpi ne, %add3A_131, %add3A_140 : i32
        %or3A_181 = arith.constant false
        %or3A_182 = arith.ori %or3A_181, %ne3A_180 : i1
        %or3A_183 = arith.constant false
        %or3A_184 = arith.ori %or3A_182, %or3A_183 : i1
        %or3A_185 = arith.ori %or3A_184, %eq3A_128 : i1
        %convert_element_type3A_186 = arith.extui %or3A_185 : i1 to i32
        %cond3A_187 = arith.constant 0 : i32
        %cond3A_188 = arith.cmpi ne, %convert_element_type3A_186, %cond3A_187 : i32
        scf.if %cond3A_188 {
          "tpu.trace_start"() <{level = 10 : i32, message = "ep_wait_in"}> : () -> ()
          %mul3A_274 = arith.constant 1 : i32
          %mul3A_275 = arith.muli %mul3A_274, %add3A_131 : i32
          %rem3A_276 = arith.constant 2 : i32
          %rem3A_277 = arith.remui %scan3A_123, %rem3A_276 : i32
          %dma_wait3A_278 = arith.constant 0 : i32
          %dma_wait3A_279 = arith.constant 0 : i32
          %dma_wait3A_280 = tpu.memref_slice %run_scoped3A[%rem3A_277, %dma_wait3A_278, %dma_wait3A_279] : memref<2x1x3200xi32, #tpu.memory_space<vmem>> -> memref<1x1x3200xi32, #tpu.memory_space<vmem>>
          %dma_wait3A_281 = tpu.memref_squeeze %dma_wait3A_280 : memref<1x1x3200xi32, #tpu.memory_space<vmem>> -> memref<1x3200xi32, #tpu.memory_space<vmem>>
          %dma_wait3A_282 = arith.constant 0 : i32
          %dma_wait3A_283 = tpu.memref_slice %arg3[%mul3A_275, %dma_wait3A_282] : memref<128x3200xi32, #tpu.memory_space<hbm>> -> memref<1x3200xi32, #tpu.memory_space<hbm>>
          %dma_wait3A_284 = tpu.memref_slice %run_scoped3A_7[%rem3A_277] : memref<2x!tpu.dma_semaphore, #tpu.memory_space<semaphore_mem>> -> memref<1x!tpu.dma_semaphore, #tpu.memory_space<semaphore_mem>>
          %dma_wait3A_285 = tpu.memref_squeeze %dma_wait3A_284 : memref<1x!tpu.dma_semaphore, #tpu.memory_space<semaphore_mem>> -> memref<!tpu.dma_semaphore, #tpu.memory_space<semaphore_mem>>
          %dma_wait3A_286 = arith.constant 0 : i32
          %dma_wait3A_287 = arith.constant 0 : i32
          %dma_wait3A_288 = tpu.memref_slice %run_scoped3A[%rem3A_277, %dma_wait3A_286, %dma_wait3A_287] : memref<2x1x3200xi32, #tpu.memory_space<vmem>> -> memref<1x1x3200xi32, #tpu.memory_space<vmem>>
          %dma_wait3A_289 = tpu.memref_squeeze %dma_wait3A_288 : memref<1x1x3200xi32, #tpu.memory_space<vmem>> -> memref<1x3200xi32, #tpu.memory_space<vmem>>
          %dma_wait3A_290 = arith.constant 0 : i32
          %dma_wait3A_291 = tpu.memref_slice %arg3[%mul3A_275, %dma_wait3A_290] : memref<128x3200xi32, #tpu.memory_space<hbm>> -> memref<1x3200xi32, #tpu.memory_space<hbm>>
          tpu.wait_dma2 semaphore(%dma_wait3A_285 : memref<!tpu.dma_semaphore, #tpu.memory_space<semaphore_mem>>) src(%dma_wait3A_291 : memref<1x3200xi32, #tpu.memory_space<hbm>>) dst(%dma_wait3A_289 : memref<1x3200xi32, #tpu.memory_space<vmem>>)
          "tpu.trace_stop"() : () -> ()
        } else {
        }
        %ne3A_189 = arith.cmpi ne, %add3A_131, %add3A_140 : i32
        %or3A_190 = arith.constant false
        %or3A_191 = arith.ori %or3A_190, %ne3A_189 : i1
        %or3A_192 = arith.constant false
        %or3A_193 = arith.ori %or3A_191, %or3A_192 : i1
        %or3A_194 = arith.ori %or3A_193, %eq3A_128 : i1
        %convert_element_type3A_195 = arith.extui %or3A_194 : i1 to i32
        %cond3A_196 = arith.constant 0 : i32
        %cond3A_197 = arith.cmpi ne, %convert_element_type3A_195, %cond3A_196 : i32
        scf.if %cond3A_197 {
        } else {
        }
        %rem3A_198 = arith.constant 2 : i32
        %rem3A_199 = arith.remui %scan3A_123, %rem3A_198 : i32
        %rem3A_200 = arith.constant 2 : i32
        %rem3A_201 = arith.remui %scan3A_124, %rem3A_200 : i32
        %run_scoped3A_202 = arith.constant 0 : i32
        "tpu.trace_start"() <{level = 10 : i32, message = "ep_run_kernel"}> : () -> ()
        "tpu.region"() ({
          %run_scoped3A_274 = tpu.sem_alloc : memref<!tpu.dma_semaphore, #tpu.memory_space<semaphore_mem>>
          %dma_start3A_275 = arith.constant 0 : i32
          %dma_start3A_276 = arith.constant 0 : i32
          %dma_start3A_277 = tpu.memref_slice %run_scoped3A_8[%rem3A_201, %dma_start3A_275, %dma_start3A_276] : memref<2x3200x16xf32, #tpu.memory_space<vmem>> -> memref<1x3200x16xf32, #tpu.memory_space<vmem>>
          %dma_start3A_278 = tpu.memref_squeeze %dma_start3A_277 : memref<1x3200x16xf32, #tpu.memory_space<vmem>> -> memref<3200x16xf32, #tpu.memory_space<vmem>>
          %dma_start3A_279 = arith.constant 0 : i32
          %dma_start3A_280 = arith.constant 0 : i32
          %dma_start3A_281 = tpu.memref_slice %run_scoped3A[%rem3A_199, %dma_start3A_279, %dma_start3A_280] : memref<2x1x3200xi32, #tpu.memory_space<vmem>> -> memref<1x1x3200xi32, #tpu.memory_space<vmem>>
          %dma_start3A_282 = tpu.memref_squeeze %dma_start3A_281 : memref<1x1x3200xi32, #tpu.memory_space<vmem>> -> memref<1x3200xi32, #tpu.memory_space<vmem>>
          %dma_start3A_283 = arith.constant 0 : i32
          %dma_start3A_284 = tpu.memref_slice %dma_start3A_282[%run_scoped3A_202, %dma_start3A_283] : memref<1x3200xi32, #tpu.memory_space<vmem>> -> memref<1x3200xi32, #tpu.memory_space<vmem>>
          %dma_start3A_285 = tpu.memref_squeeze %dma_start3A_284 : memref<1x3200xi32, #tpu.memory_space<vmem>> -> memref<3200xi32, #tpu.memory_space<vmem>>
          %dma_start3A_286 = arith.constant 0 : i32
          %dma_start3A_287 = arith.constant 0 : i32
          %dma_start3A_288 = tpu.memref_slice %arg2[%dma_start3A_286, %dma_start3A_287] : memref<100000x16xf32, #tpu.memory_space<hbm>> -> memref<100000x16xf32, #tpu.memory_space<hbm>>
          tpu.enqueue_indirect_dma source(%dma_start3A_288 : memref<100000x16xf32, #tpu.memory_space<hbm>>) target(%dma_start3A_278 : memref<3200x16xf32, #tpu.memory_space<vmem>>) offsets(%dma_start3A_285 : memref<3200xi32, #tpu.memory_space<vmem>>) semaphore(%run_scoped3A_274 : memref<!tpu.dma_semaphore, #tpu.memory_space<semaphore_mem>>)
          %dma_wait3A_289 = arith.constant 0 : i32
          %dma_wait3A_290 = arith.constant 0 : i32
          %dma_wait3A_291 = tpu.memref_slice %run_scoped3A_8[%rem3A_201, %dma_wait3A_289, %dma_wait3A_290] : memref<2x3200x16xf32, #tpu.memory_space<vmem>> -> memref<1x3200x16xf32, #tpu.memory_space<vmem>>
          %dma_wait3A_292 = tpu.memref_squeeze %dma_wait3A_291 : memref<1x3200x16xf32, #tpu.memory_space<vmem>> -> memref<3200x16xf32, #tpu.memory_space<vmem>>
          %dma_wait3A_293 = arith.constant 0 : i32
          %dma_wait3A_294 = arith.constant 0 : i32
          %dma_wait3A_295 = tpu.memref_slice %run_scoped3A[%rem3A_199, %dma_wait3A_293, %dma_wait3A_294] : memref<2x1x3200xi32, #tpu.memory_space<vmem>> -> memref<1x1x3200xi32, #tpu.memory_space<vmem>>
          %dma_wait3A_296 = tpu.memref_squeeze %dma_wait3A_295 : memref<1x1x3200xi32, #tpu.memory_space<vmem>> -> memref<1x3200xi32, #tpu.memory_space<vmem>>
          %dma_wait3A_297 = arith.constant 0 : i32
          %dma_wait3A_298 = tpu.memref_slice %dma_wait3A_296[%run_scoped3A_202, %dma_wait3A_297] : memref<1x3200xi32, #tpu.memory_space<vmem>> -> memref<1x3200xi32, #tpu.memory_space<vmem>>
          %dma_wait3A_299 = tpu.memref_squeeze %dma_wait3A_298 : memref<1x3200xi32, #tpu.memory_space<vmem>> -> memref<3200xi32, #tpu.memory_space<vmem>>
          %dma_wait3A_300 = arith.constant 0 : i32
          %dma_wait3A_301 = arith.constant 0 : i32
          %dma_wait3A_302 = tpu.memref_slice %arg2[%dma_wait3A_300, %dma_wait3A_301] : memref<100000x16xf32, #tpu.memory_space<hbm>> -> memref<100000x16xf32, #tpu.memory_space<hbm>>
          tpu.wait_indirect_dma semaphore(%run_scoped3A_274 : memref<!tpu.dma_semaphore, #tpu.memory_space<semaphore_mem>>) src(%dma_wait3A_302 : memref<100000x16xf32, #tpu.memory_space<hbm>>) dst(%dma_wait3A_292 : memref<3200x16xf32, #tpu.memory_space<vmem>>)
          tpu.yield
        }) : () -> ()
        "tpu.trace_stop"() : () -> ()
        %ne3A_203 = arith.cmpi ne, %add3A_131, %add3A_149 : i32
        %or3A_204 = arith.constant false
        %or3A_205 = arith.ori %or3A_204, %ne3A_203 : i1
        %or3A_206 = arith.constant false
        %or3A_207 = arith.ori %or3A_205, %or3A_206 : i1
        %or3A_208 = arith.ori %or3A_207, %eq3A_130 : i1
        %convert_element_type3A_209 = arith.extui %or3A_208 : i1 to i32
        %cond3A_210 = arith.constant 0 : i32
        %cond3A_211 = arith.cmpi ne, %convert_element_type3A_209, %cond3A_210 : i32
        scf.if %cond3A_211 {
        } else {
        }
        %and3A_212 = arith.constant false
        %and3A_213 = arith.andi %or3A_208, %and3A_212 : i1
        %ne3A_214 = arith.cmpi ne, %add3A_131, %add3A_149 : i32
        %or3A_215 = arith.constant false
        %or3A_216 = arith.ori %or3A_215, %ne3A_214 : i1
        %or3A_217 = arith.constant false
        %or3A_218 = arith.ori %or3A_216, %or3A_217 : i1
        %or3A_219 = arith.ori %or3A_218, %eq3A_130 : i1
        %convert_element_type3A_220 = arith.extui %or3A_219 : i1 to i32
        %cond3A_221 = arith.constant 0 : i32
        %cond3A_222 = arith.cmpi ne, %convert_element_type3A_220, %cond3A_221 : i32
        scf.if %cond3A_222 {
          "tpu.trace_start"() <{level = 10 : i32, message = "ep_copy_out"}> : () -> ()
          %rem3A_274 = arith.constant 2 : i32
          %rem3A_275 = arith.remui %scan3A_124, %rem3A_274 : i32
          %mul3A_276 = arith.constant 3200 : i32
          %mul3A_277 = arith.muli %mul3A_276, %add3A_131 : i32
          %dma_start3A_278 = arith.constant 0 : i32
          %dma_start3A_279 = arith.constant 0 : i32
          %dma_start3A_280 = tpu.memref_slice %run_scoped3A_8[%rem3A_275, %dma_start3A_278, %dma_start3A_279] : memref<2x3200x16xf32, #tpu.memory_space<vmem>> -> memref<1x3200x16xf32, #tpu.memory_space<vmem>>
          %dma_start3A_281 = tpu.memref_squeeze %dma_start3A_280 : memref<1x3200x16xf32, #tpu.memory_space<vmem>> -> memref<3200x16xf32, #tpu.memory_space<vmem>>
          %dma_start3A_282 = arith.constant 0 : i32
          %dma_start3A_283 = tpu.memref_slice %arg4[%mul3A_277, %dma_start3A_282] : memref<409600x16xf32, #tpu.memory_space<hbm>> -> memref<3200x16xf32, #tpu.memory_space<hbm>>
          %dma_start3A_284 = tpu.memref_slice %run_scoped3A_9[%rem3A_275] : memref<2x!tpu.dma_semaphore, #tpu.memory_space<semaphore_mem>> -> memref<1x!tpu.dma_semaphore, #tpu.memory_space<semaphore_mem>>
          %dma_start3A_285 = tpu.memref_squeeze %dma_start3A_284 : memref<1x!tpu.dma_semaphore, #tpu.memory_space<semaphore_mem>> -> memref<!tpu.dma_semaphore, #tpu.memory_space<semaphore_mem>>
          %dma_start3A_286 = arith.constant 0 : i32
          %dma_start3A_287 = tpu.memref_slice %arg4[%mul3A_277, %dma_start3A_286] : memref<409600x16xf32, #tpu.memory_space<hbm>> -> memref<3200x16xf32, #tpu.memory_space<hbm>>
          %dma_start3A_288 = arith.constant 0 : i32
          %dma_start3A_289 = arith.constant 0 : i32
          %dma_start3A_290 = tpu.memref_slice %run_scoped3A_8[%rem3A_275, %dma_start3A_288, %dma_start3A_289] : memref<2x3200x16xf32, #tpu.memory_space<vmem>> -> memref<1x3200x16xf32, #tpu.memory_space<vmem>>
          %dma_start3A_291 = tpu.memref_squeeze %dma_start3A_290 : memref<1x3200x16xf32, #tpu.memory_space<vmem>> -> memref<3200x16xf32, #tpu.memory_space<vmem>>
          tpu.enqueue_dma source(%dma_start3A_291 : memref<3200x16xf32, #tpu.memory_space<vmem>>) target(%dma_start3A_287 : memref<3200x16xf32, #tpu.memory_space<hbm>>) target_semaphore(%dma_start3A_285 : memref<!tpu.dma_semaphore, #tpu.memory_space<semaphore_mem>>)
          "tpu.trace_stop"() : () -> ()
        } else {
        }
        %and3A_223 = arith.constant true
        %and3A_224 = arith.andi %or3A_219, %and3A_223 : i1
        %add3A_225 = arith.constant 1 : i32
        %add3A_226 = arith.addi %scan3A_124, %add3A_225 : i32
        %select_n3A_227 = arith.select %and3A_224, %add3A_226, %scan3A_124 : i32
        %ne3A_228 = arith.cmpi ne, %add3A_131, %add3A_140 : i32
        %or3A_229 = arith.constant false
        %or3A_230 = arith.ori %or3A_229, %ne3A_228 : i1
        %or3A_231 = arith.constant false
        %or3A_232 = arith.ori %or3A_230, %or3A_231 : i1
        %not3A_233 = arith.constant true
        %not3A_234 = arith.xori %eq3A_128, %not3A_233 : i1
        %and3A_235 = arith.andi %or3A_232, %not3A_234 : i1
        %convert_element_type3A_236 = arith.extui %and3A_235 : i1 to i32
        %cond3A_237 = arith.constant 0 : i32
        %cond3A_238 = arith.cmpi ne, %convert_element_type3A_236, %cond3A_237 : i32
        scf.if %cond3A_238 {
        } else {
        }
        %and3A_239 = arith.constant false
        %and3A_240 = arith.andi %and3A_235, %and3A_239 : i1
        %ne3A_241 = arith.cmpi ne, %add3A_131, %add3A_140 : i32
        %or3A_242 = arith.constant false
        %or3A_243 = arith.ori %or3A_242, %ne3A_241 : i1
        %or3A_244 = arith.constant false
        %or3A_245 = arith.ori %or3A_243, %or3A_244 : i1
        %not3A_246 = arith.constant true
        %not3A_247 = arith.xori %eq3A_128, %not3A_246 : i1
        %and3A_248 = arith.andi %or3A_245, %not3A_247 : i1
        %convert_element_type3A_249 = arith.extui %and3A_248 : i1 to i32
        %cond3A_250 = arith.constant 0 : i32
        %cond3A_251 = arith.cmpi ne, %convert_element_type3A_249, %cond3A_250 : i32
        scf.if %cond3A_251 {
          "tpu.trace_start"() <{level = 10 : i32, message = "ep_wait_out"}> : () -> ()
          %rem3A_274 = arith.constant 2 : i32
          %rem3A_275 = arith.remui %scan3A_125, %rem3A_274 : i32
          %mul3A_276 = arith.constant 3200 : i32
          %mul3A_277 = arith.muli %mul3A_276, %add3A_140 : i32
          %dma_wait3A_278 = arith.constant 0 : i32
          %dma_wait3A_279 = arith.constant 0 : i32
          %dma_wait3A_280 = tpu.memref_slice %run_scoped3A_8[%rem3A_275, %dma_wait3A_278, %dma_wait3A_279] : memref<2x3200x16xf32, #tpu.memory_space<vmem>> -> memref<1x3200x16xf32, #tpu.memory_space<vmem>>
          %dma_wait3A_281 = tpu.memref_squeeze %dma_wait3A_280 : memref<1x3200x16xf32, #tpu.memory_space<vmem>> -> memref<3200x16xf32, #tpu.memory_space<vmem>>
          %dma_wait3A_282 = arith.constant 0 : i32
          %dma_wait3A_283 = tpu.memref_slice %arg4[%mul3A_277, %dma_wait3A_282] : memref<409600x16xf32, #tpu.memory_space<hbm>> -> memref<3200x16xf32, #tpu.memory_space<hbm>>
          %dma_wait3A_284 = tpu.memref_slice %run_scoped3A_9[%rem3A_275] : memref<2x!tpu.dma_semaphore, #tpu.memory_space<semaphore_mem>> -> memref<1x!tpu.dma_semaphore, #tpu.memory_space<semaphore_mem>>
          %dma_wait3A_285 = tpu.memref_squeeze %dma_wait3A_284 : memref<1x!tpu.dma_semaphore, #tpu.memory_space<semaphore_mem>> -> memref<!tpu.dma_semaphore, #tpu.memory_space<semaphore_mem>>
          %dma_wait3A_286 = arith.constant 0 : i32
          %dma_wait3A_287 = tpu.memref_slice %arg4[%mul3A_277, %dma_wait3A_286] : memref<409600x16xf32, #tpu.memory_space<hbm>> -> memref<3200x16xf32, #tpu.memory_space<hbm>>
          %dma_wait3A_288 = arith.constant 0 : i32
          %dma_wait3A_289 = arith.constant 0 : i32
          %dma_wait3A_290 = tpu.memref_slice %run_scoped3A_8[%rem3A_275, %dma_wait3A_288, %dma_wait3A_289] : memref<2x3200x16xf32, #tpu.memory_space<vmem>> -> memref<1x3200x16xf32, #tpu.memory_space<vmem>>
          %dma_wait3A_291 = tpu.memref_squeeze %dma_wait3A_290 : memref<1x3200x16xf32, #tpu.memory_space<vmem>> -> memref<3200x16xf32, #tpu.memory_space<vmem>>
          tpu.wait_dma2 semaphore(%dma_wait3A_285 : memref<!tpu.dma_semaphore, #tpu.memory_space<semaphore_mem>>) src(%dma_wait3A_291 : memref<3200x16xf32, #tpu.memory_space<vmem>>) dst(%dma_wait3A_287 : memref<3200x16xf32, #tpu.memory_space<hbm>>)
          "tpu.trace_stop"() : () -> ()
        } else {
        }
        %and3A_252 = arith.constant true
        %and3A_253 = arith.andi %and3A_248, %and3A_252 : i1
        %add3A_254 = arith.constant 1 : i32
        %add3A_255 = arith.addi %scan3A_125, %add3A_254 : i32
        %select_n3A_256 = arith.select %and3A_253, %add3A_255, %scan3A_125 : i32
        %ne3A_257 = arith.cmpi ne, %add3A_131, %add3A_149 : i32
        %or3A_258 = arith.constant false
        %or3A_259 = arith.ori %or3A_258, %ne3A_257 : i1
        %or3A_260 = arith.constant false
        %or3A_261 = arith.ori %or3A_259, %or3A_260 : i1
        %or3A_262 = arith.ori %or3A_261, %eq3A_130 : i1
        %add3A_263 = arith.constant 1 : i32
        %add3A_264 = arith.addi %scan3A_123, %add3A_263 : i32
        %select_n3A_265 = arith.select %or3A_262, %add3A_264, %scan3A_123 : i32
        %add3A_266 = arith.constant 1 : i32
        %add3A_267 = arith.addi %scan3A_126, %add3A_266 : i32
        %select_n3A_268 = arith.constant true
        %select_n3A_269 = arith.select %select_n3A_268, %add3A_267, %scan3A_126 : i32
        %eq3A_270 = arith.constant 4 : i32
        %eq3A_271 = arith.cmpi eq, %select_n3A_269, %eq3A_270 : i32
        %select_n3A_272 = arith.constant 0 : i32
        %select_n3A_273 = arith.select %eq3A_271, %select_n3A_272, %select_n3A_269 : i32
        scf.yield %select_n3A_169, %select_n3A_265, %select_n3A_227, %select_n3A_256, %select_n3A_273 : i32, i32, i32, i32, i32
      }
      %scan3A_68 = arith.constant 4 : i32
      %sub3A = arith.constant 1 : i32
      %sub3A_69 = arith.subi %scan3A_67#4, %sub3A : i32
      %select_n3A_70 = arith.constant true
      %select_n3A_71 = arith.select %select_n3A_70, %sub3A_69, %scan3A_67#4 : i32
      %eq3A_72 = arith.constant -1 : i32
      %eq3A_73 = arith.cmpi eq, %select_n3A_71, %eq3A_72 : i32
      %select_n3A_74 = arith.constant 3 : i32
      %select_n3A_75 = arith.select %eq3A_73, %select_n3A_74, %select_n3A_71 : i32
      %add3A_76 = arith.addi %select_n3A_75, %mul3A_6 : i32
      %sub3A_77 = arith.constant 1 : i32
      %sub3A_78 = arith.subi %select_n3A_75, %sub3A_77 : i32
      %select_n3A_79 = arith.constant true
      %select_n3A_80 = arith.select %select_n3A_79, %sub3A_78, %select_n3A_75 : i32
      %eq3A_81 = arith.constant -1 : i32
      %eq3A_82 = arith.cmpi eq, %select_n3A_80, %eq3A_81 : i32
      %select_n3A_83 = arith.constant 3 : i32
      %select_n3A_84 = arith.select %eq3A_82, %select_n3A_83, %select_n3A_80 : i32
      %add3A_85 = arith.addi %select_n3A_84, %mul3A_6 : i32
      %add3A_86 = arith.constant 1 : i32
      %add3A_87 = arith.addi %select_n3A_75, %add3A_86 : i32
      %select_n3A_88 = arith.constant true
      %select_n3A_89 = arith.select %select_n3A_88, %add3A_87, %select_n3A_75 : i32
      %eq3A_90 = arith.constant 4 : i32
      %eq3A_91 = arith.cmpi eq, %select_n3A_89, %eq3A_90 : i32
      %select_n3A_92 = arith.constant 0 : i32
      %select_n3A_93 = arith.select %eq3A_91, %select_n3A_92, %select_n3A_89 : i32
      %add3A_94 = arith.addi %select_n3A_93, %mul3A_6 : i32
      %add3A_95 = arith.constant 1 : i32
      %add3A_96 = arith.addi %select_n3A_93, %add3A_95 : i32
      %select_n3A_97 = arith.constant true
      %select_n3A_98 = arith.select %select_n3A_97, %add3A_96, %select_n3A_93 : i32
      %eq3A_99 = arith.constant 4 : i32
      %eq3A_100 = arith.cmpi eq, %select_n3A_98, %eq3A_99 : i32
      %select_n3A_101 = arith.constant 0 : i32
      %select_n3A_102 = arith.select %eq3A_100, %select_n3A_101, %select_n3A_98 : i32
      %add3A_103 = arith.addi %select_n3A_102, %mul3A_6 : i32
      "tpu.trace_start"() <{level = 10 : i32, message = "ep_finalize"}> : () -> ()
      %rem3A_104 = arith.constant 2 : i32
      %rem3A_105 = arith.remui %scan3A_67#3, %rem3A_104 : i32
      %mul3A_106 = arith.constant 3200 : i32
      %mul3A_107 = arith.muli %mul3A_106, %add3A_76 : i32
      %dma_wait3A = arith.constant 0 : i32
      %dma_wait3A_108 = arith.constant 0 : i32
      %dma_wait3A_109 = tpu.memref_slice %run_scoped3A_8[%rem3A_105, %dma_wait3A, %dma_wait3A_108] : memref<2x3200x16xf32, #tpu.memory_space<vmem>> -> memref<1x3200x16xf32, #tpu.memory_space<vmem>>
      %dma_wait3A_110 = tpu.memref_squeeze %dma_wait3A_109 : memref<1x3200x16xf32, #tpu.memory_space<vmem>> -> memref<3200x16xf32, #tpu.memory_space<vmem>>
      %dma_wait3A_111 = arith.constant 0 : i32
      %dma_wait3A_112 = tpu.memref_slice %arg4[%mul3A_107, %dma_wait3A_111] : memref<409600x16xf32, #tpu.memory_space<hbm>> -> memref<3200x16xf32, #tpu.memory_space<hbm>>
      %dma_wait3A_113 = tpu.memref_slice %run_scoped3A_9[%rem3A_105] : memref<2x!tpu.dma_semaphore, #tpu.memory_space<semaphore_mem>> -> memref<1x!tpu.dma_semaphore, #tpu.memory_space<semaphore_mem>>
      %dma_wait3A_114 = tpu.memref_squeeze %dma_wait3A_113 : memref<1x!tpu.dma_semaphore, #tpu.memory_space<semaphore_mem>> -> memref<!tpu.dma_semaphore, #tpu.memory_space<semaphore_mem>>
      %dma_wait3A_115 = arith.constant 0 : i32
      %dma_wait3A_116 = tpu.memref_slice %arg4[%mul3A_107, %dma_wait3A_115] : memref<409600x16xf32, #tpu.memory_space<hbm>> -> memref<3200x16xf32, #tpu.memory_space<hbm>>
      %dma_wait3A_117 = arith.constant 0 : i32
      %dma_wait3A_118 = arith.constant 0 : i32
      %dma_wait3A_119 = tpu.memref_slice %run_scoped3A_8[%rem3A_105, %dma_wait3A_117, %dma_wait3A_118] : memref<2x3200x16xf32, #tpu.memory_space<vmem>> -> memref<1x3200x16xf32, #tpu.memory_space<vmem>>
      %dma_wait3A_120 = tpu.memref_squeeze %dma_wait3A_119 : memref<1x3200x16xf32, #tpu.memory_space<vmem>> -> memref<3200x16xf32, #tpu.memory_space<vmem>>
      tpu.wait_dma2 semaphore(%dma_wait3A_114 : memref<!tpu.dma_semaphore, #tpu.memory_space<semaphore_mem>>) src(%dma_wait3A_120 : memref<3200x16xf32, #tpu.memory_space<vmem>>) dst(%dma_wait3A_116 : memref<3200x16xf32, #tpu.memory_space<hbm>>)
      "tpu.trace_stop"() : () -> ()
      tpu.yield
    }) : () -> ()
    return
  }
}

#map = affine_map<(d0, d1) -> (0, 0)>
module attributes {stable_mosaic.version = 14 : i64} {
  func.func @gather_kernel(%arg0: i32, %arg1: i32, %arg2: memref<100000x16xf32, #tpu.memory_space<hbm>>, %arg3: memref<128x3200xi32, #tpu.memory_space<hbm>>, %arg4: memref<409600x16xf32, #tpu.memory_space<hbm>>) attributes {dimension_semantics = [#tpu.dimension_semantics<core_parallel>, #tpu.dimension_semantics<subcore_parallel>], iteration_bounds = array<i64: 2, 16>, scalar_prefetch = 0 : i64, scratch_operands = 0 : i64, tpu.core_type = #tpu.core_type<sc_vector_subcore>, window_params = [{transform_indices = #map}, {transform_indices = #map}, {transform_indices = #map}]} {
    %mul3A = arith.constant 1 : i32
    %mul3A_0 = arith.muli %arg1, %mul3A : i32
    %add3A = arith.constant 0 : i32
    %add3A_1 = arith.addi %add3A, %mul3A_0 : i32
    %mul3A_2 = arith.constant 16 : i32
    %mul3A_3 = arith.muli %arg0, %mul3A_2 : i32
    %add3A_4 = arith.addi %add3A_1, %mul3A_3 : i32
    %mul3A_5 = arith.constant 4 : i32
    %mul3A_6 = arith.muli %add3A_4, %mul3A_5 : i32
    "tpu.region"() ({
      %run_scoped3A = memref.alloca() : memref<2x1x3200xi32, #tpu.memory_space<vmem>>
      %run_scoped3A_7 = tpu.sem_alloc : memref<2x!tpu.dma_semaphore, #tpu.memory_space<semaphore_mem>>
      %run_scoped3A_8 = memref.alloca() : memref<2x3200x16xf32, #tpu.memory_space<vmem>>
      %run_scoped3A_9 = tpu.sem_alloc : memref<2x!tpu.dma_semaphore, #tpu.memory_space<semaphore_mem>>
      %add3A_10 = arith.constant 0 : i32
      %add3A_11 = arith.addi %add3A_10, %mul3A_6 : i32
      %select_n3A = arith.constant true
      %select_n3A_12 = arith.constant 0 : i32
      %select_n3A_13 = arith.constant -1 : i32
      %select_n3A_14 = arith.select %select_n3A, %select_n3A_13, %select_n3A_12 : i32
      %eq3A = arith.constant -1 : i32
      %eq3A_15 = arith.cmpi eq, %select_n3A_14, %eq3A : i32
      %select_n3A_16 = arith.constant 3 : i32
      %select_n3A_17 = arith.select %eq3A_15, %select_n3A_16, %select_n3A_14 : i32
      %add3A_18 = arith.addi %select_n3A_17, %mul3A_6 : i32
      %select_n3A_19 = arith.constant true
      %select_n3A_20 = arith.constant 0 : i32
      %select_n3A_21 = arith.constant 1 : i32
      %select_n3A_22 = arith.select %select_n3A_19, %select_n3A_21, %select_n3A_20 : i32
      %eq3A_23 = arith.constant 4 : i32
      %eq3A_24 = arith.cmpi eq, %select_n3A_22, %eq3A_23 : i32
      %select_n3A_25 = arith.constant 0 : i32
      %select_n3A_26 = arith.select %eq3A_24, %select_n3A_25, %select_n3A_22 : i32
      %add3A_27 = arith.addi %select_n3A_26, %mul3A_6 : i32
      %add3A_28 = arith.constant 1 : i32
      %add3A_29 = arith.addi %select_n3A_26, %add3A_28 : i32
      %select_n3A_30 = arith.constant true
      %select_n3A_31 = arith.select %select_n3A_30, %add3A_29, %select_n3A_26 : i32
      %eq3A_32 = arith.constant 4 : i32
      %eq3A_33 = arith.cmpi eq, %select_n3A_31, %eq3A_32 : i32
      %select_n3A_34 = arith.constant 0 : i32
      %select_n3A_35 = arith.select %eq3A_33, %select_n3A_34, %select_n3A_31 : i32
      %add3A_36 = arith.addi %select_n3A_35, %mul3A_6 : i32
      "tpu.trace_start"() <{level = 10 : i32, message = "ep_initialize_0"}> : () -> ()
      %rem3A = arith.constant 0 : i32
      %rem3A_37 = arith.constant 2 : i32
      %rem3A_38 = arith.remui %rem3A, %rem3A_37 : i32
      %mul3A_39 = arith.constant 1 : i32
      %mul3A_40 = arith.muli %mul3A_39, %add3A_11 : i32
      %dma_start3A = arith.constant 0 : i32
      %dma_start3A_41 = arith.constant 0 : i32
      %dma_start3A_42 = tpu.memref_slice %run_scoped3A[%rem3A_38, %dma_start3A, %dma_start3A_41] : memref<2x1x3200xi32, #tpu.memory_space<vmem>> -> memref<1x1x3200xi32, #tpu.memory_space<vmem>>
      %dma_start3A_43 = tpu.memref_squeeze %dma_start3A_42 : memref<1x1x3200xi32, #tpu.memory_space<vmem>> -> memref<1x3200xi32, #tpu.memory_space<vmem>>
      %dma_start3A_44 = arith.constant 0 : i32
      %dma_start3A_45 = tpu.memref_slice %arg3[%mul3A_40, %dma_start3A_44] : memref<128x3200xi32, #tpu.memory_space<hbm>> -> memref<1x3200xi32, #tpu.memory_space<hbm>>
      %dma_start3A_46 = tpu.memref_slice %run_scoped3A_7[%rem3A_38] : memref<2x!tpu.dma_semaphore, #tpu.memory_space<semaphore_mem>> -> memref<1x!tpu.dma_semaphore, #tpu.memory_space<semaphore_mem>>
      %dma_start3A_47 = tpu.memref_squeeze %dma_start3A_46 : memref<1x!tpu.dma_semaphore, #tpu.memory_space<semaphore_mem>> -> memref<!tpu.dma_semaphore, #tpu.memory_space<semaphore_mem>>
      %dma_start3A_48 = arith.constant 0 : i32
      %dma_start3A_49 = arith.constant 0 : i32
      %dma_start3A_50 = tpu.memref_slice %run_scoped3A[%rem3A_38, %dma_start3A_48, %dma_start3A_49] : memref<2x1x3200xi32, #tpu.memory_space<vmem>> -> memref<1x1x3200xi32, #tpu.memory_space<vmem>>
      %dma_start3A_51 = tpu.memref_squeeze %dma_start3A_50 : memref<1x1x3200xi32, #tpu.memory_space<vmem>> -> memref<1x3200xi32, #tpu.memory_space<vmem>>
      %dma_start3A_52 = arith.constant 0 : i32
      %dma_start3A_53 = tpu.memref_slice %arg3[%mul3A_40, %dma_start3A_52] : memref<128x3200xi32, #tpu.memory_space<hbm>> -> memref<1x3200xi32, #tpu.memory_space<hbm>>
      tpu.enqueue_dma source(%dma_start3A_53 : memref<1x3200xi32, #tpu.memory_space<hbm>>) target(%dma_start3A_51 : memref<1x3200xi32, #tpu.memory_space<vmem>>) target_semaphore(%dma_start3A_47 : memref<!tpu.dma_semaphore, #tpu.memory_space<semaphore_mem>>)
      %add3A_54 = arith.constant 0 : i32
      %add3A_55 = arith.constant 1 : i32
      %add3A_56 = arith.addi %add3A_54, %add3A_55 : i32
      %select_n3A_57 = arith.constant true
      %select_n3A_58 = arith.constant 0 : i32
      %select_n3A_59 = arith.select %select_n3A_57, %add3A_56, %select_n3A_58 : i32
      "tpu.trace_stop"() : () -> ()
      %scan3A = arith.constant 0 : i32
      %scan3A_60 = arith.constant 0 : i32
      %scan3A_61 = arith.constant 0 : i32
      %scan3A_62 = arith.constant 0 : i32
      %scan3A_63 = arith.constant 0 : i32
      %scan3A_64 = arith.constant 4 : i32
      %scan3A_65 = arith.addi %scan3A_63, %scan3A_64 : i32
      %scan3A_66 = arith.constant 1 : i32
      %scan3A_67:5 = scf.for %scan3A_121 = %scan3A_63 to %scan3A_65 step %scan3A_66 iter_args(%scan3A_122 = %select_n3A_59, %scan3A_123 = %scan3A, %scan3A_124 = %scan3A_60, %scan3A_125 = %scan3A_61, %scan3A_126 = %scan3A_62) -> (i32, i32, i32, i32, i32)  : i32 {
        %eq3A_127 = arith.constant 0 : i32
        %eq3A_128 = arith.cmpi eq, %scan3A_121, %eq3A_127 : i32
        %eq3A_129 = arith.constant 3 : i32
        %eq3A_130 = arith.cmpi eq, %scan3A_121, %eq3A_129 : i32
        %add3A_131 = arith.addi %scan3A_126, %mul3A_6 : i32
        %sub3A_132 = arith.constant 1 : i32
        %sub3A_133 = arith.subi %scan3A_126, %sub3A_132 : i32
        %select_n3A_134 = arith.constant true
        %select_n3A_135 = arith.select %select_n3A_134, %sub3A_133, %scan3A_126 : i32
        %eq3A_136 = arith.constant -1 : i32
        %eq3A_137 = arith.cmpi eq, %select_n3A_135, %eq3A_136 : i32
        %select_n3A_138 = arith.constant 3 : i32
        %select_n3A_139 = arith.select %eq3A_137, %select_n3A_138, %select_n3A_135 : i32
        %add3A_140 = arith.addi %select_n3A_139, %mul3A_6 : i32
        %add3A_141 = arith.constant 1 : i32
        %add3A_142 = arith.addi %scan3A_126, %add3A_141 : i32
        %select_n3A_143 = arith.constant true
        %select_n3A_144 = arith.select %select_n3A_143, %add3A_142, %scan3A_126 : i32
        %eq3A_145 = arith.constant 4 : i32
        %eq3A_146 = arith.cmpi eq, %select_n3A_144, %eq3A_145 : i32
        %select_n3A_147 = arith.constant 0 : i32
        %select_n3A_148 = arith.select %eq3A_146, %select_n3A_147, %select_n3A_144 : i32
        %add3A_149 = arith.addi %select_n3A_148, %mul3A_6 : i32
        %add3A_150 = arith.constant 1 : i32
        %add3A_151 = arith.addi %select_n3A_148, %add3A_150 : i32
        %select_n3A_152 = arith.constant true
        %select_n3A_153 = arith.select %select_n3A_152, %add3A_151, %select_n3A_148 : i32
        %eq3A_154 = arith.constant 4 : i32
        %eq3A_155 = arith.cmpi eq, %select_n3A_153, %eq3A_154 : i32
        %select_n3A_156 = arith.constant 0 : i32
        %select_n3A_157 = arith.select %eq3A_155, %select_n3A_156, %select_n3A_153 : i32
        %add3A_158 = arith.addi %select_n3A_157, %mul3A_6 : i32
        %ne3A = arith.cmpi ne, %add3A_131, %add3A_149 : i32
        %or3A = arith.constant false
        %or3A_159 = arith.ori %or3A, %ne3A : i1
        %or3A_160 = arith.constant false
        %or3A_161 = arith.ori %or3A_159, %or3A_160 : i1
        %ge3A = arith.constant 3 : i32
        %ge3A_162 = arith.cmpi sge, %scan3A_121, %ge3A : i32
        %not3A = arith.constant true
        %not3A_163 = arith.xori %ge3A_162, %not3A : i1
        %and3A = arith.andi %or3A_161, %not3A_163 : i1
        %convert_element_type3A = arith.extui %and3A : i1 to i32
        %cond3A = arith.constant 0 : i32
        %cond3A_164 = arith.cmpi ne, %convert_element_type3A, %cond3A : i32
        scf.if %cond3A_164 {
          "tpu.trace_start"() <{level = 10 : i32, message = "ep_copy_in"}> : () -> ()
          %rem3A_274 = arith.constant 2 : i32
          %rem3A_275 = arith.remui %scan3A_122, %rem3A_274 : i32
          %mul3A_276 = arith.constant 1 : i32
          %mul3A_277 = arith.muli %mul3A_276, %add3A_149 : i32
          %dma_start3A_278 = arith.constant 0 : i32
          %dma_start3A_279 = arith.constant 0 : i32
          %dma_start3A_280 = tpu.memref_slice %run_scoped3A[%rem3A_275, %dma_start3A_278, %dma_start3A_279] : memref<2x1x3200xi32, #tpu.memory_space<vmem>> -> memref<1x1x3200xi32, #tpu.memory_space<vmem>>
          %dma_start3A_281 = tpu.memref_squeeze %dma_start3A_280 : memref<1x1x3200xi32, #tpu.memory_space<vmem>> -> memref<1x3200xi32, #tpu.memory_space<vmem>>
          %dma_start3A_282 = arith.constant 0 : i32
          %dma_start3A_283 = tpu.memref_slice %arg3[%mul3A_277, %dma_start3A_282] : memref<128x3200xi32, #tpu.memory_space<hbm>> -> memref<1x3200xi32, #tpu.memory_space<hbm>>
          %dma_start3A_284 = tpu.memref_slice %run_scoped3A_7[%rem3A_275] : memref<2x!tpu.dma_semaphore, #tpu.memory_space<semaphore_mem>> -> memref<1x!tpu.dma_semaphore, #tpu.memory_space<semaphore_mem>>
          %dma_start3A_285 = tpu.memref_squeeze %dma_start3A_284 : memref<1x!tpu.dma_semaphore, #tpu.memory_space<semaphore_mem>> -> memref<!tpu.dma_semaphore, #tpu.memory_space<semaphore_mem>>
          %dma_start3A_286 = arith.constant 0 : i32
          %dma_start3A_287 = arith.constant 0 : i32
          %dma_start3A_288 = tpu.memref_slice %run_scoped3A[%rem3A_275, %dma_start3A_286, %dma_start3A_287] : memref<2x1x3200xi32, #tpu.memory_space<vmem>> -> memref<1x1x3200xi32, #tpu.memory_space<vmem>>
          %dma_start3A_289 = tpu.memref_squeeze %dma_start3A_288 : memref<1x1x3200xi32, #tpu.memory_space<vmem>> -> memref<1x3200xi32, #tpu.memory_space<vmem>>
          %dma_start3A_290 = arith.constant 0 : i32
          %dma_start3A_291 = tpu.memref_slice %arg3[%mul3A_277, %dma_start3A_290] : memref<128x3200xi32, #tpu.memory_space<hbm>> -> memref<1x3200xi32, #tpu.memory_space<hbm>>
          tpu.enqueue_dma source(%dma_start3A_291 : memref<1x3200xi32, #tpu.memory_space<hbm>>) target(%dma_start3A_289 : memref<1x3200xi32, #tpu.memory_space<vmem>>) target_semaphore(%dma_start3A_285 : memref<!tpu.dma_semaphore, #tpu.memory_space<semaphore_mem>>)
          "tpu.trace_stop"() : () -> ()
        } else {
        }
        %and3A_165 = arith.constant true
        %and3A_166 = arith.andi %and3A, %and3A_165 : i1
        %add3A_167 = arith.constant 1 : i32
        %add3A_168 = arith.addi %scan3A_122, %add3A_167 : i32
        %select_n3A_169 = arith.select %and3A_166, %add3A_168, %scan3A_122 : i32
        %ne3A_170 = arith.cmpi ne, %add3A_131, %add3A_149 : i32
        %or3A_171 = arith.constant false
        %or3A_172 = arith.ori %or3A_171, %ne3A_170 : i1
        %or3A_173 = arith.constant false
        %or3A_174 = arith.ori %or3A_172, %or3A_173 : i1
        %ge3A_175 = arith.constant 3 : i32
        %ge3A_176 = arith.cmpi sge, %scan3A_121, %ge3A_175 : i32
        %not3A_177 = arith.constant true
        %not3A_178 = arith.xori %ge3A_176, %not3A_177 : i1
        %and3A_179 = arith.andi %or3A_174, %not3A_178 : i1
        %ne3A_180 = arith.cmpi ne, %add3A_131, %add3A_140 : i32
        %or3A_181 = arith.constant false
        %or3A_182 = arith.ori %or3A_181, %ne3A_180 : i1
        %or3A_183 = arith.constant false
        %or3A_184 = arith.ori %or3A_182, %or3A_183 : i1
        %or3A_185 = arith.ori %or3A_184, %eq3A_128 : i1
        %convert_element_type3A_186 = arith.extui %or3A_185 : i1 to i32
        %cond3A_187 = arith.constant 0 : i32
        %cond3A_188 = arith.cmpi ne, %convert_element_type3A_186, %cond3A_187 : i32
        scf.if %cond3A_188 {
          "tpu.trace_start"() <{level = 10 : i32, message = "ep_wait_in"}> : () -> ()
          %mul3A_274 = arith.constant 1 : i32
          %mul3A_275 = arith.muli %mul3A_274, %add3A_131 : i32
          %rem3A_276 = arith.constant 2 : i32
          %rem3A_277 = arith.remui %scan3A_123, %rem3A_276 : i32
          %dma_wait3A_278 = arith.constant 0 : i32
          %dma_wait3A_279 = arith.constant 0 : i32
          %dma_wait3A_280 = tpu.memref_slice %run_scoped3A[%rem3A_277, %dma_wait3A_278, %dma_wait3A_279] : memref<2x1x3200xi32, #tpu.memory_space<vmem>> -> memref<1x1x3200xi32, #tpu.memory_space<vmem>>
          %dma_wait3A_281 = tpu.memref_squeeze %dma_wait3A_280 : memref<1x1x3200xi32, #tpu.memory_space<vmem>> -> memref<1x3200xi32, #tpu.memory_space<vmem>>
          %dma_wait3A_282 = arith.constant 0 : i32
          %dma_wait3A_283 = tpu.memref_slice %arg3[%mul3A_275, %dma_wait3A_282] : memref<128x3200xi32, #tpu.memory_space<hbm>> -> memref<1x3200xi32, #tpu.memory_space<hbm>>
          %dma_wait3A_284 = tpu.memref_slice %run_scoped3A_7[%rem3A_277] : memref<2x!tpu.dma_semaphore, #tpu.memory_space<semaphore_mem>> -> memref<1x!tpu.dma_semaphore, #tpu.memory_space<semaphore_mem>>
          %dma_wait3A_285 = tpu.memref_squeeze %dma_wait3A_284 : memref<1x!tpu.dma_semaphore, #tpu.memory_space<semaphore_mem>> -> memref<!tpu.dma_semaphore, #tpu.memory_space<semaphore_mem>>
          %dma_wait3A_286 = arith.constant 0 : i32
          %dma_wait3A_287 = arith.constant 0 : i32
          %dma_wait3A_288 = tpu.memref_slice %run_scoped3A[%rem3A_277, %dma_wait3A_286, %dma_wait3A_287] : memref<2x1x3200xi32, #tpu.memory_space<vmem>> -> memref<1x1x3200xi32, #tpu.memory_space<vmem>>
          %dma_wait3A_289 = tpu.memref_squeeze %dma_wait3A_288 : memref<1x1x3200xi32, #tpu.memory_space<vmem>> -> memref<1x3200xi32, #tpu.memory_space<vmem>>
          %dma_wait3A_290 = arith.constant 0 : i32
          %dma_wait3A_291 = tpu.memref_slice %arg3[%mul3A_275, %dma_wait3A_290] : memref<128x3200xi32, #tpu.memory_space<hbm>> -> memref<1x3200xi32, #tpu.memory_space<hbm>>
          tpu.wait_dma2 semaphore(%dma_wait3A_285 : memref<!tpu.dma_semaphore, #tpu.memory_space<semaphore_mem>>) src(%dma_wait3A_291 : memref<1x3200xi32, #tpu.memory_space<hbm>>) dst(%dma_wait3A_289 : memref<1x3200xi32, #tpu.memory_space<vmem>>)
          "tpu.trace_stop"() : () -> ()
        } else {
        }
        %ne3A_189 = arith.cmpi ne, %add3A_131, %add3A_140 : i32
        %or3A_190 = arith.constant false
        %or3A_191 = arith.ori %or3A_190, %ne3A_189 : i1
        %or3A_192 = arith.constant false
        %or3A_193 = arith.ori %or3A_191, %or3A_192 : i1
        %or3A_194 = arith.ori %or3A_193, %eq3A_128 : i1
        %convert_element_type3A_195 = arith.extui %or3A_194 : i1 to i32
        %cond3A_196 = arith.constant 0 : i32
        %cond3A_197 = arith.cmpi ne, %convert_element_type3A_195, %cond3A_196 : i32
        scf.if %cond3A_197 {
        } else {
        }
        %rem3A_198 = arith.constant 2 : i32
        %rem3A_199 = arith.remui %scan3A_123, %rem3A_198 : i32
        %rem3A_200 = arith.constant 2 : i32
        %rem3A_201 = arith.remui %scan3A_124, %rem3A_200 : i32
        %run_scoped3A_202 = arith.constant 0 : i32
        "tpu.trace_start"() <{level = 10 : i32, message = "ep_run_kernel"}> : () -> ()
        "tpu.region"() ({
          %run_scoped3A_274 = tpu.sem_alloc : memref<!tpu.dma_semaphore, #tpu.memory_space<semaphore_mem>>
          %dma_start3A_275 = arith.constant 0 : i32
          %dma_start3A_276 = arith.constant 0 : i32
          %dma_start3A_277 = tpu.memref_slice %run_scoped3A_8[%rem3A_201, %dma_start3A_275, %dma_start3A_276] : memref<2x3200x16xf32, #tpu.memory_space<vmem>> -> memref<1x3200x16xf32, #tpu.memory_space<vmem>>
          %dma_start3A_278 = tpu.memref_squeeze %dma_start3A_277 : memref<1x3200x16xf32, #tpu.memory_space<vmem>> -> memref<3200x16xf32, #tpu.memory_space<vmem>>
          %dma_start3A_279 = arith.constant 0 : i32
          %dma_start3A_280 = arith.constant 0 : i32
          %dma_start3A_281 = tpu.memref_slice %run_scoped3A[%rem3A_199, %dma_start3A_279, %dma_start3A_280] : memref<2x1x3200xi32, #tpu.memory_space<vmem>> -> memref<1x1x3200xi32, #tpu.memory_space<vmem>>
          %dma_start3A_282 = tpu.memref_squeeze %dma_start3A_281 : memref<1x1x3200xi32, #tpu.memory_space<vmem>> -> memref<1x3200xi32, #tpu.memory_space<vmem>>
          %dma_start3A_283 = arith.constant 0 : i32
          %dma_start3A_284 = tpu.memref_slice %dma_start3A_282[%run_scoped3A_202, %dma_start3A_283] : memref<1x3200xi32, #tpu.memory_space<vmem>> -> memref<1x3200xi32, #tpu.memory_space<vmem>>
          %dma_start3A_285 = tpu.memref_squeeze %dma_start3A_284 : memref<1x3200xi32, #tpu.memory_space<vmem>> -> memref<3200xi32, #tpu.memory_space<vmem>>
          %dma_start3A_286 = arith.constant 0 : i32
          %dma_start3A_287 = arith.constant 0 : i32
          %dma_start3A_288 = tpu.memref_slice %arg2[%dma_start3A_286, %dma_start3A_287] : memref<100000x16xf32, #tpu.memory_space<hbm>> -> memref<100000x16xf32, #tpu.memory_space<hbm>>
          tpu.enqueue_indirect_dma source(%dma_start3A_288 : memref<100000x16xf32, #tpu.memory_space<hbm>>) target(%dma_start3A_278 : memref<3200x16xf32, #tpu.memory_space<vmem>>) offsets(%dma_start3A_285 : memref<3200xi32, #tpu.memory_space<vmem>>) semaphore(%run_scoped3A_274 : memref<!tpu.dma_semaphore, #tpu.memory_space<semaphore_mem>>)
          %dma_wait3A_289 = arith.constant 0 : i32
          %dma_wait3A_290 = arith.constant 0 : i32
          %dma_wait3A_291 = tpu.memref_slice %run_scoped3A_8[%rem3A_201, %dma_wait3A_289, %dma_wait3A_290] : memref<2x3200x16xf32, #tpu.memory_space<vmem>> -> memref<1x3200x16xf32, #tpu.memory_space<vmem>>
          %dma_wait3A_292 = tpu.memref_squeeze %dma_wait3A_291 : memref<1x3200x16xf32, #tpu.memory_space<vmem>> -> memref<3200x16xf32, #tpu.memory_space<vmem>>
          %dma_wait3A_293 = arith.constant 0 : i32
          %dma_wait3A_294 = arith.constant 0 : i32
          %dma_wait3A_295 = tpu.memref_slice %run_scoped3A[%rem3A_199, %dma_wait3A_293, %dma_wait3A_294] : memref<2x1x3200xi32, #tpu.memory_space<vmem>> -> memref<1x1x3200xi32, #tpu.memory_space<vmem>>
          %dma_wait3A_296 = tpu.memref_squeeze %dma_wait3A_295 : memref<1x1x3200xi32, #tpu.memory_space<vmem>> -> memref<1x3200xi32, #tpu.memory_space<vmem>>
          %dma_wait3A_297 = arith.constant 0 : i32
          %dma_wait3A_298 = tpu.memref_slice %dma_wait3A_296[%run_scoped3A_202, %dma_wait3A_297] : memref<1x3200xi32, #tpu.memory_space<vmem>> -> memref<1x3200xi32, #tpu.memory_space<vmem>>
          %dma_wait3A_299 = tpu.memref_squeeze %dma_wait3A_298 : memref<1x3200xi32, #tpu.memory_space<vmem>> -> memref<3200xi32, #tpu.memory_space<vmem>>
          %dma_wait3A_300 = arith.constant 0 : i32
          %dma_wait3A_301 = arith.constant 0 : i32
          %dma_wait3A_302 = tpu.memref_slice %arg2[%dma_wait3A_300, %dma_wait3A_301] : memref<100000x16xf32, #tpu.memory_space<hbm>> -> memref<100000x16xf32, #tpu.memory_space<hbm>>
          tpu.wait_indirect_dma semaphore(%run_scoped3A_274 : memref<!tpu.dma_semaphore, #tpu.memory_space<semaphore_mem>>) src(%dma_wait3A_302 : memref<100000x16xf32, #tpu.memory_space<hbm>>) dst(%dma_wait3A_292 : memref<3200x16xf32, #tpu.memory_space<vmem>>)
          tpu.yield
        }) : () -> ()
        "tpu.trace_stop"() : () -> ()
        %ne3A_203 = arith.cmpi ne, %add3A_131, %add3A_149 : i32
        %or3A_204 = arith.constant false
        %or3A_205 = arith.ori %or3A_204, %ne3A_203 : i1
        %or3A_206 = arith.constant false
        %or3A_207 = arith.ori %or3A_205, %or3A_206 : i1
        %or3A_208 = arith.ori %or3A_207, %eq3A_130 : i1
        %convert_element_type3A_209 = arith.extui %or3A_208 : i1 to i32
        %cond3A_210 = arith.constant 0 : i32
        %cond3A_211 = arith.cmpi ne, %convert_element_type3A_209, %cond3A_210 : i32
        scf.if %cond3A_211 {
        } else {
        }
        %and3A_212 = arith.constant false
        %and3A_213 = arith.andi %or3A_208, %and3A_212 : i1
        %ne3A_214 = arith.cmpi ne, %add3A_131, %add3A_149 : i32
        %or3A_215 = arith.constant false
        %or3A_216 = arith.ori %or3A_215, %ne3A_214 : i1
        %or3A_217 = arith.constant false
        %or3A_218 = arith.ori %or3A_216, %or3A_217 : i1
        %or3A_219 = arith.ori %or3A_218, %eq3A_130 : i1
        %convert_element_type3A_220 = arith.extui %or3A_219 : i1 to i32
        %cond3A_221 = arith.constant 0 : i32
        %cond3A_222 = arith.cmpi ne, %convert_element_type3A_220, %cond3A_221 : i32
        scf.if %cond3A_222 {
          "tpu.trace_start"() <{level = 10 : i32, message = "ep_copy_out"}> : () -> ()
          %rem3A_274 = arith.constant 2 : i32
          %rem3A_275 = arith.remui %scan3A_124, %rem3A_274 : i32
          %mul3A_276 = arith.constant 3200 : i32
          %mul3A_277 = arith.muli %mul3A_276, %add3A_131 : i32
          %dma_start3A_278 = arith.constant 0 : i32
          %dma_start3A_279 = arith.constant 0 : i32
          %dma_start3A_280 = tpu.memref_slice %run_scoped3A_8[%rem3A_275, %dma_start3A_278, %dma_start3A_279] : memref<2x3200x16xf32, #tpu.memory_space<vmem>> -> memref<1x3200x16xf32, #tpu.memory_space<vmem>>
          %dma_start3A_281 = tpu.memref_squeeze %dma_start3A_280 : memref<1x3200x16xf32, #tpu.memory_space<vmem>> -> memref<3200x16xf32, #tpu.memory_space<vmem>>
          %dma_start3A_282 = arith.constant 0 : i32
          %dma_start3A_283 = tpu.memref_slice %arg4[%mul3A_277, %dma_start3A_282] : memref<409600x16xf32, #tpu.memory_space<hbm>> -> memref<3200x16xf32, #tpu.memory_space<hbm>>
          %dma_start3A_284 = tpu.memref_slice %run_scoped3A_9[%rem3A_275] : memref<2x!tpu.dma_semaphore, #tpu.memory_space<semaphore_mem>> -> memref<1x!tpu.dma_semaphore, #tpu.memory_space<semaphore_mem>>
          %dma_start3A_285 = tpu.memref_squeeze %dma_start3A_284 : memref<1x!tpu.dma_semaphore, #tpu.memory_space<semaphore_mem>> -> memref<!tpu.dma_semaphore, #tpu.memory_space<semaphore_mem>>
          %dma_start3A_286 = arith.constant 0 : i32
          %dma_start3A_287 = tpu.memref_slice %arg4[%mul3A_277, %dma_start3A_286] : memref<409600x16xf32, #tpu.memory_space<hbm>> -> memref<3200x16xf32, #tpu.memory_space<hbm>>
          %dma_start3A_288 = arith.constant 0 : i32
          %dma_start3A_289 = arith.constant 0 : i32
          %dma_start3A_290 = tpu.memref_slice %run_scoped3A_8[%rem3A_275, %dma_start3A_288, %dma_start3A_289] : memref<2x3200x16xf32, #tpu.memory_space<vmem>> -> memref<1x3200x16xf32, #tpu.memory_space<vmem>>
          %dma_start3A_291 = tpu.memref_squeeze %dma_start3A_290 : memref<1x3200x16xf32, #tpu.memory_space<vmem>> -> memref<3200x16xf32, #tpu.memory_space<vmem>>
          tpu.enqueue_dma source(%dma_start3A_291 : memref<3200x16xf32, #tpu.memory_space<vmem>>) target(%dma_start3A_287 : memref<3200x16xf32, #tpu.memory_space<hbm>>) target_semaphore(%dma_start3A_285 : memref<!tpu.dma_semaphore, #tpu.memory_space<semaphore_mem>>)
          "tpu.trace_stop"() : () -> ()
        } else {
        }
        %and3A_223 = arith.constant true
        %and3A_224 = arith.andi %or3A_219, %and3A_223 : i1
        %add3A_225 = arith.constant 1 : i32
        %add3A_226 = arith.addi %scan3A_124, %add3A_225 : i32
        %select_n3A_227 = arith.select %and3A_224, %add3A_226, %scan3A_124 : i32
        %ne3A_228 = arith.cmpi ne, %add3A_131, %add3A_140 : i32
        %or3A_229 = arith.constant false
        %or3A_230 = arith.ori %or3A_229, %ne3A_228 : i1
        %or3A_231 = arith.constant false
        %or3A_232 = arith.ori %or3A_230, %or3A_231 : i1
        %not3A_233 = arith.constant true
        %not3A_234 = arith.xori %eq3A_128, %not3A_233 : i1
        %and3A_235 = arith.andi %or3A_232, %not3A_234 : i1
        %convert_element_type3A_236 = arith.extui %and3A_235 : i1 to i32
        %cond3A_237 = arith.constant 0 : i32
        %cond3A_238 = arith.cmpi ne, %convert_element_type3A_236, %cond3A_237 : i32
        scf.if %cond3A_238 {
        } else {
        }
        %and3A_239 = arith.constant false
        %and3A_240 = arith.andi %and3A_235, %and3A_239 : i1
        %ne3A_241 = arith.cmpi ne, %add3A_131, %add3A_140 : i32
        %or3A_242 = arith.constant false
        %or3A_243 = arith.ori %or3A_242, %ne3A_241 : i1
        %or3A_244 = arith.constant false
        %or3A_245 = arith.ori %or3A_243, %or3A_244 : i1
        %not3A_246 = arith.constant true
        %not3A_247 = arith.xori %eq3A_128, %not3A_246 : i1
        %and3A_248 = arith.andi %or3A_245, %not3A_247 : i1
        %convert_element_type3A_249 = arith.extui %and3A_248 : i1 to i32
        %cond3A_250 = arith.constant 0 : i32
        %cond3A_251 = arith.cmpi ne, %convert_element_type3A_249, %cond3A_250 : i32
        scf.if %cond3A_251 {
          "tpu.trace_start"() <{level = 10 : i32, message = "ep_wait_out"}> : () -> ()
          %rem3A_274 = arith.constant 2 : i32
          %rem3A_275 = arith.remui %scan3A_125, %rem3A_274 : i32
          %mul3A_276 = arith.constant 3200 : i32
          %mul3A_277 = arith.muli %mul3A_276, %add3A_140 : i32
          %dma_wait3A_278 = arith.constant 0 : i32
          %dma_wait3A_279 = arith.constant 0 : i32
          %dma_wait3A_280 = tpu.memref_slice %run_scoped3A_8[%rem3A_275, %dma_wait3A_278, %dma_wait3A_279] : memref<2x3200x16xf32, #tpu.memory_space<vmem>> -> memref<1x3200x16xf32, #tpu.memory_space<vmem>>
          %dma_wait3A_281 = tpu.memref_squeeze %dma_wait3A_280 : memref<1x3200x16xf32, #tpu.memory_space<vmem>> -> memref<3200x16xf32, #tpu.memory_space<vmem>>
          %dma_wait3A_282 = arith.constant 0 : i32
          %dma_wait3A_283 = tpu.memref_slice %arg4[%mul3A_277, %dma_wait3A_282] : memref<409600x16xf32, #tpu.memory_space<hbm>> -> memref<3200x16xf32, #tpu.memory_space<hbm>>
          %dma_wait3A_284 = tpu.memref_slice %run_scoped3A_9[%rem3A_275] : memref<2x!tpu.dma_semaphore, #tpu.memory_space<semaphore_mem>> -> memref<1x!tpu.dma_semaphore, #tpu.memory_space<semaphore_mem>>
          %dma_wait3A_285 = tpu.memref_squeeze %dma_wait3A_284 : memref<1x!tpu.dma_semaphore, #tpu.memory_space<semaphore_mem>> -> memref<!tpu.dma_semaphore, #tpu.memory_space<semaphore_mem>>
          %dma_wait3A_286 = arith.constant 0 : i32
          %dma_wait3A_287 = tpu.memref_slice %arg4[%mul3A_277, %dma_wait3A_286] : memref<409600x16xf32, #tpu.memory_space<hbm>> -> memref<3200x16xf32, #tpu.memory_space<hbm>>
          %dma_wait3A_288 = arith.constant 0 : i32
          %dma_wait3A_289 = arith.constant 0 : i32
          %dma_wait3A_290 = tpu.memref_slice %run_scoped3A_8[%rem3A_275, %dma_wait3A_288, %dma_wait3A_289] : memref<2x3200x16xf32, #tpu.memory_space<vmem>> -> memref<1x3200x16xf32, #tpu.memory_space<vmem>>
          %dma_wait3A_291 = tpu.memref_squeeze %dma_wait3A_290 : memref<1x3200x16xf32, #tpu.memory_space<vmem>> -> memref<3200x16xf32, #tpu.memory_space<vmem>>
          tpu.wait_dma2 semaphore(%dma_wait3A_285 : memref<!tpu.dma_semaphore, #tpu.memory_space<semaphore_mem>>) src(%dma_wait3A_291 : memref<3200x16xf32, #tpu.memory_space<vmem>>) dst(%dma_wait3A_287 : memref<3200x16xf32, #tpu.memory_space<hbm>>)
          "tpu.trace_stop"() : () -> ()
        } else {
        }
        %and3A_252 = arith.constant true
        %and3A_253 = arith.andi %and3A_248, %and3A_252 : i1
        %add3A_254 = arith.constant 1 : i32
        %add3A_255 = arith.addi %scan3A_125, %add3A_254 : i32
        %select_n3A_256 = arith.select %and3A_253, %add3A_255, %scan3A_125 : i32
        %ne3A_257 = arith.cmpi ne, %add3A_131, %add3A_149 : i32
        %or3A_258 = arith.constant false
        %or3A_259 = arith.ori %or3A_258, %ne3A_257 : i1
        %or3A_260 = arith.constant false
        %or3A_261 = arith.ori %or3A_259, %or3A_260 : i1
        %or3A_262 = arith.ori %or3A_261, %eq3A_130 : i1
        %add3A_263 = arith.constant 1 : i32
        %add3A_264 = arith.addi %scan3A_123, %add3A_263 : i32
        %select_n3A_265 = arith.select %or3A_262, %add3A_264, %scan3A_123 : i32
        %add3A_266 = arith.constant 1 : i32
        %add3A_267 = arith.addi %scan3A_126, %add3A_266 : i32
        %select_n3A_268 = arith.constant true
        %select_n3A_269 = arith.select %select_n3A_268, %add3A_267, %scan3A_126 : i32
        %eq3A_270 = arith.constant 4 : i32
        %eq3A_271 = arith.cmpi eq, %select_n3A_269, %eq3A_270 : i32
        %select_n3A_272 = arith.constant 0 : i32
        %select_n3A_273 = arith.select %eq3A_271, %select_n3A_272, %select_n3A_269 : i32
        scf.yield %select_n3A_169, %select_n3A_265, %select_n3A_227, %select_n3A_256, %select_n3A_273 : i32, i32, i32, i32, i32
      }
      %scan3A_68 = arith.constant 4 : i32
      %sub3A = arith.constant 1 : i32
      %sub3A_69 = arith.subi %scan3A_67#4, %sub3A : i32
      %select_n3A_70 = arith.constant true
      %select_n3A_71 = arith.select %select_n3A_70, %sub3A_69, %scan3A_67#4 : i32
      %eq3A_72 = arith.constant -1 : i32
      %eq3A_73 = arith.cmpi eq, %select_n3A_71, %eq3A_72 : i32
      %select_n3A_74 = arith.constant 3 : i32
      %select_n3A_75 = arith.select %eq3A_73, %select_n3A_74, %select_n3A_71 : i32
      %add3A_76 = arith.addi %select_n3A_75, %mul3A_6 : i32
      %sub3A_77 = arith.constant 1 : i32
      %sub3A_78 = arith.subi %select_n3A_75, %sub3A_77 : i32
      %select_n3A_79 = arith.constant true
      %select_n3A_80 = arith.select %select_n3A_79, %sub3A_78, %select_n3A_75 : i32
      %eq3A_81 = arith.constant -1 : i32
      %eq3A_82 = arith.cmpi eq, %select_n3A_80, %eq3A_81 : i32
      %select_n3A_83 = arith.constant 3 : i32
      %select_n3A_84 = arith.select %eq3A_82, %select_n3A_83, %select_n3A_80 : i32
      %add3A_85 = arith.addi %select_n3A_84, %mul3A_6 : i32
      %add3A_86 = arith.constant 1 : i32
      %add3A_87 = arith.addi %select_n3A_75, %add3A_86 : i32
      %select_n3A_88 = arith.constant true
      %select_n3A_89 = arith.select %select_n3A_88, %add3A_87, %select_n3A_75 : i32
      %eq3A_90 = arith.constant 4 : i32
      %eq3A_91 = arith.cmpi eq, %select_n3A_89, %eq3A_90 : i32
      %select_n3A_92 = arith.constant 0 : i32
      %select_n3A_93 = arith.select %eq3A_91, %select_n3A_92, %select_n3A_89 : i32
      %add3A_94 = arith.addi %select_n3A_93, %mul3A_6 : i32
      %add3A_95 = arith.constant 1 : i32
      %add3A_96 = arith.addi %select_n3A_93, %add3A_95 : i32
      %select_n3A_97 = arith.constant true
      %select_n3A_98 = arith.select %select_n3A_97, %add3A_96, %select_n3A_93 : i32
      %eq3A_99 = arith.constant 4 : i32
      %eq3A_100 = arith.cmpi eq, %select_n3A_98, %eq3A_99 : i32
      %select_n3A_101 = arith.constant 0 : i32
      %select_n3A_102 = arith.select %eq3A_100, %select_n3A_101, %select_n3A_98 : i32
      %add3A_103 = arith.addi %select_n3A_102, %mul3A_6 : i32
      "tpu.trace_start"() <{level = 10 : i32, message = "ep_finalize"}> : () -> ()
      %rem3A_104 = arith.constant 2 : i32
      %rem3A_105 = arith.remui %scan3A_67#3, %rem3A_104 : i32
      %mul3A_106 = arith.constant 3200 : i32
      %mul3A_107 = arith.muli %mul3A_106, %add3A_76 : i32
      %dma_wait3A = arith.constant 0 : i32
      %dma_wait3A_108 = arith.constant 0 : i32
      %dma_wait3A_109 = tpu.memref_slice %run_scoped3A_8[%rem3A_105, %dma_wait3A, %dma_wait3A_108] : memref<2x3200x16xf32, #tpu.memory_space<vmem>> -> memref<1x3200x16xf32, #tpu.memory_space<vmem>>
      %dma_wait3A_110 = tpu.memref_squeeze %dma_wait3A_109 : memref<1x3200x16xf32, #tpu.memory_space<vmem>> -> memref<3200x16xf32, #tpu.memory_space<vmem>>
      %dma_wait3A_111 = arith.constant 0 : i32
      %dma_wait3A_112 = tpu.memref_slice %arg4[%mul3A_107, %dma_wait3A_111] : memref<409600x16xf32, #tpu.memory_space<hbm>> -> memref<3200x16xf32, #tpu.memory_space<hbm>>
      %dma_wait3A_113 = tpu.memref_slice %run_scoped3A_9[%rem3A_105] : memref<2x!tpu.dma_semaphore, #tpu.memory_space<semaphore_mem>> -> memref<1x!tpu.dma_semaphore, #tpu.memory_space<semaphore_mem>>
      %dma_wait3A_114 = tpu.memref_squeeze %dma_wait3A_113 : memref<1x!tpu.dma_semaphore, #tpu.memory_space<semaphore_mem>> -> memref<!tpu.dma_semaphore, #tpu.memory_space<semaphore_mem>>
      %dma_wait3A_115 = arith.constant 0 : i32
      %dma_wait3A_116 = tpu.memref_slice %arg4[%mul3A_107, %dma_wait3A_115] : memref<409600x16xf32, #tpu.memory_space<hbm>> -> memref<3200x16xf32, #tpu.memory_space<hbm>>
      %dma_wait3A_117 = arith.constant 0 : i32
      %dma_wait3A_118 = arith.constant 0 : i32
      %dma_wait3A_119 = tpu.memref_slice %run_scoped3A_8[%rem3A_105, %dma_wait3A_117, %dma_wait3A_118] : memref<2x3200x16xf32, #tpu.memory_space<vmem>> -> memref<1x3200x16xf32, #tpu.memory_space<vmem>>
      %dma_wait3A_120 = tpu.memref_squeeze %dma_wait3A_119 : memref<1x3200x16xf32, #tpu.memory_space<vmem>> -> memref<3200x16xf32, #tpu.memory_space<vmem>>
      tpu.wait_dma2 semaphore(%dma_wait3A_114 : memref<!tpu.dma_semaphore, #tpu.memory_space<semaphore_mem>>) src(%dma_wait3A_120 : memref<3200x16xf32, #tpu.memory_space<vmem>>) dst(%dma_wait3A_116 : memref<3200x16xf32, #tpu.memory_space<hbm>>)
      "tpu.trace_stop"() : () -> ()
      tpu.yield
    }) : () -> ()
    return
  }
}

#map = affine_map<(d0, d1) -> (0, 0)>
module attributes {stable_mosaic.version = 14 : i64} {
  func.func @gather_kernel(%arg0: i32, %arg1: i32, %arg2: memref<100000x16xf32, #tpu.memory_space<hbm>>, %arg3: memref<128x3200xi32, #tpu.memory_space<hbm>>, %arg4: memref<409600x16xf32, #tpu.memory_space<hbm>>) attributes {dimension_semantics = [#tpu.dimension_semantics<core_parallel>, #tpu.dimension_semantics<subcore_parallel>], iteration_bounds = array<i64: 2, 16>, scalar_prefetch = 0 : i64, scratch_operands = 0 : i64, tpu.core_type = #tpu.core_type<sc_vector_subcore>, window_params = [{transform_indices = #map}, {transform_indices = #map}, {transform_indices = #map}]} {
    %mul3A = arith.constant 1 : i32
    %mul3A_0 = arith.muli %arg1, %mul3A : i32
    %add3A = arith.constant 0 : i32
    %add3A_1 = arith.addi %add3A, %mul3A_0 : i32
    %mul3A_2 = arith.constant 16 : i32
    %mul3A_3 = arith.muli %arg0, %mul3A_2 : i32
    %add3A_4 = arith.addi %add3A_1, %mul3A_3 : i32
    %mul3A_5 = arith.constant 4 : i32
    %mul3A_6 = arith.muli %add3A_4, %mul3A_5 : i32
    "tpu.region"() ({
      %run_scoped3A = memref.alloca() : memref<2x1x3200xi32, #tpu.memory_space<vmem>>
      %run_scoped3A_7 = tpu.sem_alloc : memref<2x!tpu.dma_semaphore, #tpu.memory_space<semaphore_mem>>
      %run_scoped3A_8 = memref.alloca() : memref<2x3200x16xf32, #tpu.memory_space<vmem>>
      %run_scoped3A_9 = tpu.sem_alloc : memref<2x!tpu.dma_semaphore, #tpu.memory_space<semaphore_mem>>
      %add3A_10 = arith.constant 0 : i32
      %add3A_11 = arith.addi %add3A_10, %mul3A_6 : i32
      %select_n3A = arith.constant true
      %select_n3A_12 = arith.constant 0 : i32
      %select_n3A_13 = arith.constant -1 : i32
      %select_n3A_14 = arith.select %select_n3A, %select_n3A_13, %select_n3A_12 : i32
      %eq3A = arith.constant -1 : i32
      %eq3A_15 = arith.cmpi eq, %select_n3A_14, %eq3A : i32
      %select_n3A_16 = arith.constant 3 : i32
      %select_n3A_17 = arith.select %eq3A_15, %select_n3A_16, %select_n3A_14 : i32
      %add3A_18 = arith.addi %select_n3A_17, %mul3A_6 : i32
      %select_n3A_19 = arith.constant true
      %select_n3A_20 = arith.constant 0 : i32
      %select_n3A_21 = arith.constant 1 : i32
      %select_n3A_22 = arith.select %select_n3A_19, %select_n3A_21, %select_n3A_20 : i32
      %eq3A_23 = arith.constant 4 : i32
      %eq3A_24 = arith.cmpi eq, %select_n3A_22, %eq3A_23 : i32
      %select_n3A_25 = arith.constant 0 : i32
      %select_n3A_26 = arith.select %eq3A_24, %select_n3A_25, %select_n3A_22 : i32
      %add3A_27 = arith.addi %select_n3A_26, %mul3A_6 : i32
      %add3A_28 = arith.constant 1 : i32
      %add3A_29 = arith.addi %select_n3A_26, %add3A_28 : i32
      %select_n3A_30 = arith.constant true
      %select_n3A_31 = arith.select %select_n3A_30, %add3A_29, %select_n3A_26 : i32
      %eq3A_32 = arith.constant 4 : i32
      %eq3A_33 = arith.cmpi eq, %select_n3A_31, %eq3A_32 : i32
      %select_n3A_34 = arith.constant 0 : i32
      %select_n3A_35 = arith.select %eq3A_33, %select_n3A_34, %select_n3A_31 : i32
      %add3A_36 = arith.addi %select_n3A_35, %mul3A_6 : i32
      "tpu.trace_start"() <{level = 10 : i32, message = "ep_initialize_0"}> : () -> ()
      %rem3A = arith.constant 0 : i32
      %rem3A_37 = arith.constant 2 : i32
      %rem3A_38 = arith.remui %rem3A, %rem3A_37 : i32
      %mul3A_39 = arith.constant 1 : i32
      %mul3A_40 = arith.muli %mul3A_39, %add3A_11 : i32
      %dma_start3A = arith.constant 0 : i32
      %dma_start3A_41 = arith.constant 0 : i32
      %dma_start3A_42 = tpu.memref_slice %run_scoped3A[%rem3A_38, %dma_start3A, %dma_start3A_41] : memref<2x1x3200xi32, #tpu.memory_space<vmem>> -> memref<1x1x3200xi32, #tpu.memory_space<vmem>>
      %dma_start3A_43 = tpu.memref_squeeze %dma_start3A_42 : memref<1x1x3200xi32, #tpu.memory_space<vmem>> -> memref<1x3200xi32, #tpu.memory_space<vmem>>
      %dma_start3A_44 = arith.constant 0 : i32
      %dma_start3A_45 = tpu.memref_slice %arg3[%mul3A_40, %dma_start3A_44] : memref<128x3200xi32, #tpu.memory_space<hbm>> -> memref<1x3200xi32, #tpu.memory_space<hbm>>
      %dma_start3A_46 = tpu.memref_slice %run_scoped3A_7[%rem3A_38] : memref<2x!tpu.dma_semaphore, #tpu.memory_space<semaphore_mem>> -> memref<1x!tpu.dma_semaphore, #tpu.memory_space<semaphore_mem>>
      %dma_start3A_47 = tpu.memref_squeeze %dma_start3A_46 : memref<1x!tpu.dma_semaphore, #tpu.memory_space<semaphore_mem>> -> memref<!tpu.dma_semaphore, #tpu.memory_space<semaphore_mem>>
      %dma_start3A_48 = arith.constant 0 : i32
      %dma_start3A_49 = arith.constant 0 : i32
      %dma_start3A_50 = tpu.memref_slice %run_scoped3A[%rem3A_38, %dma_start3A_48, %dma_start3A_49] : memref<2x1x3200xi32, #tpu.memory_space<vmem>> -> memref<1x1x3200xi32, #tpu.memory_space<vmem>>
      %dma_start3A_51 = tpu.memref_squeeze %dma_start3A_50 : memref<1x1x3200xi32, #tpu.memory_space<vmem>> -> memref<1x3200xi32, #tpu.memory_space<vmem>>
      %dma_start3A_52 = arith.constant 0 : i32
      %dma_start3A_53 = tpu.memref_slice %arg3[%mul3A_40, %dma_start3A_52] : memref<128x3200xi32, #tpu.memory_space<hbm>> -> memref<1x3200xi32, #tpu.memory_space<hbm>>
      tpu.enqueue_dma source(%dma_start3A_53 : memref<1x3200xi32, #tpu.memory_space<hbm>>) target(%dma_start3A_51 : memref<1x3200xi32, #tpu.memory_space<vmem>>) target_semaphore(%dma_start3A_47 : memref<!tpu.dma_semaphore, #tpu.memory_space<semaphore_mem>>)
      %add3A_54 = arith.constant 0 : i32
      %add3A_55 = arith.constant 1 : i32
      %add3A_56 = arith.addi %add3A_54, %add3A_55 : i32
      %select_n3A_57 = arith.constant true
      %select_n3A_58 = arith.constant 0 : i32
      %select_n3A_59 = arith.select %select_n3A_57, %add3A_56, %select_n3A_58 : i32
      "tpu.trace_stop"() : () -> ()
      %scan3A = arith.constant 0 : i32
      %scan3A_60 = arith.constant 0 : i32
      %scan3A_61 = arith.constant 0 : i32
      %scan3A_62 = arith.constant 0 : i32
      %scan3A_63 = arith.constant 0 : i32
      %scan3A_64 = arith.constant 4 : i32
      %scan3A_65 = arith.addi %scan3A_63, %scan3A_64 : i32
      %scan3A_66 = arith.constant 1 : i32
      %scan3A_67:5 = scf.for %scan3A_121 = %scan3A_63 to %scan3A_65 step %scan3A_66 iter_args(%scan3A_122 = %select_n3A_59, %scan3A_123 = %scan3A, %scan3A_124 = %scan3A_60, %scan3A_125 = %scan3A_61, %scan3A_126 = %scan3A_62) -> (i32, i32, i32, i32, i32)  : i32 {
        %eq3A_127 = arith.constant 0 : i32
        %eq3A_128 = arith.cmpi eq, %scan3A_121, %eq3A_127 : i32
        %eq3A_129 = arith.constant 3 : i32
        %eq3A_130 = arith.cmpi eq, %scan3A_121, %eq3A_129 : i32
        %add3A_131 = arith.addi %scan3A_126, %mul3A_6 : i32
        %sub3A_132 = arith.constant 1 : i32
        %sub3A_133 = arith.subi %scan3A_126, %sub3A_132 : i32
        %select_n3A_134 = arith.constant true
        %select_n3A_135 = arith.select %select_n3A_134, %sub3A_133, %scan3A_126 : i32
        %eq3A_136 = arith.constant -1 : i32
        %eq3A_137 = arith.cmpi eq, %select_n3A_135, %eq3A_136 : i32
        %select_n3A_138 = arith.constant 3 : i32
        %select_n3A_139 = arith.select %eq3A_137, %select_n3A_138, %select_n3A_135 : i32
        %add3A_140 = arith.addi %select_n3A_139, %mul3A_6 : i32
        %add3A_141 = arith.constant 1 : i32
        %add3A_142 = arith.addi %scan3A_126, %add3A_141 : i32
        %select_n3A_143 = arith.constant true
        %select_n3A_144 = arith.select %select_n3A_143, %add3A_142, %scan3A_126 : i32
        %eq3A_145 = arith.constant 4 : i32
        %eq3A_146 = arith.cmpi eq, %select_n3A_144, %eq3A_145 : i32
        %select_n3A_147 = arith.constant 0 : i32
        %select_n3A_148 = arith.select %eq3A_146, %select_n3A_147, %select_n3A_144 : i32
        %add3A_149 = arith.addi %select_n3A_148, %mul3A_6 : i32
        %add3A_150 = arith.constant 1 : i32
        %add3A_151 = arith.addi %select_n3A_148, %add3A_150 : i32
        %select_n3A_152 = arith.constant true
        %select_n3A_153 = arith.select %select_n3A_152, %add3A_151, %select_n3A_148 : i32
        %eq3A_154 = arith.constant 4 : i32
        %eq3A_155 = arith.cmpi eq, %select_n3A_153, %eq3A_154 : i32
        %select_n3A_156 = arith.constant 0 : i32
        %select_n3A_157 = arith.select %eq3A_155, %select_n3A_156, %select_n3A_153 : i32
        %add3A_158 = arith.addi %select_n3A_157, %mul3A_6 : i32
        %ne3A = arith.cmpi ne, %add3A_131, %add3A_149 : i32
        %or3A = arith.constant false
        %or3A_159 = arith.ori %or3A, %ne3A : i1
        %or3A_160 = arith.constant false
        %or3A_161 = arith.ori %or3A_159, %or3A_160 : i1
        %ge3A = arith.constant 3 : i32
        %ge3A_162 = arith.cmpi sge, %scan3A_121, %ge3A : i32
        %not3A = arith.constant true
        %not3A_163 = arith.xori %ge3A_162, %not3A : i1
        %and3A = arith.andi %or3A_161, %not3A_163 : i1
        %convert_element_type3A = arith.extui %and3A : i1 to i32
        %cond3A = arith.constant 0 : i32
        %cond3A_164 = arith.cmpi ne, %convert_element_type3A, %cond3A : i32
        scf.if %cond3A_164 {
          "tpu.trace_start"() <{level = 10 : i32, message = "ep_copy_in"}> : () -> ()
          %rem3A_274 = arith.constant 2 : i32
          %rem3A_275 = arith.remui %scan3A_122, %rem3A_274 : i32
          %mul3A_276 = arith.constant 1 : i32
          %mul3A_277 = arith.muli %mul3A_276, %add3A_149 : i32
          %dma_start3A_278 = arith.constant 0 : i32
          %dma_start3A_279 = arith.constant 0 : i32
          %dma_start3A_280 = tpu.memref_slice %run_scoped3A[%rem3A_275, %dma_start3A_278, %dma_start3A_279] : memref<2x1x3200xi32, #tpu.memory_space<vmem>> -> memref<1x1x3200xi32, #tpu.memory_space<vmem>>
          %dma_start3A_281 = tpu.memref_squeeze %dma_start3A_280 : memref<1x1x3200xi32, #tpu.memory_space<vmem>> -> memref<1x3200xi32, #tpu.memory_space<vmem>>
          %dma_start3A_282 = arith.constant 0 : i32
          %dma_start3A_283 = tpu.memref_slice %arg3[%mul3A_277, %dma_start3A_282] : memref<128x3200xi32, #tpu.memory_space<hbm>> -> memref<1x3200xi32, #tpu.memory_space<hbm>>
          %dma_start3A_284 = tpu.memref_slice %run_scoped3A_7[%rem3A_275] : memref<2x!tpu.dma_semaphore, #tpu.memory_space<semaphore_mem>> -> memref<1x!tpu.dma_semaphore, #tpu.memory_space<semaphore_mem>>
          %dma_start3A_285 = tpu.memref_squeeze %dma_start3A_284 : memref<1x!tpu.dma_semaphore, #tpu.memory_space<semaphore_mem>> -> memref<!tpu.dma_semaphore, #tpu.memory_space<semaphore_mem>>
          %dma_start3A_286 = arith.constant 0 : i32
          %dma_start3A_287 = arith.constant 0 : i32
          %dma_start3A_288 = tpu.memref_slice %run_scoped3A[%rem3A_275, %dma_start3A_286, %dma_start3A_287] : memref<2x1x3200xi32, #tpu.memory_space<vmem>> -> memref<1x1x3200xi32, #tpu.memory_space<vmem>>
          %dma_start3A_289 = tpu.memref_squeeze %dma_start3A_288 : memref<1x1x3200xi32, #tpu.memory_space<vmem>> -> memref<1x3200xi32, #tpu.memory_space<vmem>>
          %dma_start3A_290 = arith.constant 0 : i32
          %dma_start3A_291 = tpu.memref_slice %arg3[%mul3A_277, %dma_start3A_290] : memref<128x3200xi32, #tpu.memory_space<hbm>> -> memref<1x3200xi32, #tpu.memory_space<hbm>>
          tpu.enqueue_dma source(%dma_start3A_291 : memref<1x3200xi32, #tpu.memory_space<hbm>>) target(%dma_start3A_289 : memref<1x3200xi32, #tpu.memory_space<vmem>>) target_semaphore(%dma_start3A_285 : memref<!tpu.dma_semaphore, #tpu.memory_space<semaphore_mem>>)
          "tpu.trace_stop"() : () -> ()
        } else {
        }
        %and3A_165 = arith.constant true
        %and3A_166 = arith.andi %and3A, %and3A_165 : i1
        %add3A_167 = arith.constant 1 : i32
        %add3A_168 = arith.addi %scan3A_122, %add3A_167 : i32
        %select_n3A_169 = arith.select %and3A_166, %add3A_168, %scan3A_122 : i32
        %ne3A_170 = arith.cmpi ne, %add3A_131, %add3A_149 : i32
        %or3A_171 = arith.constant false
        %or3A_172 = arith.ori %or3A_171, %ne3A_170 : i1
        %or3A_173 = arith.constant false
        %or3A_174 = arith.ori %or3A_172, %or3A_173 : i1
        %ge3A_175 = arith.constant 3 : i32
        %ge3A_176 = arith.cmpi sge, %scan3A_121, %ge3A_175 : i32
        %not3A_177 = arith.constant true
        %not3A_178 = arith.xori %ge3A_176, %not3A_177 : i1
        %and3A_179 = arith.andi %or3A_174, %not3A_178 : i1
        %ne3A_180 = arith.cmpi ne, %add3A_131, %add3A_140 : i32
        %or3A_181 = arith.constant false
        %or3A_182 = arith.ori %or3A_181, %ne3A_180 : i1
        %or3A_183 = arith.constant false
        %or3A_184 = arith.ori %or3A_182, %or3A_183 : i1
        %or3A_185 = arith.ori %or3A_184, %eq3A_128 : i1
        %convert_element_type3A_186 = arith.extui %or3A_185 : i1 to i32
        %cond3A_187 = arith.constant 0 : i32
        %cond3A_188 = arith.cmpi ne, %convert_element_type3A_186, %cond3A_187 : i32
        scf.if %cond3A_188 {
          "tpu.trace_start"() <{level = 10 : i32, message = "ep_wait_in"}> : () -> ()
          %mul3A_274 = arith.constant 1 : i32
          %mul3A_275 = arith.muli %mul3A_274, %add3A_131 : i32
          %rem3A_276 = arith.constant 2 : i32
          %rem3A_277 = arith.remui %scan3A_123, %rem3A_276 : i32
          %dma_wait3A_278 = arith.constant 0 : i32
          %dma_wait3A_279 = arith.constant 0 : i32
          %dma_wait3A_280 = tpu.memref_slice %run_scoped3A[%rem3A_277, %dma_wait3A_278, %dma_wait3A_279] : memref<2x1x3200xi32, #tpu.memory_space<vmem>> -> memref<1x1x3200xi32, #tpu.memory_space<vmem>>
          %dma_wait3A_281 = tpu.memref_squeeze %dma_wait3A_280 : memref<1x1x3200xi32, #tpu.memory_space<vmem>> -> memref<1x3200xi32, #tpu.memory_space<vmem>>
          %dma_wait3A_282 = arith.constant 0 : i32
          %dma_wait3A_283 = tpu.memref_slice %arg3[%mul3A_275, %dma_wait3A_282] : memref<128x3200xi32, #tpu.memory_space<hbm>> -> memref<1x3200xi32, #tpu.memory_space<hbm>>
          %dma_wait3A_284 = tpu.memref_slice %run_scoped3A_7[%rem3A_277] : memref<2x!tpu.dma_semaphore, #tpu.memory_space<semaphore_mem>> -> memref<1x!tpu.dma_semaphore, #tpu.memory_space<semaphore_mem>>
          %dma_wait3A_285 = tpu.memref_squeeze %dma_wait3A_284 : memref<1x!tpu.dma_semaphore, #tpu.memory_space<semaphore_mem>> -> memref<!tpu.dma_semaphore, #tpu.memory_space<semaphore_mem>>
          %dma_wait3A_286 = arith.constant 0 : i32
          %dma_wait3A_287 = arith.constant 0 : i32
          %dma_wait3A_288 = tpu.memref_slice %run_scoped3A[%rem3A_277, %dma_wait3A_286, %dma_wait3A_287] : memref<2x1x3200xi32, #tpu.memory_space<vmem>> -> memref<1x1x3200xi32, #tpu.memory_space<vmem>>
          %dma_wait3A_289 = tpu.memref_squeeze %dma_wait3A_288 : memref<1x1x3200xi32, #tpu.memory_space<vmem>> -> memref<1x3200xi32, #tpu.memory_space<vmem>>
          %dma_wait3A_290 = arith.constant 0 : i32
          %dma_wait3A_291 = tpu.memref_slice %arg3[%mul3A_275, %dma_wait3A_290] : memref<128x3200xi32, #tpu.memory_space<hbm>> -> memref<1x3200xi32, #tpu.memory_space<hbm>>
          tpu.wait_dma2 semaphore(%dma_wait3A_285 : memref<!tpu.dma_semaphore, #tpu.memory_space<semaphore_mem>>) src(%dma_wait3A_291 : memref<1x3200xi32, #tpu.memory_space<hbm>>) dst(%dma_wait3A_289 : memref<1x3200xi32, #tpu.memory_space<vmem>>)
          "tpu.trace_stop"() : () -> ()
        } else {
        }
        %ne3A_189 = arith.cmpi ne, %add3A_131, %add3A_140 : i32
        %or3A_190 = arith.constant false
        %or3A_191 = arith.ori %or3A_190, %ne3A_189 : i1
        %or3A_192 = arith.constant false
        %or3A_193 = arith.ori %or3A_191, %or3A_192 : i1
        %or3A_194 = arith.ori %or3A_193, %eq3A_128 : i1
        %convert_element_type3A_195 = arith.extui %or3A_194 : i1 to i32
        %cond3A_196 = arith.constant 0 : i32
        %cond3A_197 = arith.cmpi ne, %convert_element_type3A_195, %cond3A_196 : i32
        scf.if %cond3A_197 {
        } else {
        }
        %rem3A_198 = arith.constant 2 : i32
        %rem3A_199 = arith.remui %scan3A_123, %rem3A_198 : i32
        %rem3A_200 = arith.constant 2 : i32
        %rem3A_201 = arith.remui %scan3A_124, %rem3A_200 : i32
        %run_scoped3A_202 = arith.constant 0 : i32
        "tpu.trace_start"() <{level = 10 : i32, message = "ep_run_kernel"}> : () -> ()
        "tpu.region"() ({
          %run_scoped3A_274 = tpu.sem_alloc : memref<!tpu.dma_semaphore, #tpu.memory_space<semaphore_mem>>
          %dma_start3A_275 = arith.constant 0 : i32
          %dma_start3A_276 = arith.constant 0 : i32
          %dma_start3A_277 = tpu.memref_slice %run_scoped3A_8[%rem3A_201, %dma_start3A_275, %dma_start3A_276] : memref<2x3200x16xf32, #tpu.memory_space<vmem>> -> memref<1x3200x16xf32, #tpu.memory_space<vmem>>
          %dma_start3A_278 = tpu.memref_squeeze %dma_start3A_277 : memref<1x3200x16xf32, #tpu.memory_space<vmem>> -> memref<3200x16xf32, #tpu.memory_space<vmem>>
          %dma_start3A_279 = arith.constant 0 : i32
          %dma_start3A_280 = arith.constant 0 : i32
          %dma_start3A_281 = tpu.memref_slice %run_scoped3A[%rem3A_199, %dma_start3A_279, %dma_start3A_280] : memref<2x1x3200xi32, #tpu.memory_space<vmem>> -> memref<1x1x3200xi32, #tpu.memory_space<vmem>>
          %dma_start3A_282 = tpu.memref_squeeze %dma_start3A_281 : memref<1x1x3200xi32, #tpu.memory_space<vmem>> -> memref<1x3200xi32, #tpu.memory_space<vmem>>
          %dma_start3A_283 = arith.constant 0 : i32
          %dma_start3A_284 = tpu.memref_slice %dma_start3A_282[%run_scoped3A_202, %dma_start3A_283] : memref<1x3200xi32, #tpu.memory_space<vmem>> -> memref<1x3200xi32, #tpu.memory_space<vmem>>
          %dma_start3A_285 = tpu.memref_squeeze %dma_start3A_284 : memref<1x3200xi32, #tpu.memory_space<vmem>> -> memref<3200xi32, #tpu.memory_space<vmem>>
          %dma_start3A_286 = arith.constant 0 : i32
          %dma_start3A_287 = arith.constant 0 : i32
          %dma_start3A_288 = tpu.memref_slice %arg2[%dma_start3A_286, %dma_start3A_287] : memref<100000x16xf32, #tpu.memory_space<hbm>> -> memref<100000x16xf32, #tpu.memory_space<hbm>>
          tpu.enqueue_indirect_dma source(%dma_start3A_288 : memref<100000x16xf32, #tpu.memory_space<hbm>>) target(%dma_start3A_278 : memref<3200x16xf32, #tpu.memory_space<vmem>>) offsets(%dma_start3A_285 : memref<3200xi32, #tpu.memory_space<vmem>>) semaphore(%run_scoped3A_274 : memref<!tpu.dma_semaphore, #tpu.memory_space<semaphore_mem>>)
          %dma_wait3A_289 = arith.constant 0 : i32
          %dma_wait3A_290 = arith.constant 0 : i32
          %dma_wait3A_291 = tpu.memref_slice %run_scoped3A_8[%rem3A_201, %dma_wait3A_289, %dma_wait3A_290] : memref<2x3200x16xf32, #tpu.memory_space<vmem>> -> memref<1x3200x16xf32, #tpu.memory_space<vmem>>
          %dma_wait3A_292 = tpu.memref_squeeze %dma_wait3A_291 : memref<1x3200x16xf32, #tpu.memory_space<vmem>> -> memref<3200x16xf32, #tpu.memory_space<vmem>>
          %dma_wait3A_293 = arith.constant 0 : i32
          %dma_wait3A_294 = arith.constant 0 : i32
          %dma_wait3A_295 = tpu.memref_slice %run_scoped3A[%rem3A_199, %dma_wait3A_293, %dma_wait3A_294] : memref<2x1x3200xi32, #tpu.memory_space<vmem>> -> memref<1x1x3200xi32, #tpu.memory_space<vmem>>
          %dma_wait3A_296 = tpu.memref_squeeze %dma_wait3A_295 : memref<1x1x3200xi32, #tpu.memory_space<vmem>> -> memref<1x3200xi32, #tpu.memory_space<vmem>>
          %dma_wait3A_297 = arith.constant 0 : i32
          %dma_wait3A_298 = tpu.memref_slice %dma_wait3A_296[%run_scoped3A_202, %dma_wait3A_297] : memref<1x3200xi32, #tpu.memory_space<vmem>> -> memref<1x3200xi32, #tpu.memory_space<vmem>>
          %dma_wait3A_299 = tpu.memref_squeeze %dma_wait3A_298 : memref<1x3200xi32, #tpu.memory_space<vmem>> -> memref<3200xi32, #tpu.memory_space<vmem>>
          %dma_wait3A_300 = arith.constant 0 : i32
          %dma_wait3A_301 = arith.constant 0 : i32
          %dma_wait3A_302 = tpu.memref_slice %arg2[%dma_wait3A_300, %dma_wait3A_301] : memref<100000x16xf32, #tpu.memory_space<hbm>> -> memref<100000x16xf32, #tpu.memory_space<hbm>>
          tpu.wait_indirect_dma semaphore(%run_scoped3A_274 : memref<!tpu.dma_semaphore, #tpu.memory_space<semaphore_mem>>) src(%dma_wait3A_302 : memref<100000x16xf32, #tpu.memory_space<hbm>>) dst(%dma_wait3A_292 : memref<3200x16xf32, #tpu.memory_space<vmem>>)
          tpu.yield
        }) : () -> ()
        "tpu.trace_stop"() : () -> ()
        %ne3A_203 = arith.cmpi ne, %add3A_131, %add3A_149 : i32
        %or3A_204 = arith.constant false
        %or3A_205 = arith.ori %or3A_204, %ne3A_203 : i1
        %or3A_206 = arith.constant false
        %or3A_207 = arith.ori %or3A_205, %or3A_206 : i1
        %or3A_208 = arith.ori %or3A_207, %eq3A_130 : i1
        %convert_element_type3A_209 = arith.extui %or3A_208 : i1 to i32
        %cond3A_210 = arith.constant 0 : i32
        %cond3A_211 = arith.cmpi ne, %convert_element_type3A_209, %cond3A_210 : i32
        scf.if %cond3A_211 {
        } else {
        }
        %and3A_212 = arith.constant false
        %and3A_213 = arith.andi %or3A_208, %and3A_212 : i1
        %ne3A_214 = arith.cmpi ne, %add3A_131, %add3A_149 : i32
        %or3A_215 = arith.constant false
        %or3A_216 = arith.ori %or3A_215, %ne3A_214 : i1
        %or3A_217 = arith.constant false
        %or3A_218 = arith.ori %or3A_216, %or3A_217 : i1
        %or3A_219 = arith.ori %or3A_218, %eq3A_130 : i1
        %convert_element_type3A_220 = arith.extui %or3A_219 : i1 to i32
        %cond3A_221 = arith.constant 0 : i32
        %cond3A_222 = arith.cmpi ne, %convert_element_type3A_220, %cond3A_221 : i32
        scf.if %cond3A_222 {
          "tpu.trace_start"() <{level = 10 : i32, message = "ep_copy_out"}> : () -> ()
          %rem3A_274 = arith.constant 2 : i32
          %rem3A_275 = arith.remui %scan3A_124, %rem3A_274 : i32
          %mul3A_276 = arith.constant 3200 : i32
          %mul3A_277 = arith.muli %mul3A_276, %add3A_131 : i32
          %dma_start3A_278 = arith.constant 0 : i32
          %dma_start3A_279 = arith.constant 0 : i32
          %dma_start3A_280 = tpu.memref_slice %run_scoped3A_8[%rem3A_275, %dma_start3A_278, %dma_start3A_279] : memref<2x3200x16xf32, #tpu.memory_space<vmem>> -> memref<1x3200x16xf32, #tpu.memory_space<vmem>>
          %dma_start3A_281 = tpu.memref_squeeze %dma_start3A_280 : memref<1x3200x16xf32, #tpu.memory_space<vmem>> -> memref<3200x16xf32, #tpu.memory_space<vmem>>
          %dma_start3A_282 = arith.constant 0 : i32
          %dma_start3A_283 = tpu.memref_slice %arg4[%mul3A_277, %dma_start3A_282] : memref<409600x16xf32, #tpu.memory_space<hbm>> -> memref<3200x16xf32, #tpu.memory_space<hbm>>
          %dma_start3A_284 = tpu.memref_slice %run_scoped3A_9[%rem3A_275] : memref<2x!tpu.dma_semaphore, #tpu.memory_space<semaphore_mem>> -> memref<1x!tpu.dma_semaphore, #tpu.memory_space<semaphore_mem>>
          %dma_start3A_285 = tpu.memref_squeeze %dma_start3A_284 : memref<1x!tpu.dma_semaphore, #tpu.memory_space<semaphore_mem>> -> memref<!tpu.dma_semaphore, #tpu.memory_space<semaphore_mem>>
          %dma_start3A_286 = arith.constant 0 : i32
          %dma_start3A_287 = tpu.memref_slice %arg4[%mul3A_277, %dma_start3A_286] : memref<409600x16xf32, #tpu.memory_space<hbm>> -> memref<3200x16xf32, #tpu.memory_space<hbm>>
          %dma_start3A_288 = arith.constant 0 : i32
          %dma_start3A_289 = arith.constant 0 : i32
          %dma_start3A_290 = tpu.memref_slice %run_scoped3A_8[%rem3A_275, %dma_start3A_288, %dma_start3A_289] : memref<2x3200x16xf32, #tpu.memory_space<vmem>> -> memref<1x3200x16xf32, #tpu.memory_space<vmem>>
          %dma_start3A_291 = tpu.memref_squeeze %dma_start3A_290 : memref<1x3200x16xf32, #tpu.memory_space<vmem>> -> memref<3200x16xf32, #tpu.memory_space<vmem>>
          tpu.enqueue_dma source(%dma_start3A_291 : memref<3200x16xf32, #tpu.memory_space<vmem>>) target(%dma_start3A_287 : memref<3200x16xf32, #tpu.memory_space<hbm>>) target_semaphore(%dma_start3A_285 : memref<!tpu.dma_semaphore, #tpu.memory_space<semaphore_mem>>)
          "tpu.trace_stop"() : () -> ()
        } else {
        }
        %and3A_223 = arith.constant true
        %and3A_224 = arith.andi %or3A_219, %and3A_223 : i1
        %add3A_225 = arith.constant 1 : i32
        %add3A_226 = arith.addi %scan3A_124, %add3A_225 : i32
        %select_n3A_227 = arith.select %and3A_224, %add3A_226, %scan3A_124 : i32
        %ne3A_228 = arith.cmpi ne, %add3A_131, %add3A_140 : i32
        %or3A_229 = arith.constant false
        %or3A_230 = arith.ori %or3A_229, %ne3A_228 : i1
        %or3A_231 = arith.constant false
        %or3A_232 = arith.ori %or3A_230, %or3A_231 : i1
        %not3A_233 = arith.constant true
        %not3A_234 = arith.xori %eq3A_128, %not3A_233 : i1
        %and3A_235 = arith.andi %or3A_232, %not3A_234 : i1
        %convert_element_type3A_236 = arith.extui %and3A_235 : i1 to i32
        %cond3A_237 = arith.constant 0 : i32
        %cond3A_238 = arith.cmpi ne, %convert_element_type3A_236, %cond3A_237 : i32
        scf.if %cond3A_238 {
        } else {
        }
        %and3A_239 = arith.constant false
        %and3A_240 = arith.andi %and3A_235, %and3A_239 : i1
        %ne3A_241 = arith.cmpi ne, %add3A_131, %add3A_140 : i32
        %or3A_242 = arith.constant false
        %or3A_243 = arith.ori %or3A_242, %ne3A_241 : i1
        %or3A_244 = arith.constant false
        %or3A_245 = arith.ori %or3A_243, %or3A_244 : i1
        %not3A_246 = arith.constant true
        %not3A_247 = arith.xori %eq3A_128, %not3A_246 : i1
        %and3A_248 = arith.andi %or3A_245, %not3A_247 : i1
        %convert_element_type3A_249 = arith.extui %and3A_248 : i1 to i32
        %cond3A_250 = arith.constant 0 : i32
        %cond3A_251 = arith.cmpi ne, %convert_element_type3A_249, %cond3A_250 : i32
        scf.if %cond3A_251 {
          "tpu.trace_start"() <{level = 10 : i32, message = "ep_wait_out"}> : () -> ()
          %rem3A_274 = arith.constant 2 : i32
          %rem3A_275 = arith.remui %scan3A_125, %rem3A_274 : i32
          %mul3A_276 = arith.constant 3200 : i32
          %mul3A_277 = arith.muli %mul3A_276, %add3A_140 : i32
          %dma_wait3A_278 = arith.constant 0 : i32
          %dma_wait3A_279 = arith.constant 0 : i32
          %dma_wait3A_280 = tpu.memref_slice %run_scoped3A_8[%rem3A_275, %dma_wait3A_278, %dma_wait3A_279] : memref<2x3200x16xf32, #tpu.memory_space<vmem>> -> memref<1x3200x16xf32, #tpu.memory_space<vmem>>
          %dma_wait3A_281 = tpu.memref_squeeze %dma_wait3A_280 : memref<1x3200x16xf32, #tpu.memory_space<vmem>> -> memref<3200x16xf32, #tpu.memory_space<vmem>>
          %dma_wait3A_282 = arith.constant 0 : i32
          %dma_wait3A_283 = tpu.memref_slice %arg4[%mul3A_277, %dma_wait3A_282] : memref<409600x16xf32, #tpu.memory_space<hbm>> -> memref<3200x16xf32, #tpu.memory_space<hbm>>
          %dma_wait3A_284 = tpu.memref_slice %run_scoped3A_9[%rem3A_275] : memref<2x!tpu.dma_semaphore, #tpu.memory_space<semaphore_mem>> -> memref<1x!tpu.dma_semaphore, #tpu.memory_space<semaphore_mem>>
          %dma_wait3A_285 = tpu.memref_squeeze %dma_wait3A_284 : memref<1x!tpu.dma_semaphore, #tpu.memory_space<semaphore_mem>> -> memref<!tpu.dma_semaphore, #tpu.memory_space<semaphore_mem>>
          %dma_wait3A_286 = arith.constant 0 : i32
          %dma_wait3A_287 = tpu.memref_slice %arg4[%mul3A_277, %dma_wait3A_286] : memref<409600x16xf32, #tpu.memory_space<hbm>> -> memref<3200x16xf32, #tpu.memory_space<hbm>>
          %dma_wait3A_288 = arith.constant 0 : i32
          %dma_wait3A_289 = arith.constant 0 : i32
          %dma_wait3A_290 = tpu.memref_slice %run_scoped3A_8[%rem3A_275, %dma_wait3A_288, %dma_wait3A_289] : memref<2x3200x16xf32, #tpu.memory_space<vmem>> -> memref<1x3200x16xf32, #tpu.memory_space<vmem>>
          %dma_wait3A_291 = tpu.memref_squeeze %dma_wait3A_290 : memref<1x3200x16xf32, #tpu.memory_space<vmem>> -> memref<3200x16xf32, #tpu.memory_space<vmem>>
          tpu.wait_dma2 semaphore(%dma_wait3A_285 : memref<!tpu.dma_semaphore, #tpu.memory_space<semaphore_mem>>) src(%dma_wait3A_291 : memref<3200x16xf32, #tpu.memory_space<vmem>>) dst(%dma_wait3A_287 : memref<3200x16xf32, #tpu.memory_space<hbm>>)
          "tpu.trace_stop"() : () -> ()
        } else {
        }
        %and3A_252 = arith.constant true
        %and3A_253 = arith.andi %and3A_248, %and3A_252 : i1
        %add3A_254 = arith.constant 1 : i32
        %add3A_255 = arith.addi %scan3A_125, %add3A_254 : i32
        %select_n3A_256 = arith.select %and3A_253, %add3A_255, %scan3A_125 : i32
        %ne3A_257 = arith.cmpi ne, %add3A_131, %add3A_149 : i32
        %or3A_258 = arith.constant false
        %or3A_259 = arith.ori %or3A_258, %ne3A_257 : i1
        %or3A_260 = arith.constant false
        %or3A_261 = arith.ori %or3A_259, %or3A_260 : i1
        %or3A_262 = arith.ori %or3A_261, %eq3A_130 : i1
        %add3A_263 = arith.constant 1 : i32
        %add3A_264 = arith.addi %scan3A_123, %add3A_263 : i32
        %select_n3A_265 = arith.select %or3A_262, %add3A_264, %scan3A_123 : i32
        %add3A_266 = arith.constant 1 : i32
        %add3A_267 = arith.addi %scan3A_126, %add3A_266 : i32
        %select_n3A_268 = arith.constant true
        %select_n3A_269 = arith.select %select_n3A_268, %add3A_267, %scan3A_126 : i32
        %eq3A_270 = arith.constant 4 : i32
        %eq3A_271 = arith.cmpi eq, %select_n3A_269, %eq3A_270 : i32
        %select_n3A_272 = arith.constant 0 : i32
        %select_n3A_273 = arith.select %eq3A_271, %select_n3A_272, %select_n3A_269 : i32
        scf.yield %select_n3A_169, %select_n3A_265, %select_n3A_227, %select_n3A_256, %select_n3A_273 : i32, i32, i32, i32, i32
      }
      %scan3A_68 = arith.constant 4 : i32
      %sub3A = arith.constant 1 : i32
      %sub3A_69 = arith.subi %scan3A_67#4, %sub3A : i32
      %select_n3A_70 = arith.constant true
      %select_n3A_71 = arith.select %select_n3A_70, %sub3A_69, %scan3A_67#4 : i32
      %eq3A_72 = arith.constant -1 : i32
      %eq3A_73 = arith.cmpi eq, %select_n3A_71, %eq3A_72 : i32
      %select_n3A_74 = arith.constant 3 : i32
      %select_n3A_75 = arith.select %eq3A_73, %select_n3A_74, %select_n3A_71 : i32
      %add3A_76 = arith.addi %select_n3A_75, %mul3A_6 : i32
      %sub3A_77 = arith.constant 1 : i32
      %sub3A_78 = arith.subi %select_n3A_75, %sub3A_77 : i32
      %select_n3A_79 = arith.constant true
      %select_n3A_80 = arith.select %select_n3A_79, %sub3A_78, %select_n3A_75 : i32
      %eq3A_81 = arith.constant -1 : i32
      %eq3A_82 = arith.cmpi eq, %select_n3A_80, %eq3A_81 : i32
      %select_n3A_83 = arith.constant 3 : i32
      %select_n3A_84 = arith.select %eq3A_82, %select_n3A_83, %select_n3A_80 : i32
      %add3A_85 = arith.addi %select_n3A_84, %mul3A_6 : i32
      %add3A_86 = arith.constant 1 : i32
      %add3A_87 = arith.addi %select_n3A_75, %add3A_86 : i32
      %select_n3A_88 = arith.constant true
      %select_n3A_89 = arith.select %select_n3A_88, %add3A_87, %select_n3A_75 : i32
      %eq3A_90 = arith.constant 4 : i32
      %eq3A_91 = arith.cmpi eq, %select_n3A_89, %eq3A_90 : i32
      %select_n3A_92 = arith.constant 0 : i32
      %select_n3A_93 = arith.select %eq3A_91, %select_n3A_92, %select_n3A_89 : i32
      %add3A_94 = arith.addi %select_n3A_93, %mul3A_6 : i32
      %add3A_95 = arith.constant 1 : i32
      %add3A_96 = arith.addi %select_n3A_93, %add3A_95 : i32
      %select_n3A_97 = arith.constant true
      %select_n3A_98 = arith.select %select_n3A_97, %add3A_96, %select_n3A_93 : i32
      %eq3A_99 = arith.constant 4 : i32
      %eq3A_100 = arith.cmpi eq, %select_n3A_98, %eq3A_99 : i32
      %select_n3A_101 = arith.constant 0 : i32
      %select_n3A_102 = arith.select %eq3A_100, %select_n3A_101, %select_n3A_98 : i32
      %add3A_103 = arith.addi %select_n3A_102, %mul3A_6 : i32
      "tpu.trace_start"() <{level = 10 : i32, message = "ep_finalize"}> : () -> ()
      %rem3A_104 = arith.constant 2 : i32
      %rem3A_105 = arith.remui %scan3A_67#3, %rem3A_104 : i32
      %mul3A_106 = arith.constant 3200 : i32
      %mul3A_107 = arith.muli %mul3A_106, %add3A_76 : i32
      %dma_wait3A = arith.constant 0 : i32
      %dma_wait3A_108 = arith.constant 0 : i32
      %dma_wait3A_109 = tpu.memref_slice %run_scoped3A_8[%rem3A_105, %dma_wait3A, %dma_wait3A_108] : memref<2x3200x16xf32, #tpu.memory_space<vmem>> -> memref<1x3200x16xf32, #tpu.memory_space<vmem>>
      %dma_wait3A_110 = tpu.memref_squeeze %dma_wait3A_109 : memref<1x3200x16xf32, #tpu.memory_space<vmem>> -> memref<3200x16xf32, #tpu.memory_space<vmem>>
      %dma_wait3A_111 = arith.constant 0 : i32
      %dma_wait3A_112 = tpu.memref_slice %arg4[%mul3A_107, %dma_wait3A_111] : memref<409600x16xf32, #tpu.memory_space<hbm>> -> memref<3200x16xf32, #tpu.memory_space<hbm>>
      %dma_wait3A_113 = tpu.memref_slice %run_scoped3A_9[%rem3A_105] : memref<2x!tpu.dma_semaphore, #tpu.memory_space<semaphore_mem>> -> memref<1x!tpu.dma_semaphore, #tpu.memory_space<semaphore_mem>>
      %dma_wait3A_114 = tpu.memref_squeeze %dma_wait3A_113 : memref<1x!tpu.dma_semaphore, #tpu.memory_space<semaphore_mem>> -> memref<!tpu.dma_semaphore, #tpu.memory_space<semaphore_mem>>
      %dma_wait3A_115 = arith.constant 0 : i32
      %dma_wait3A_116 = tpu.memref_slice %arg4[%mul3A_107, %dma_wait3A_115] : memref<409600x16xf32, #tpu.memory_space<hbm>> -> memref<3200x16xf32, #tpu.memory_space<hbm>>
      %dma_wait3A_117 = arith.constant 0 : i32
      %dma_wait3A_118 = arith.constant 0 : i32
      %dma_wait3A_119 = tpu.memref_slice %run_scoped3A_8[%rem3A_105, %dma_wait3A_117, %dma_wait3A_118] : memref<2x3200x16xf32, #tpu.memory_space<vmem>> -> memref<1x3200x16xf32, #tpu.memory_space<vmem>>
      %dma_wait3A_120 = tpu.memref_squeeze %dma_wait3A_119 : memref<1x3200x16xf32, #tpu.memory_space<vmem>> -> memref<3200x16xf32, #tpu.memory_space<vmem>>
      tpu.wait_dma2 semaphore(%dma_wait3A_114 : memref<!tpu.dma_semaphore, #tpu.memory_space<semaphore_mem>>) src(%dma_wait3A_120 : memref<3200x16xf32, #tpu.memory_space<vmem>>) dst(%dma_wait3A_116 : memref<3200x16xf32, #tpu.memory_space<hbm>>)
      "tpu.trace_stop"() : () -> ()
      tpu.yield
    }) : () -> ()
    return
  }
}

#map = affine_map<(d0, d1) -> (0, 0)>
module attributes {stable_mosaic.version = 14 : i64} {
  func.func @gather_kernel(%arg0: i32, %arg1: i32, %arg2: memref<100000x16xf32, #tpu.memory_space<hbm>>, %arg3: memref<128x3200xi32, #tpu.memory_space<hbm>>, %arg4: memref<409600x16xf32, #tpu.memory_space<hbm>>) attributes {dimension_semantics = [#tpu.dimension_semantics<core_parallel>, #tpu.dimension_semantics<subcore_parallel>], iteration_bounds = array<i64: 2, 16>, scalar_prefetch = 0 : i64, scratch_operands = 0 : i64, tpu.core_type = #tpu.core_type<sc_vector_subcore>, window_params = [{transform_indices = #map}, {transform_indices = #map}, {transform_indices = #map}]} {
    %mul3A = arith.constant 1 : i32
    %mul3A_0 = arith.muli %arg1, %mul3A : i32
    %add3A = arith.constant 0 : i32
    %add3A_1 = arith.addi %add3A, %mul3A_0 : i32
    %mul3A_2 = arith.constant 16 : i32
    %mul3A_3 = arith.muli %arg0, %mul3A_2 : i32
    %add3A_4 = arith.addi %add3A_1, %mul3A_3 : i32
    %mul3A_5 = arith.constant 4 : i32
    %mul3A_6 = arith.muli %add3A_4, %mul3A_5 : i32
    "tpu.region"() ({
      %run_scoped3A = memref.alloca() : memref<2x1x3200xi32, #tpu.memory_space<vmem>>
      %run_scoped3A_7 = tpu.sem_alloc : memref<2x!tpu.dma_semaphore, #tpu.memory_space<semaphore_mem>>
      %run_scoped3A_8 = memref.alloca() : memref<2x3200x16xf32, #tpu.memory_space<vmem>>
      %run_scoped3A_9 = tpu.sem_alloc : memref<2x!tpu.dma_semaphore, #tpu.memory_space<semaphore_mem>>
      %add3A_10 = arith.constant 0 : i32
      %add3A_11 = arith.addi %add3A_10, %mul3A_6 : i32
      %select_n3A = arith.constant true
      %select_n3A_12 = arith.constant 0 : i32
      %select_n3A_13 = arith.constant -1 : i32
      %select_n3A_14 = arith.select %select_n3A, %select_n3A_13, %select_n3A_12 : i32
      %eq3A = arith.constant -1 : i32
      %eq3A_15 = arith.cmpi eq, %select_n3A_14, %eq3A : i32
      %select_n3A_16 = arith.constant 3 : i32
      %select_n3A_17 = arith.select %eq3A_15, %select_n3A_16, %select_n3A_14 : i32
      %add3A_18 = arith.addi %select_n3A_17, %mul3A_6 : i32
      %select_n3A_19 = arith.constant true
      %select_n3A_20 = arith.constant 0 : i32
      %select_n3A_21 = arith.constant 1 : i32
      %select_n3A_22 = arith.select %select_n3A_19, %select_n3A_21, %select_n3A_20 : i32
      %eq3A_23 = arith.constant 4 : i32
      %eq3A_24 = arith.cmpi eq, %select_n3A_22, %eq3A_23 : i32
      %select_n3A_25 = arith.constant 0 : i32
      %select_n3A_26 = arith.select %eq3A_24, %select_n3A_25, %select_n3A_22 : i32
      %add3A_27 = arith.addi %select_n3A_26, %mul3A_6 : i32
      %add3A_28 = arith.constant 1 : i32
      %add3A_29 = arith.addi %select_n3A_26, %add3A_28 : i32
      %select_n3A_30 = arith.constant true
      %select_n3A_31 = arith.select %select_n3A_30, %add3A_29, %select_n3A_26 : i32
      %eq3A_32 = arith.constant 4 : i32
      %eq3A_33 = arith.cmpi eq, %select_n3A_31, %eq3A_32 : i32
      %select_n3A_34 = arith.constant 0 : i32
      %select_n3A_35 = arith.select %eq3A_33, %select_n3A_34, %select_n3A_31 : i32
      %add3A_36 = arith.addi %select_n3A_35, %mul3A_6 : i32
      "tpu.trace_start"() <{level = 10 : i32, message = "ep_initialize_0"}> : () -> ()
      %rem3A = arith.constant 0 : i32
      %rem3A_37 = arith.constant 2 : i32
      %rem3A_38 = arith.remui %rem3A, %rem3A_37 : i32
      %mul3A_39 = arith.constant 1 : i32
      %mul3A_40 = arith.muli %mul3A_39, %add3A_11 : i32
      %dma_start3A = arith.constant 0 : i32
      %dma_start3A_41 = arith.constant 0 : i32
      %dma_start3A_42 = tpu.memref_slice %run_scoped3A[%rem3A_38, %dma_start3A, %dma_start3A_41] : memref<2x1x3200xi32, #tpu.memory_space<vmem>> -> memref<1x1x3200xi32, #tpu.memory_space<vmem>>
      %dma_start3A_43 = tpu.memref_squeeze %dma_start3A_42 : memref<1x1x3200xi32, #tpu.memory_space<vmem>> -> memref<1x3200xi32, #tpu.memory_space<vmem>>
      %dma_start3A_44 = arith.constant 0 : i32
      %dma_start3A_45 = tpu.memref_slice %arg3[%mul3A_40, %dma_start3A_44] : memref<128x3200xi32, #tpu.memory_space<hbm>> -> memref<1x3200xi32, #tpu.memory_space<hbm>>
      %dma_start3A_46 = tpu.memref_slice %run_scoped3A_7[%rem3A_38] : memref<2x!tpu.dma_semaphore, #tpu.memory_space<semaphore_mem>> -> memref<1x!tpu.dma_semaphore, #tpu.memory_space<semaphore_mem>>
      %dma_start3A_47 = tpu.memref_squeeze %dma_start3A_46 : memref<1x!tpu.dma_semaphore, #tpu.memory_space<semaphore_mem>> -> memref<!tpu.dma_semaphore, #tpu.memory_space<semaphore_mem>>
      %dma_start3A_48 = arith.constant 0 : i32
      %dma_start3A_49 = arith.constant 0 : i32
      %dma_start3A_50 = tpu.memref_slice %run_scoped3A[%rem3A_38, %dma_start3A_48, %dma_start3A_49] : memref<2x1x3200xi32, #tpu.memory_space<vmem>> -> memref<1x1x3200xi32, #tpu.memory_space<vmem>>
      %dma_start3A_51 = tpu.memref_squeeze %dma_start3A_50 : memref<1x1x3200xi32, #tpu.memory_space<vmem>> -> memref<1x3200xi32, #tpu.memory_space<vmem>>
      %dma_start3A_52 = arith.constant 0 : i32
      %dma_start3A_53 = tpu.memref_slice %arg3[%mul3A_40, %dma_start3A_52] : memref<128x3200xi32, #tpu.memory_space<hbm>> -> memref<1x3200xi32, #tpu.memory_space<hbm>>
      tpu.enqueue_dma source(%dma_start3A_53 : memref<1x3200xi32, #tpu.memory_space<hbm>>) target(%dma_start3A_51 : memref<1x3200xi32, #tpu.memory_space<vmem>>) target_semaphore(%dma_start3A_47 : memref<!tpu.dma_semaphore, #tpu.memory_space<semaphore_mem>>)
      %add3A_54 = arith.constant 0 : i32
      %add3A_55 = arith.constant 1 : i32
      %add3A_56 = arith.addi %add3A_54, %add3A_55 : i32
      %select_n3A_57 = arith.constant true
      %select_n3A_58 = arith.constant 0 : i32
      %select_n3A_59 = arith.select %select_n3A_57, %add3A_56, %select_n3A_58 : i32
      "tpu.trace_stop"() : () -> ()
      %scan3A = arith.constant 0 : i32
      %scan3A_60 = arith.constant 0 : i32
      %scan3A_61 = arith.constant 0 : i32
      %scan3A_62 = arith.constant 0 : i32
      %scan3A_63 = arith.constant 0 : i32
      %scan3A_64 = arith.constant 4 : i32
      %scan3A_65 = arith.addi %scan3A_63, %scan3A_64 : i32
      %scan3A_66 = arith.constant 1 : i32
      %scan3A_67:5 = scf.for %scan3A_121 = %scan3A_63 to %scan3A_65 step %scan3A_66 iter_args(%scan3A_122 = %select_n3A_59, %scan3A_123 = %scan3A, %scan3A_124 = %scan3A_60, %scan3A_125 = %scan3A_61, %scan3A_126 = %scan3A_62) -> (i32, i32, i32, i32, i32)  : i32 {
        %eq3A_127 = arith.constant 0 : i32
        %eq3A_128 = arith.cmpi eq, %scan3A_121, %eq3A_127 : i32
        %eq3A_129 = arith.constant 3 : i32
        %eq3A_130 = arith.cmpi eq, %scan3A_121, %eq3A_129 : i32
        %add3A_131 = arith.addi %scan3A_126, %mul3A_6 : i32
        %sub3A_132 = arith.constant 1 : i32
        %sub3A_133 = arith.subi %scan3A_126, %sub3A_132 : i32
        %select_n3A_134 = arith.constant true
        %select_n3A_135 = arith.select %select_n3A_134, %sub3A_133, %scan3A_126 : i32
        %eq3A_136 = arith.constant -1 : i32
        %eq3A_137 = arith.cmpi eq, %select_n3A_135, %eq3A_136 : i32
        %select_n3A_138 = arith.constant 3 : i32
        %select_n3A_139 = arith.select %eq3A_137, %select_n3A_138, %select_n3A_135 : i32
        %add3A_140 = arith.addi %select_n3A_139, %mul3A_6 : i32
        %add3A_141 = arith.constant 1 : i32
        %add3A_142 = arith.addi %scan3A_126, %add3A_141 : i32
        %select_n3A_143 = arith.constant true
        %select_n3A_144 = arith.select %select_n3A_143, %add3A_142, %scan3A_126 : i32
        %eq3A_145 = arith.constant 4 : i32
        %eq3A_146 = arith.cmpi eq, %select_n3A_144, %eq3A_145 : i32
        %select_n3A_147 = arith.constant 0 : i32
        %select_n3A_148 = arith.select %eq3A_146, %select_n3A_147, %select_n3A_144 : i32
        %add3A_149 = arith.addi %select_n3A_148, %mul3A_6 : i32
        %add3A_150 = arith.constant 1 : i32
        %add3A_151 = arith.addi %select_n3A_148, %add3A_150 : i32
        %select_n3A_152 = arith.constant true
        %select_n3A_153 = arith.select %select_n3A_152, %add3A_151, %select_n3A_148 : i32
        %eq3A_154 = arith.constant 4 : i32
        %eq3A_155 = arith.cmpi eq, %select_n3A_153, %eq3A_154 : i32
        %select_n3A_156 = arith.constant 0 : i32
        %select_n3A_157 = arith.select %eq3A_155, %select_n3A_156, %select_n3A_153 : i32
        %add3A_158 = arith.addi %select_n3A_157, %mul3A_6 : i32
        %ne3A = arith.cmpi ne, %add3A_131, %add3A_149 : i32
        %or3A = arith.constant false
        %or3A_159 = arith.ori %or3A, %ne3A : i1
        %or3A_160 = arith.constant false
        %or3A_161 = arith.ori %or3A_159, %or3A_160 : i1
        %ge3A = arith.constant 3 : i32
        %ge3A_162 = arith.cmpi sge, %scan3A_121, %ge3A : i32
        %not3A = arith.constant true
        %not3A_163 = arith.xori %ge3A_162, %not3A : i1
        %and3A = arith.andi %or3A_161, %not3A_163 : i1
        %convert_element_type3A = arith.extui %and3A : i1 to i32
        %cond3A = arith.constant 0 : i32
        %cond3A_164 = arith.cmpi ne, %convert_element_type3A, %cond3A : i32
        scf.if %cond3A_164 {
          "tpu.trace_start"() <{level = 10 : i32, message = "ep_copy_in"}> : () -> ()
          %rem3A_274 = arith.constant 2 : i32
          %rem3A_275 = arith.remui %scan3A_122, %rem3A_274 : i32
          %mul3A_276 = arith.constant 1 : i32
          %mul3A_277 = arith.muli %mul3A_276, %add3A_149 : i32
          %dma_start3A_278 = arith.constant 0 : i32
          %dma_start3A_279 = arith.constant 0 : i32
          %dma_start3A_280 = tpu.memref_slice %run_scoped3A[%rem3A_275, %dma_start3A_278, %dma_start3A_279] : memref<2x1x3200xi32, #tpu.memory_space<vmem>> -> memref<1x1x3200xi32, #tpu.memory_space<vmem>>
          %dma_start3A_281 = tpu.memref_squeeze %dma_start3A_280 : memref<1x1x3200xi32, #tpu.memory_space<vmem>> -> memref<1x3200xi32, #tpu.memory_space<vmem>>
          %dma_start3A_282 = arith.constant 0 : i32
          %dma_start3A_283 = tpu.memref_slice %arg3[%mul3A_277, %dma_start3A_282] : memref<128x3200xi32, #tpu.memory_space<hbm>> -> memref<1x3200xi32, #tpu.memory_space<hbm>>
          %dma_start3A_284 = tpu.memref_slice %run_scoped3A_7[%rem3A_275] : memref<2x!tpu.dma_semaphore, #tpu.memory_space<semaphore_mem>> -> memref<1x!tpu.dma_semaphore, #tpu.memory_space<semaphore_mem>>
          %dma_start3A_285 = tpu.memref_squeeze %dma_start3A_284 : memref<1x!tpu.dma_semaphore, #tpu.memory_space<semaphore_mem>> -> memref<!tpu.dma_semaphore, #tpu.memory_space<semaphore_mem>>
          %dma_start3A_286 = arith.constant 0 : i32
          %dma_start3A_287 = arith.constant 0 : i32
          %dma_start3A_288 = tpu.memref_slice %run_scoped3A[%rem3A_275, %dma_start3A_286, %dma_start3A_287] : memref<2x1x3200xi32, #tpu.memory_space<vmem>> -> memref<1x1x3200xi32, #tpu.memory_space<vmem>>
          %dma_start3A_289 = tpu.memref_squeeze %dma_start3A_288 : memref<1x1x3200xi32, #tpu.memory_space<vmem>> -> memref<1x3200xi32, #tpu.memory_space<vmem>>
          %dma_start3A_290 = arith.constant 0 : i32
          %dma_start3A_291 = tpu.memref_slice %arg3[%mul3A_277, %dma_start3A_290] : memref<128x3200xi32, #tpu.memory_space<hbm>> -> memref<1x3200xi32, #tpu.memory_space<hbm>>
          tpu.enqueue_dma source(%dma_start3A_291 : memref<1x3200xi32, #tpu.memory_space<hbm>>) target(%dma_start3A_289 : memref<1x3200xi32, #tpu.memory_space<vmem>>) target_semaphore(%dma_start3A_285 : memref<!tpu.dma_semaphore, #tpu.memory_space<semaphore_mem>>)
          "tpu.trace_stop"() : () -> ()
        } else {
        }
        %and3A_165 = arith.constant true
        %and3A_166 = arith.andi %and3A, %and3A_165 : i1
        %add3A_167 = arith.constant 1 : i32
        %add3A_168 = arith.addi %scan3A_122, %add3A_167 : i32
        %select_n3A_169 = arith.select %and3A_166, %add3A_168, %scan3A_122 : i32
        %ne3A_170 = arith.cmpi ne, %add3A_131, %add3A_149 : i32
        %or3A_171 = arith.constant false
        %or3A_172 = arith.ori %or3A_171, %ne3A_170 : i1
        %or3A_173 = arith.constant false
        %or3A_174 = arith.ori %or3A_172, %or3A_173 : i1
        %ge3A_175 = arith.constant 3 : i32
        %ge3A_176 = arith.cmpi sge, %scan3A_121, %ge3A_175 : i32
        %not3A_177 = arith.constant true
        %not3A_178 = arith.xori %ge3A_176, %not3A_177 : i1
        %and3A_179 = arith.andi %or3A_174, %not3A_178 : i1
        %ne3A_180 = arith.cmpi ne, %add3A_131, %add3A_140 : i32
        %or3A_181 = arith.constant false
        %or3A_182 = arith.ori %or3A_181, %ne3A_180 : i1
        %or3A_183 = arith.constant false
        %or3A_184 = arith.ori %or3A_182, %or3A_183 : i1
        %or3A_185 = arith.ori %or3A_184, %eq3A_128 : i1
        %convert_element_type3A_186 = arith.extui %or3A_185 : i1 to i32
        %cond3A_187 = arith.constant 0 : i32
        %cond3A_188 = arith.cmpi ne, %convert_element_type3A_186, %cond3A_187 : i32
        scf.if %cond3A_188 {
          "tpu.trace_start"() <{level = 10 : i32, message = "ep_wait_in"}> : () -> ()
          %mul3A_274 = arith.constant 1 : i32
          %mul3A_275 = arith.muli %mul3A_274, %add3A_131 : i32
          %rem3A_276 = arith.constant 2 : i32
          %rem3A_277 = arith.remui %scan3A_123, %rem3A_276 : i32
          %dma_wait3A_278 = arith.constant 0 : i32
          %dma_wait3A_279 = arith.constant 0 : i32
          %dma_wait3A_280 = tpu.memref_slice %run_scoped3A[%rem3A_277, %dma_wait3A_278, %dma_wait3A_279] : memref<2x1x3200xi32, #tpu.memory_space<vmem>> -> memref<1x1x3200xi32, #tpu.memory_space<vmem>>
          %dma_wait3A_281 = tpu.memref_squeeze %dma_wait3A_280 : memref<1x1x3200xi32, #tpu.memory_space<vmem>> -> memref<1x3200xi32, #tpu.memory_space<vmem>>
          %dma_wait3A_282 = arith.constant 0 : i32
          %dma_wait3A_283 = tpu.memref_slice %arg3[%mul3A_275, %dma_wait3A_282] : memref<128x3200xi32, #tpu.memory_space<hbm>> -> memref<1x3200xi32, #tpu.memory_space<hbm>>
          %dma_wait3A_284 = tpu.memref_slice %run_scoped3A_7[%rem3A_277] : memref<2x!tpu.dma_semaphore, #tpu.memory_space<semaphore_mem>> -> memref<1x!tpu.dma_semaphore, #tpu.memory_space<semaphore_mem>>
          %dma_wait3A_285 = tpu.memref_squeeze %dma_wait3A_284 : memref<1x!tpu.dma_semaphore, #tpu.memory_space<semaphore_mem>> -> memref<!tpu.dma_semaphore, #tpu.memory_space<semaphore_mem>>
          %dma_wait3A_286 = arith.constant 0 : i32
          %dma_wait3A_287 = arith.constant 0 : i32
          %dma_wait3A_288 = tpu.memref_slice %run_scoped3A[%rem3A_277, %dma_wait3A_286, %dma_wait3A_287] : memref<2x1x3200xi32, #tpu.memory_space<vmem>> -> memref<1x1x3200xi32, #tpu.memory_space<vmem>>
          %dma_wait3A_289 = tpu.memref_squeeze %dma_wait3A_288 : memref<1x1x3200xi32, #tpu.memory_space<vmem>> -> memref<1x3200xi32, #tpu.memory_space<vmem>>
          %dma_wait3A_290 = arith.constant 0 : i32
          %dma_wait3A_291 = tpu.memref_slice %arg3[%mul3A_275, %dma_wait3A_290] : memref<128x3200xi32, #tpu.memory_space<hbm>> -> memref<1x3200xi32, #tpu.memory_space<hbm>>
          tpu.wait_dma2 semaphore(%dma_wait3A_285 : memref<!tpu.dma_semaphore, #tpu.memory_space<semaphore_mem>>) src(%dma_wait3A_291 : memref<1x3200xi32, #tpu.memory_space<hbm>>) dst(%dma_wait3A_289 : memref<1x3200xi32, #tpu.memory_space<vmem>>)
          "tpu.trace_stop"() : () -> ()
        } else {
        }
        %ne3A_189 = arith.cmpi ne, %add3A_131, %add3A_140 : i32
        %or3A_190 = arith.constant false
        %or3A_191 = arith.ori %or3A_190, %ne3A_189 : i1
        %or3A_192 = arith.constant false
        %or3A_193 = arith.ori %or3A_191, %or3A_192 : i1
        %or3A_194 = arith.ori %or3A_193, %eq3A_128 : i1
        %convert_element_type3A_195 = arith.extui %or3A_194 : i1 to i32
        %cond3A_196 = arith.constant 0 : i32
        %cond3A_197 = arith.cmpi ne, %convert_element_type3A_195, %cond3A_196 : i32
        scf.if %cond3A_197 {
        } else {
        }
        %rem3A_198 = arith.constant 2 : i32
        %rem3A_199 = arith.remui %scan3A_123, %rem3A_198 : i32
        %rem3A_200 = arith.constant 2 : i32
        %rem3A_201 = arith.remui %scan3A_124, %rem3A_200 : i32
        %run_scoped3A_202 = arith.constant 0 : i32
        "tpu.trace_start"() <{level = 10 : i32, message = "ep_run_kernel"}> : () -> ()
        "tpu.region"() ({
          %run_scoped3A_274 = tpu.sem_alloc : memref<!tpu.dma_semaphore, #tpu.memory_space<semaphore_mem>>
          %dma_start3A_275 = arith.constant 0 : i32
          %dma_start3A_276 = arith.constant 0 : i32
          %dma_start3A_277 = tpu.memref_slice %run_scoped3A_8[%rem3A_201, %dma_start3A_275, %dma_start3A_276] : memref<2x3200x16xf32, #tpu.memory_space<vmem>> -> memref<1x3200x16xf32, #tpu.memory_space<vmem>>
          %dma_start3A_278 = tpu.memref_squeeze %dma_start3A_277 : memref<1x3200x16xf32, #tpu.memory_space<vmem>> -> memref<3200x16xf32, #tpu.memory_space<vmem>>
          %dma_start3A_279 = arith.constant 0 : i32
          %dma_start3A_280 = arith.constant 0 : i32
          %dma_start3A_281 = tpu.memref_slice %run_scoped3A[%rem3A_199, %dma_start3A_279, %dma_start3A_280] : memref<2x1x3200xi32, #tpu.memory_space<vmem>> -> memref<1x1x3200xi32, #tpu.memory_space<vmem>>
          %dma_start3A_282 = tpu.memref_squeeze %dma_start3A_281 : memref<1x1x3200xi32, #tpu.memory_space<vmem>> -> memref<1x3200xi32, #tpu.memory_space<vmem>>
          %dma_start3A_283 = arith.constant 0 : i32
          %dma_start3A_284 = tpu.memref_slice %dma_start3A_282[%run_scoped3A_202, %dma_start3A_283] : memref<1x3200xi32, #tpu.memory_space<vmem>> -> memref<1x3200xi32, #tpu.memory_space<vmem>>
          %dma_start3A_285 = tpu.memref_squeeze %dma_start3A_284 : memref<1x3200xi32, #tpu.memory_space<vmem>> -> memref<3200xi32, #tpu.memory_space<vmem>>
          %dma_start3A_286 = arith.constant 0 : i32
          %dma_start3A_287 = arith.constant 0 : i32
          %dma_start3A_288 = tpu.memref_slice %arg2[%dma_start3A_286, %dma_start3A_287] : memref<100000x16xf32, #tpu.memory_space<hbm>> -> memref<100000x16xf32, #tpu.memory_space<hbm>>
          tpu.enqueue_indirect_dma source(%dma_start3A_288 : memref<100000x16xf32, #tpu.memory_space<hbm>>) target(%dma_start3A_278 : memref<3200x16xf32, #tpu.memory_space<vmem>>) offsets(%dma_start3A_285 : memref<3200xi32, #tpu.memory_space<vmem>>) semaphore(%run_scoped3A_274 : memref<!tpu.dma_semaphore, #tpu.memory_space<semaphore_mem>>)
          %dma_wait3A_289 = arith.constant 0 : i32
          %dma_wait3A_290 = arith.constant 0 : i32
          %dma_wait3A_291 = tpu.memref_slice %run_scoped3A_8[%rem3A_201, %dma_wait3A_289, %dma_wait3A_290] : memref<2x3200x16xf32, #tpu.memory_space<vmem>> -> memref<1x3200x16xf32, #tpu.memory_space<vmem>>
          %dma_wait3A_292 = tpu.memref_squeeze %dma_wait3A_291 : memref<1x3200x16xf32, #tpu.memory_space<vmem>> -> memref<3200x16xf32, #tpu.memory_space<vmem>>
          %dma_wait3A_293 = arith.constant 0 : i32
          %dma_wait3A_294 = arith.constant 0 : i32
          %dma_wait3A_295 = tpu.memref_slice %run_scoped3A[%rem3A_199, %dma_wait3A_293, %dma_wait3A_294] : memref<2x1x3200xi32, #tpu.memory_space<vmem>> -> memref<1x1x3200xi32, #tpu.memory_space<vmem>>
          %dma_wait3A_296 = tpu.memref_squeeze %dma_wait3A_295 : memref<1x1x3200xi32, #tpu.memory_space<vmem>> -> memref<1x3200xi32, #tpu.memory_space<vmem>>
          %dma_wait3A_297 = arith.constant 0 : i32
          %dma_wait3A_298 = tpu.memref_slice %dma_wait3A_296[%run_scoped3A_202, %dma_wait3A_297] : memref<1x3200xi32, #tpu.memory_space<vmem>> -> memref<1x3200xi32, #tpu.memory_space<vmem>>
          %dma_wait3A_299 = tpu.memref_squeeze %dma_wait3A_298 : memref<1x3200xi32, #tpu.memory_space<vmem>> -> memref<3200xi32, #tpu.memory_space<vmem>>
          %dma_wait3A_300 = arith.constant 0 : i32
          %dma_wait3A_301 = arith.constant 0 : i32
          %dma_wait3A_302 = tpu.memref_slice %arg2[%dma_wait3A_300, %dma_wait3A_301] : memref<100000x16xf32, #tpu.memory_space<hbm>> -> memref<100000x16xf32, #tpu.memory_space<hbm>>
          tpu.wait_indirect_dma semaphore(%run_scoped3A_274 : memref<!tpu.dma_semaphore, #tpu.memory_space<semaphore_mem>>) src(%dma_wait3A_302 : memref<100000x16xf32, #tpu.memory_space<hbm>>) dst(%dma_wait3A_292 : memref<3200x16xf32, #tpu.memory_space<vmem>>)
          tpu.yield
        }) : () -> ()
        "tpu.trace_stop"() : () -> ()
        %ne3A_203 = arith.cmpi ne, %add3A_131, %add3A_149 : i32
        %or3A_204 = arith.constant false
        %or3A_205 = arith.ori %or3A_204, %ne3A_203 : i1
        %or3A_206 = arith.constant false
        %or3A_207 = arith.ori %or3A_205, %or3A_206 : i1
        %or3A_208 = arith.ori %or3A_207, %eq3A_130 : i1
        %convert_element_type3A_209 = arith.extui %or3A_208 : i1 to i32
        %cond3A_210 = arith.constant 0 : i32
        %cond3A_211 = arith.cmpi ne, %convert_element_type3A_209, %cond3A_210 : i32
        scf.if %cond3A_211 {
        } else {
        }
        %and3A_212 = arith.constant false
        %and3A_213 = arith.andi %or3A_208, %and3A_212 : i1
        %ne3A_214 = arith.cmpi ne, %add3A_131, %add3A_149 : i32
        %or3A_215 = arith.constant false
        %or3A_216 = arith.ori %or3A_215, %ne3A_214 : i1
        %or3A_217 = arith.constant false
        %or3A_218 = arith.ori %or3A_216, %or3A_217 : i1
        %or3A_219 = arith.ori %or3A_218, %eq3A_130 : i1
        %convert_element_type3A_220 = arith.extui %or3A_219 : i1 to i32
        %cond3A_221 = arith.constant 0 : i32
        %cond3A_222 = arith.cmpi ne, %convert_element_type3A_220, %cond3A_221 : i32
        scf.if %cond3A_222 {
          "tpu.trace_start"() <{level = 10 : i32, message = "ep_copy_out"}> : () -> ()
          %rem3A_274 = arith.constant 2 : i32
          %rem3A_275 = arith.remui %scan3A_124, %rem3A_274 : i32
          %mul3A_276 = arith.constant 3200 : i32
          %mul3A_277 = arith.muli %mul3A_276, %add3A_131 : i32
          %dma_start3A_278 = arith.constant 0 : i32
          %dma_start3A_279 = arith.constant 0 : i32
          %dma_start3A_280 = tpu.memref_slice %run_scoped3A_8[%rem3A_275, %dma_start3A_278, %dma_start3A_279] : memref<2x3200x16xf32, #tpu.memory_space<vmem>> -> memref<1x3200x16xf32, #tpu.memory_space<vmem>>
          %dma_start3A_281 = tpu.memref_squeeze %dma_start3A_280 : memref<1x3200x16xf32, #tpu.memory_space<vmem>> -> memref<3200x16xf32, #tpu.memory_space<vmem>>
          %dma_start3A_282 = arith.constant 0 : i32
          %dma_start3A_283 = tpu.memref_slice %arg4[%mul3A_277, %dma_start3A_282] : memref<409600x16xf32, #tpu.memory_space<hbm>> -> memref<3200x16xf32, #tpu.memory_space<hbm>>
          %dma_start3A_284 = tpu.memref_slice %run_scoped3A_9[%rem3A_275] : memref<2x!tpu.dma_semaphore, #tpu.memory_space<semaphore_mem>> -> memref<1x!tpu.dma_semaphore, #tpu.memory_space<semaphore_mem>>
          %dma_start3A_285 = tpu.memref_squeeze %dma_start3A_284 : memref<1x!tpu.dma_semaphore, #tpu.memory_space<semaphore_mem>> -> memref<!tpu.dma_semaphore, #tpu.memory_space<semaphore_mem>>
          %dma_start3A_286 = arith.constant 0 : i32
          %dma_start3A_287 = tpu.memref_slice %arg4[%mul3A_277, %dma_start3A_286] : memref<409600x16xf32, #tpu.memory_space<hbm>> -> memref<3200x16xf32, #tpu.memory_space<hbm>>
          %dma_start3A_288 = arith.constant 0 : i32
          %dma_start3A_289 = arith.constant 0 : i32
          %dma_start3A_290 = tpu.memref_slice %run_scoped3A_8[%rem3A_275, %dma_start3A_288, %dma_start3A_289] : memref<2x3200x16xf32, #tpu.memory_space<vmem>> -> memref<1x3200x16xf32, #tpu.memory_space<vmem>>
          %dma_start3A_291 = tpu.memref_squeeze %dma_start3A_290 : memref<1x3200x16xf32, #tpu.memory_space<vmem>> -> memref<3200x16xf32, #tpu.memory_space<vmem>>
          tpu.enqueue_dma source(%dma_start3A_291 : memref<3200x16xf32, #tpu.memory_space<vmem>>) target(%dma_start3A_287 : memref<3200x16xf32, #tpu.memory_space<hbm>>) target_semaphore(%dma_start3A_285 : memref<!tpu.dma_semaphore, #tpu.memory_space<semaphore_mem>>)
          "tpu.trace_stop"() : () -> ()
        } else {
        }
        %and3A_223 = arith.constant true
        %and3A_224 = arith.andi %or3A_219, %and3A_223 : i1
        %add3A_225 = arith.constant 1 : i32
        %add3A_226 = arith.addi %scan3A_124, %add3A_225 : i32
        %select_n3A_227 = arith.select %and3A_224, %add3A_226, %scan3A_124 : i32
        %ne3A_228 = arith.cmpi ne, %add3A_131, %add3A_140 : i32
        %or3A_229 = arith.constant false
        %or3A_230 = arith.ori %or3A_229, %ne3A_228 : i1
        %or3A_231 = arith.constant false
        %or3A_232 = arith.ori %or3A_230, %or3A_231 : i1
        %not3A_233 = arith.constant true
        %not3A_234 = arith.xori %eq3A_128, %not3A_233 : i1
        %and3A_235 = arith.andi %or3A_232, %not3A_234 : i1
        %convert_element_type3A_236 = arith.extui %and3A_235 : i1 to i32
        %cond3A_237 = arith.constant 0 : i32
        %cond3A_238 = arith.cmpi ne, %convert_element_type3A_236, %cond3A_237 : i32
        scf.if %cond3A_238 {
        } else {
        }
        %and3A_239 = arith.constant false
        %and3A_240 = arith.andi %and3A_235, %and3A_239 : i1
        %ne3A_241 = arith.cmpi ne, %add3A_131, %add3A_140 : i32
        %or3A_242 = arith.constant false
        %or3A_243 = arith.ori %or3A_242, %ne3A_241 : i1
        %or3A_244 = arith.constant false
        %or3A_245 = arith.ori %or3A_243, %or3A_244 : i1
        %not3A_246 = arith.constant true
        %not3A_247 = arith.xori %eq3A_128, %not3A_246 : i1
        %and3A_248 = arith.andi %or3A_245, %not3A_247 : i1
        %convert_element_type3A_249 = arith.extui %and3A_248 : i1 to i32
        %cond3A_250 = arith.constant 0 : i32
        %cond3A_251 = arith.cmpi ne, %convert_element_type3A_249, %cond3A_250 : i32
        scf.if %cond3A_251 {
          "tpu.trace_start"() <{level = 10 : i32, message = "ep_wait_out"}> : () -> ()
          %rem3A_274 = arith.constant 2 : i32
          %rem3A_275 = arith.remui %scan3A_125, %rem3A_274 : i32
          %mul3A_276 = arith.constant 3200 : i32
          %mul3A_277 = arith.muli %mul3A_276, %add3A_140 : i32
          %dma_wait3A_278 = arith.constant 0 : i32
          %dma_wait3A_279 = arith.constant 0 : i32
          %dma_wait3A_280 = tpu.memref_slice %run_scoped3A_8[%rem3A_275, %dma_wait3A_278, %dma_wait3A_279] : memref<2x3200x16xf32, #tpu.memory_space<vmem>> -> memref<1x3200x16xf32, #tpu.memory_space<vmem>>
          %dma_wait3A_281 = tpu.memref_squeeze %dma_wait3A_280 : memref<1x3200x16xf32, #tpu.memory_space<vmem>> -> memref<3200x16xf32, #tpu.memory_space<vmem>>
          %dma_wait3A_282 = arith.constant 0 : i32
          %dma_wait3A_283 = tpu.memref_slice %arg4[%mul3A_277, %dma_wait3A_282] : memref<409600x16xf32, #tpu.memory_space<hbm>> -> memref<3200x16xf32, #tpu.memory_space<hbm>>
          %dma_wait3A_284 = tpu.memref_slice %run_scoped3A_9[%rem3A_275] : memref<2x!tpu.dma_semaphore, #tpu.memory_space<semaphore_mem>> -> memref<1x!tpu.dma_semaphore, #tpu.memory_space<semaphore_mem>>
          %dma_wait3A_285 = tpu.memref_squeeze %dma_wait3A_284 : memref<1x!tpu.dma_semaphore, #tpu.memory_space<semaphore_mem>> -> memref<!tpu.dma_semaphore, #tpu.memory_space<semaphore_mem>>
          %dma_wait3A_286 = arith.constant 0 : i32
          %dma_wait3A_287 = tpu.memref_slice %arg4[%mul3A_277, %dma_wait3A_286] : memref<409600x16xf32, #tpu.memory_space<hbm>> -> memref<3200x16xf32, #tpu.memory_space<hbm>>
          %dma_wait3A_288 = arith.constant 0 : i32
          %dma_wait3A_289 = arith.constant 0 : i32
          %dma_wait3A_290 = tpu.memref_slice %run_scoped3A_8[%rem3A_275, %dma_wait3A_288, %dma_wait3A_289] : memref<2x3200x16xf32, #tpu.memory_space<vmem>> -> memref<1x3200x16xf32, #tpu.memory_space<vmem>>
          %dma_wait3A_291 = tpu.memref_squeeze %dma_wait3A_290 : memref<1x3200x16xf32, #tpu.memory_space<vmem>> -> memref<3200x16xf32, #tpu.memory_space<vmem>>
          tpu.wait_dma2 semaphore(%dma_wait3A_285 : memref<!tpu.dma_semaphore, #tpu.memory_space<semaphore_mem>>) src(%dma_wait3A_291 : memref<3200x16xf32, #tpu.memory_space<vmem>>) dst(%dma_wait3A_287 : memref<3200x16xf32, #tpu.memory_space<hbm>>)
          "tpu.trace_stop"() : () -> ()
        } else {
        }
        %and3A_252 = arith.constant true
        %and3A_253 = arith.andi %and3A_248, %and3A_252 : i1
        %add3A_254 = arith.constant 1 : i32
        %add3A_255 = arith.addi %scan3A_125, %add3A_254 : i32
        %select_n3A_256 = arith.select %and3A_253, %add3A_255, %scan3A_125 : i32
        %ne3A_257 = arith.cmpi ne, %add3A_131, %add3A_149 : i32
        %or3A_258 = arith.constant false
        %or3A_259 = arith.ori %or3A_258, %ne3A_257 : i1
        %or3A_260 = arith.constant false
        %or3A_261 = arith.ori %or3A_259, %or3A_260 : i1
        %or3A_262 = arith.ori %or3A_261, %eq3A_130 : i1
        %add3A_263 = arith.constant 1 : i32
        %add3A_264 = arith.addi %scan3A_123, %add3A_263 : i32
        %select_n3A_265 = arith.select %or3A_262, %add3A_264, %scan3A_123 : i32
        %add3A_266 = arith.constant 1 : i32
        %add3A_267 = arith.addi %scan3A_126, %add3A_266 : i32
        %select_n3A_268 = arith.constant true
        %select_n3A_269 = arith.select %select_n3A_268, %add3A_267, %scan3A_126 : i32
        %eq3A_270 = arith.constant 4 : i32
        %eq3A_271 = arith.cmpi eq, %select_n3A_269, %eq3A_270 : i32
        %select_n3A_272 = arith.constant 0 : i32
        %select_n3A_273 = arith.select %eq3A_271, %select_n3A_272, %select_n3A_269 : i32
        scf.yield %select_n3A_169, %select_n3A_265, %select_n3A_227, %select_n3A_256, %select_n3A_273 : i32, i32, i32, i32, i32
      }
      %scan3A_68 = arith.constant 4 : i32
      %sub3A = arith.constant 1 : i32
      %sub3A_69 = arith.subi %scan3A_67#4, %sub3A : i32
      %select_n3A_70 = arith.constant true
      %select_n3A_71 = arith.select %select_n3A_70, %sub3A_69, %scan3A_67#4 : i32
      %eq3A_72 = arith.constant -1 : i32
      %eq3A_73 = arith.cmpi eq, %select_n3A_71, %eq3A_72 : i32
      %select_n3A_74 = arith.constant 3 : i32
      %select_n3A_75 = arith.select %eq3A_73, %select_n3A_74, %select_n3A_71 : i32
      %add3A_76 = arith.addi %select_n3A_75, %mul3A_6 : i32
      %sub3A_77 = arith.constant 1 : i32
      %sub3A_78 = arith.subi %select_n3A_75, %sub3A_77 : i32
      %select_n3A_79 = arith.constant true
      %select_n3A_80 = arith.select %select_n3A_79, %sub3A_78, %select_n3A_75 : i32
      %eq3A_81 = arith.constant -1 : i32
      %eq3A_82 = arith.cmpi eq, %select_n3A_80, %eq3A_81 : i32
      %select_n3A_83 = arith.constant 3 : i32
      %select_n3A_84 = arith.select %eq3A_82, %select_n3A_83, %select_n3A_80 : i32
      %add3A_85 = arith.addi %select_n3A_84, %mul3A_6 : i32
      %add3A_86 = arith.constant 1 : i32
      %add3A_87 = arith.addi %select_n3A_75, %add3A_86 : i32
      %select_n3A_88 = arith.constant true
      %select_n3A_89 = arith.select %select_n3A_88, %add3A_87, %select_n3A_75 : i32
      %eq3A_90 = arith.constant 4 : i32
      %eq3A_91 = arith.cmpi eq, %select_n3A_89, %eq3A_90 : i32
      %select_n3A_92 = arith.constant 0 : i32
      %select_n3A_93 = arith.select %eq3A_91, %select_n3A_92, %select_n3A_89 : i32
      %add3A_94 = arith.addi %select_n3A_93, %mul3A_6 : i32
      %add3A_95 = arith.constant 1 : i32
      %add3A_96 = arith.addi %select_n3A_93, %add3A_95 : i32
      %select_n3A_97 = arith.constant true
      %select_n3A_98 = arith.select %select_n3A_97, %add3A_96, %select_n3A_93 : i32
      %eq3A_99 = arith.constant 4 : i32
      %eq3A_100 = arith.cmpi eq, %select_n3A_98, %eq3A_99 : i32
      %select_n3A_101 = arith.constant 0 : i32
      %select_n3A_102 = arith.select %eq3A_100, %select_n3A_101, %select_n3A_98 : i32
      %add3A_103 = arith.addi %select_n3A_102, %mul3A_6 : i32
      "tpu.trace_start"() <{level = 10 : i32, message = "ep_finalize"}> : () -> ()
      %rem3A_104 = arith.constant 2 : i32
      %rem3A_105 = arith.remui %scan3A_67#3, %rem3A_104 : i32
      %mul3A_106 = arith.constant 3200 : i32
      %mul3A_107 = arith.muli %mul3A_106, %add3A_76 : i32
      %dma_wait3A = arith.constant 0 : i32
      %dma_wait3A_108 = arith.constant 0 : i32
      %dma_wait3A_109 = tpu.memref_slice %run_scoped3A_8[%rem3A_105, %dma_wait3A, %dma_wait3A_108] : memref<2x3200x16xf32, #tpu.memory_space<vmem>> -> memref<1x3200x16xf32, #tpu.memory_space<vmem>>
      %dma_wait3A_110 = tpu.memref_squeeze %dma_wait3A_109 : memref<1x3200x16xf32, #tpu.memory_space<vmem>> -> memref<3200x16xf32, #tpu.memory_space<vmem>>
      %dma_wait3A_111 = arith.constant 0 : i32
      %dma_wait3A_112 = tpu.memref_slice %arg4[%mul3A_107, %dma_wait3A_111] : memref<409600x16xf32, #tpu.memory_space<hbm>> -> memref<3200x16xf32, #tpu.memory_space<hbm>>
      %dma_wait3A_113 = tpu.memref_slice %run_scoped3A_9[%rem3A_105] : memref<2x!tpu.dma_semaphore, #tpu.memory_space<semaphore_mem>> -> memref<1x!tpu.dma_semaphore, #tpu.memory_space<semaphore_mem>>
      %dma_wait3A_114 = tpu.memref_squeeze %dma_wait3A_113 : memref<1x!tpu.dma_semaphore, #tpu.memory_space<semaphore_mem>> -> memref<!tpu.dma_semaphore, #tpu.memory_space<semaphore_mem>>
      %dma_wait3A_115 = arith.constant 0 : i32
      %dma_wait3A_116 = tpu.memref_slice %arg4[%mul3A_107, %dma_wait3A_115] : memref<409600x16xf32, #tpu.memory_space<hbm>> -> memref<3200x16xf32, #tpu.memory_space<hbm>>
      %dma_wait3A_117 = arith.constant 0 : i32
      %dma_wait3A_118 = arith.constant 0 : i32
      %dma_wait3A_119 = tpu.memref_slice %run_scoped3A_8[%rem3A_105, %dma_wait3A_117, %dma_wait3A_118] : memref<2x3200x16xf32, #tpu.memory_space<vmem>> -> memref<1x3200x16xf32, #tpu.memory_space<vmem>>
      %dma_wait3A_120 = tpu.memref_squeeze %dma_wait3A_119 : memref<1x3200x16xf32, #tpu.memory_space<vmem>> -> memref<3200x16xf32, #tpu.memory_space<vmem>>
      tpu.wait_dma2 semaphore(%dma_wait3A_114 : memref<!tpu.dma_semaphore, #tpu.memory_space<semaphore_mem>>) src(%dma_wait3A_120 : memref<3200x16xf32, #tpu.memory_space<vmem>>) dst(%dma_wait3A_116 : memref<3200x16xf32, #tpu.memory_space<hbm>>)
      "tpu.trace_stop"() : () -> ()
      tpu.yield
    }) : () -> ()
    return
  }
}

module attributes {stable_mosaic.version = 14 : i64} {
  func.func @mm_body(%arg0: i32, %arg1: memref<1024x1600xf32, #tpu.memory_space<vmem>>, %arg2: memref<1600x128xbf16, #tpu.memory_space<vmem>>, %arg3: memref<1x128xf32, #tpu.memory_space<vmem>>, %arg4: memref<1024x128xf32, #tpu.memory_space<vmem>>) attributes {dimension_semantics = [#tpu.dimension_semantics<arbitrary>], iteration_bounds = array<i64: 4>, scalar_prefetch = 0 : i64, scratch_operands = 0 : i64, tpu.core_type = #tpu.core_type<tc>, window_params = [{transform_indices = @transform_0, window_bounds = array<i64: 1024, 1600>}, {pipeline_mode = #tpu.pipeline_mode<synchronous>, transform_indices = @transform_1, window_bounds = array<i64: 1600, 128>}, {pipeline_mode = #tpu.pipeline_mode<synchronous>, transform_indices = @transform_2, window_bounds = array<i64: 1, 128>}, {transform_indices = @transform_3, window_bounds = array<i64: 1024, 128>}]} {
    %get3A = arith.constant 0 : index
    %get3A_0 = arith.constant 0 : index
    %get3A_1 = vector.load %arg1[%get3A, %get3A_0] : memref<1024x1600xf32, #tpu.memory_space<vmem>>, vector<1024x1600xf32>
    %convert_element_type3A = arith.truncf %get3A_1 : vector<1024x1600xf32> to vector<1024x1600xbf16>
    %get3A_2 = arith.constant 0 : index
    %get3A_3 = arith.constant 0 : index
    %get3A_4 = vector.load %arg2[%get3A_2, %get3A_3] : memref<1600x128xbf16, #tpu.memory_space<vmem>>, vector<1600x128xbf16>
    %dot_general3A = arith.constant dense<0.000000e+00> : vector<1024x128xf32>
    %dot_general3A_5 = tpu.matmul %convert_element_type3A, %get3A_4, %dot_general3A {dimension_numbers = #tpu.dot_dimension_numbers<[1], [0], [0], [1], [0, 0, 1, 1], [], []>, transpose_lhs_hint = false} : vector<1024x1600xbf16>, vector<1600x128xbf16>, vector<1024x128xf32> -> vector<1024x128xf32>
    %get3A_6 = arith.constant 0 : index
    %get3A_7 = arith.constant 0 : index
    %get3A_8 = vector.load %arg3[%get3A_6, %get3A_7] : memref<1x128xf32, #tpu.memory_space<vmem>>, vector<1x128xf32>
    %add3A = vector.broadcast %get3A_8 : vector<1x128xf32> to vector<1024x128xf32>
    %add3A_9 = arith.addf %dot_general3A_5, %add3A : vector<1024x128xf32>
    %swap3A = arith.constant 0 : index
    %swap3A_10 = arith.constant 0 : index
    %swap3A_11 = vector.load %arg4[%swap3A, %swap3A_10] : memref<1024x128xf32, #tpu.memory_space<vmem>>, vector<1024x128xf32>
    tpu.vector_store %arg4[%swap3A, %swap3A_10], %add3A_9 {strides = array<i32>} : memref<1024x128xf32, #tpu.memory_space<vmem>>, vector<1024x128xf32>,
    return
  }
  func.func @transform_0(%arg0: i32) -> (i32, i32) {
    %c0_i32 = arith.constant 0 : i32
    %c0_i32_0 = arith.constant 0 : i32
    return %arg0, %c0_i32 : i32, i32
  }
  func.func @transform_1(%arg0: i32) -> (i32, i32) {
    %c0_i32 = arith.constant 0 : i32
    %c0_i32_0 = arith.constant 0 : i32
    %c0_i32_1 = arith.constant 0 : i32
    return %c0_i32, %c0_i32_0 : i32, i32
  }
  func.func @transform_2(%arg0: i32) -> (i32, i32) {
    %c0_i32 = arith.constant 0 : i32
    %c0_i32_0 = arith.constant 0 : i32
    %c0_i32_1 = arith.constant 0 : i32
    return %c0_i32, %c0_i32_0 : i32, i32
  }
  func.func @transform_3(%arg0: i32) -> (i32, i32) {
    %c0_i32 = arith.constant 0 : i32
    %c0_i32_0 = arith.constant 0 : i32
    return %arg0, %c0_i32 : i32, i32
  }
}

</mosaic_0001>

<sc_bundles>
// kernel: kernel.10.cloned.1.call-start
scs
__scs_entry_jumppad:
0x0: {  	(pc) =	sbr.rel $0x88, $3  }
0x1: {  	(tag) =	ssettag $0x0;
	lr =	simm.s32 $0x1  }
0x2: {  	[smem:$0x3F9D] =	sst lr;
	_ =	strace $0xD0000000  }
0x3: {  	_ = 	snop  }
0x4: {  	_ = 	snop  }
0x5: {  	_ = 	snop  }
0x6: {  	_ = 	snop  }
0x7: {  	_ = 	snop  }
__scs_overlays_trampoline_lowered:
0x8: {  	[smem:$0x3FAC] =	sst s0  }
0x9: {  	[smem:$0x3FAD] =	sst s1  }
0xa: {  	[smem:$0x3FAE] =	sst s2  }
0xb: {  	[smem:$0x3FAF] =	sst s3  }
0xc: {  	[smem:$0x3FB0] =	sst s4  }
0xd: {  	[smem:$0x3FB1] =	sst s5  }
0xe: {  	[smem:$0x3FB2] =	sst s6  }
0xf: {  	[smem:$0x3FB3] =	sst s7  }
0x10: {  	[smem:$0x3FB4] =	sst s8  }
0x11: {  	[smem:$0x3FB5] =	sst s9;
	s0 =	simm.s32 @!p0 $0x0  }
0x12: {  	s1 =	sld [smem:$0x3F9B];
	s0 =	simm.s32 @p0 $0x1  }
0x13: {  	[smem:$0x3FB6] =	sst s0;
	s0 =	simm.s32 @!p1 $0x0  }
0x14: {  	s2 =	sld [smem:$0x3F9A];
	s0 =	simm.s32 @p1 $0x1  }
0x15: {  	[smem:$0x3FB7] =	sst s0;
	s0 =	simm.s32 @!p2 $0x0  }
0x16: {  	s3 =	sld [smem:$0x3FDB];
	s0 =	simm.s32 @p2 $0x1  }
0x17: {  	s4 =	simm.s32 $0x1BF5;
	[smem:$0x3FB9] =	sst s0  }
0x18: {  	s0 =	sld [smem:$0x3F9C];
	_ =	swait.ge [sflag:s4], $0x0  }
0x19: {  	s7 =	sld [smem:$0x3F9D]  }
0x1a: {  	s8 =	sadd.s32 $0xFFFFE003, lr  }
0x1b: {  	s9 =	sadd.s32 $0xFFFFFEF7, lr;
	s5 =	simm.s32 $0xFFFFFFFF;
	p2 =	slt.u32 s8, $0xFFFFF086  }
0x1c: {  	p1 =	slt.u32 s9, $0xF7A;
	s5 =	simm.s32 @!p2 $0x0  }
0x1d: {  	s5 =	simm.s32 @p1 $0x1;
	p0 =	seq.s32 s7, s2  }
0x1e: {  	s7 =	smul.u32 @!p0 $0xF7A, s2;
	p2 =	seq.s32 @!p0 s5, $0x0  }
0x1f: {  	s9 =	smul.u32 $0xF7A, s1;
	s8 =	simm.s32 @!p0 $0x1BF5;
	p2 =	por !p2, p0  }
0x20: {  	[sflag:s8] =	ssyncset.s32 @!p0 $0xFFFFF086;
	s6 =	sadd.s32 @!p0 s3, s7;
	s7 =	simm.s32 @!p0 $0x108  }
0x21: {  	s3 =	sadd.s32 s3, s9;
	s6 =	sadd.s32 @!p0 $0x88, s6;
	s7 =	simm.s32 @p2 $0x1082  }
0x22: {  	[simem:s7], [sflag:s8] =	dma.local @!p0 [hbm:s6], $0xF7A  }
0x23: {  	s9 =	sor.u32 $0xD0000000, s2;
	s6 =	simm.s32 $0x108;
	_ =	swait.ge @!p0 [sflag:s8], $0x0  }
0x24: {  	s3 =	sadd.s32 $0x88, s3;
	s6 =	simm.s32 @!p1 $0x1082;
	[sflag:s4] =	ssyncset.s32 $0xFFFFF086  }
0x25: {  	[simem:s6], [sflag:s4] =	dma.local [hbm:s3], $0xF7A  }
0x26: {  	[smem:$0x3F9D] =	sst s1;
	(tag) =	ssettag s2;
	_ =	strace s9  }
0x27: {  	s1 =	sld [smem:$0x3FAD]  }
0x28: {  	s2 =	sld [smem:$0x3FAE]  }
0x29: {  	s4 =	sld [smem:$0x3FB0]  }
0x2a: {  	p0 =	seq.s32 s5, $0x0;
	s5 =	sld [smem:$0x3FB1]  }
0x2b: {  	s6 =	sld [smem:$0x3FB2]  }
0x2c: {  	s7 =	sld [smem:$0x3FB3]  }
0x2d: {  	s3 =	simm.s32 $0x108;
	s8 =	sld [smem:$0x3FB4]  }
0x2e: {  	s3 =	simm.s32 @!p0 $0x1082;
	s9 =	sld [smem:$0x3FB5]  }
0x2f: {  	lr =	sadd.s32 s0, s3;
	s0 =	sld [smem:$0x3FAC]  }
0x30: {  	s3 =	sld [smem:$0x3FAF]  }
0x31: {  	[smem:$0x3FB8] =	sst s10  }
0x32: {  	s10 =	sld [smem:$0x3FB6];
	_ =	sdelay $0x3  }
0x33: {  	p0 =	seq.s32 s10, $0x1;
	s10 =	sld [smem:$0x3FB8];
	_ =	sdelay $0x3  }
0x34: {  	[smem:$0x3FB8] =	sst s10  }
0x35: {  	s10 =	sld [smem:$0x3FB7];
	_ =	sdelay $0x3  }
0x36: {  	p1 =	seq.s32 s10, $0x1;
	s10 =	sld [smem:$0x3FB8];
	_ =	sdelay $0x3  }
0x37: {  	[smem:$0x3FB8] =	sst s10  }
0x38: {  	s10 =	sld [smem:$0x3FB9]  }
0x39: {  	_ = 	snop;
	(pc) =	sbr.ind lr, $3  }
0x3a: {  	_ = 	snop  }
0x3b: {  	_ = 	snop  }
0x3c: {  	p2 =	seq.s32 s10, $0x1;
	s10 =	sld [smem:$0x3FB8]  }
0x3d: {  	_ =	shalt  }
0x3e: {  	_ =	shalt  }
0x3f: {  	_ =	shalt  }
0x40: {  	_ =	shalt  }
0x41: {  	_ =	shalt  }
0x42: {  	_ =	shalt  }
0x43: {  	_ =	shalt  }
0x44: {  	_ =	shalt  }
0x45: {  	_ =	shalt  }
0x46: {  	_ =	shalt  }
0x47: {  	_ =	shalt  }
0x48: {  	_ =	shalt  }
0x49: {  	_ =	shalt  }
0x4a: {  	_ =	shalt  }
0x4b: {  	_ =	shalt  }
0x4c: {  	_ =	shalt  }
0x4d: {  	_ =	shalt  }
0x4e: {  	_ =	shalt  }
0x4f: {  	_ =	shalt  }
0x50: {  	_ =	shalt  }
0x51: {  	_ =	shalt  }
0x52: {  	_ =	shalt  }
0x53: {  	_ =	shalt  }
0x54: {  	_ =	shalt  }
0x55: {  	_ =	shalt  }
0x56: {  	_ =	shalt  }
0x57: {  	_ =	shalt  }
0x58: {  	_ =	shalt  }
0x59: {  	_ =	shalt  }
0x5a: {  	_ =	shalt  }
0x5b: {  	_ =	shalt  }
0x5c: {  	_ =	shalt  }
0x5d: {  	_ =	shalt  }
0x5e: {  	_ =	shalt  }
0x5f: {  	_ =	shalt  }
0x60: {  	_ =	shalt  }
0x61: {  	_ =	shalt  }
0x62: {  	_ =	shalt  }
0x63: {  	_ =	shalt  }
0x64: {  	_ =	shalt  }
0x65: {  	_ =	shalt  }
0x66: {  	_ =	shalt  }
0x67: {  	_ =	shalt  }
0x68: {  	_ =	shalt  }
0x69: {  	_ =	shalt  }
0x6a: {  	_ =	shalt  }
0x6b: {  	_ =	shalt  }
0x6c: {  	_ =	shalt  }
0x6d: {  	_ =	shalt  }
0x6e: {  	_ =	shalt  }
0x6f: {  	_ =	shalt  }
0x70: {  	_ =	shalt  }
0x71: {  	_ =	shalt  }
0x72: {  	_ =	shalt  }
0x73: {  	_ =	shalt  }
0x74: {  	_ =	shalt  }
0x75: {  	_ =	shalt  }
0x76: {  	_ =	shalt  }
0x77: {  	_ =	shalt  }
0x78: {  	_ =	shalt  }
0x79: {  	_ =	shalt  }
0x7a: {  	_ =	shalt  }
0x7b: {  	_ =	shalt  }
0x7c: {  	_ =	shalt  }
0x7d: {  	_ =	shalt  }
0x7e: {  	_ =	shalt  }
0x7f: {  	_ =	shalt  }
0x80: {  	_ =	shalt  }
0x81: {  	_ =	shalt  }
0x82: {  	_ =	shalt  }
0x83: {  	_ =	shalt  }
0x84: {  	_ =	shalt  }
0x85: {  	_ =	shalt  }
0x86: {  	_ =	shalt  }
0x87: {  	_ =	shalt  }
.Lfunc_end0:
.L_simem_size_0:
called_computation_lowered:
.L_overlay_start_0:
0x88: {  	s2 =	sld [smem:$0x3FD9]  }
0x89: {  	s3 =	sld [smem:$0x3FFE];
	_ =	sdelay $0x1  }
0x8a: {  	s1 =	srdreg.scid  }
0x8b: {  	s0 =	sand.u32 $0x1, s1  }
0x8c: {  	s17 =	sshll.u32 s0, $0xA;
	s2 =	sadd.s32 s3, s2  }
0x8d: {  	s2 =	sadd.s32 s2, s17  }
0x8e: {  	[smem:$0x3FC4] =	sst s2  }
0x8f: {  	_ = 	snop  }
0x90: {  	s18 =	sld [smem:$0x3FD0];
	(tm) =	ssettm $0x1  }
0x91: {  	s19 =	sld [smem:$0x3FFB];
	_ =	sdelay $0x3  }
0x92: {  	_ =	strace s19  }
0x93: {  	s2 =	sld [smem:$0x3FFC];
	_ =	sdelay $0x3  }
0x94: {  	_ =	strace s2  }
0x95: {  	s2 =	sld [smem:$0x3FFD];
	_ =	sdelay $0x3  }
0x96: {  	_ =	strace s2  }
0x97: {  	_ =	strace $0x8FFFFFFF  }
0x98: {  	s20 =	sld [smem:$0x3FDB];
	_ =	sdelay $0x1  }
0x99: {  	s4 =	simm.s32 $_scs_section_size  }
0x9a: {  	s5 =	simm.s32 $_size__tile_overlayer_lowered;
	s6 =	simm.s32 $_tile_overlayer_lowered  }
0x9b: {  	s7 =	simm.s32 $0x1BFF;
	s21 =	sshll.u32 s6, $0x1;
	s4 =	sadd.s32 s4, s20  }
0x9c: {  	s22 =	simm.s32 $0x0;
	s5 =	sshll.u32 s5, $0x1;
	s6 =	sadd.s32 s21, s4  }
0x9d: {  	[timem:s22], [sflag:s7] =	dma.local [hbm:s6], s5  }
0x9e: {  	_ =	swait.ge [sflag:s7], s5  }
0x9f: {  	s5 =	ssub.s32 $0x0, s5;
	[sflag:s7] =	ssyncset.done $0x0  }
0xa0: {  	[sflag:s7] =	ssyncadd.s32 s5;
	_ =	sdelay $0x1  }
0xa1: {  	s23 =	simm.s32 $0x1B8B  }
0xa2: {  	_ =	swait.ge [sflag:s23], $0x1  }
0xa3: {  	[sflag:s23] =	ssyncset.done $0x0  }
0xa4: {  	[sflag:s23] =	ssyncadd.s32 $0xFFFFFFFF  }
0xa5: {  	s5 =	sld [smem:$0x0]  }
0xa6: {  	s6 =	sand.u32 $0xFFFFFFFE, s1  }
0xa7: {  	p0 =	sne.s32 s1, s6  }
0xa8: {  	s6 =	sshll.u32 @p0 s6, $0xE  }
0xa9: {  	s6 =	sadd.s32 @p0 $0x11B8D, s6;
	s7 =	sshll.u32 @p0 s5, $0x11  }
0xaa: {  	s6 =	sor.u32 @p0 s7, s6  }
0xab: {  	[sflag:s6] =	ssyncadd.remote.s32 @p0 $0x1;
	_ =	sdelay $0x1  }
0xac: {  	s6 =	simm.s32 @p0 $0x1B8D  }
0xad: {  	_ =	swait.eq @p0 [sflag:s6], $0x1  }
0xae: {  	[sflag:s6] =	ssyncadd.s32 @p0 $0xFFFFFFFF  }
0xaf: {  	s7 =	sshll.u32 @!p0 s1, $0xE  }
0xb0: {  	s7 =	sor.u32 @!p0 $0x4000, s7;
	s6 =	simm.s32 @!p0 $0x1B8D  }
0xb1: {  	s5 =	sshll.u32 @!p0 s5, $0x11;
	s7 =	sadd.s32 @!p0 $0x11B8D, s7;
	_ =	swait.eq @!p0 [sflag:s6], $0x1  }
0xb2: {  	s5 =	sor.u32 @!p0 s5, s7;
	[sflag:s6] =	ssyncadd.s32 @!p0 $0xFFFFFFFF  }
0xb3: {  	s25 =	simm.s32 $0x1B8E;
	s24 =	sld [smem:$0x3FFE];
	[sflag:s5] =	ssyncadd.remote.s32 @!p0 $0x1  }
0xb4: {  	s26 =	simm.s32 $execute0_lowered;
	[smem:$0x3FD2] =	sst s25  }
0xb5: {  	s6 =	sshll.u32 s26, $0x1;
	_ =	strace $0x80000064;
	[dreg:$0x1] =	wrdreg $0xFFFFFFFF  }
0xb6: {  	s28 =	simm.s32 $_size_execute0_lowered;
	s4 =	sadd.s32 s4, s6;
	[dreg:$0x0] =	wrdreg $0x0  }
0xb7: {  	s6 =	sshll.u32 s28, $0x1;
	[dreg:$0x2] =	wrdreg s4  }
0xb8: {  	[dreg:$0x3] =	wrdreg s6  }
0xb9: {  	[dreg:$0x4] =	wrdreg $0xC0  }
0xba: {  	_ =	task [dreg:s22], $0x5FFFF  }
0xbb: {  	[dreg:$0x1] =	wrdreg $0xFFFFFFFF  }
0xbc: {  	[dreg:$0x0] =	wrdreg $0x60  }
0xbd: {  	[dreg:$0x2] =	wrdreg s18  }
0xbe: {  	[dreg:$0x3] =	wrdreg s24  }
0xbf: {  	[dreg:$0x4] =	wrdreg $0x9  }
0xc0: {  	_ =	task.clear_ibuf [dreg:s22], $0x5FFFF;
	_ =	strace $0x90000064  }
0xc1: {  	s29 =	simm.s32 $0x9;
	_ =	strace $0x8000006D  }
0xc2: {  	_ =	swait.ge [sflag:s29], $0x1  }
0xc3: {  	[sflag:s29] =	ssyncadd.s32 $0xFFFFFFFF  }
0xc4: {  	_ =	strace $0x9000006D  }
0xc5: {  	_ =	sfence  }
0xc6: {  	s30 =	sld [smem:$0x0];
	_ =	sdelay $0x2  }
0xc7: {  	s31 =	sshll.u32 s1, $0xD;
	s1 =	sshrl.u32 s1, $0x2  }
0xc8: {  	s4 =	sand.u32 $0x4000, s31;
	s1 =	sadd.s32 s1, s30  }
0xc9: {  	s0 =	sor.u32 s4, s0;
	s1 =	sshll.u32 s1, $0x11  }
0xca: {  	s0 =	sor.u32 s1, s0  }
0xcb: {  	s0 =	sadd.s32 $0x8F2B, s0  }
0xcc: {  	[sflag:s0] =	ssyncadd.remote.s32 $0x1  }
0xcd: {  	_ =	sfence.sel $0xFFFF  }
0xce: {  	[dreg:$0x0] =	wrdreg $0xFFFFFFFF;
	(pc) =	sbr.abs _section_cstart, $3  }
0xcf: {  	[dreg:$0x1] =	wrdreg $0xFFFFFFFF  }
0xd0: {  	_ =	task.clear_ibuf [dreg:s22], $0x2FFFF;
	_ =	strace $0x9FFFFFFF  }
0xd1: {  	(tm) =	ssettm $0x7FFFFFFF  }
tec
execute0_lowered:
.L_overlay_start_1:
0x0: {  	(tag) =	ssettag $0x1  }
0x1: {  	s1 =	srdreg.scid  }
0x2: {  	s0 =	stileid.u32;
	s20 =	sand.u32 $0x1, s1  }
0x3: {  	s3 =	sshll.u32 s0, $0x2;
	s1 =	sshll.u32 s20, $0x6  }
0x4: {  	s2 =	rddreg [dreg:$0x0];
	s14 =	sor.u32 s3, s1  }
0x5: {  	s10 =	rddreg [dreg:$0x1];
	s3 =	simm.s32 $0x0;
	s4 =	smul.u32 $0x190, s14  }
0x6: {  	[smem:$0x7FF] =	sst s3;
	s5 =	smul.u32 $0xC80, s14  }
0x7: {  	s6 =	sadd.s32 $0x27F000, s10;
	s1 =	rddreg [dreg:$0x2];
	_ =	strace $0x80000065  }
0x8: {  	s4 =	sadd.s32 s6, s4;
	s5 =	sshrl.u32 s5, $0x3;
	_ =	strace $0x80000066  }
0x9: {  	[tilespmem:s3], [sflag:$0x1] =	stream.linear.gather [hbm4b:s4+s3], $0xC80, $0x200038;
	[tilespmem:$0x1A900] =	vst v63  }
0xa: {  	s16 =	sadd.s32 s6, s5;
	_ =	strace $0x90000066  }
0xb: {  	s6 =	simm.s32 $0xC80;
	s5 =	sadd.s32 $0x190, s16;
	_ =	strace $0x80000067  }
0xc: {  	[tilespmem:s6], [sflag:$0x2] =	stream.linear.gather [hbm4b:s5+s3], $0xC80, $0x200038;
	[tilespmem:$0x1A900] =	vst v63  }
0xd: {  	_ =	strace $0x90000067  }
0xe: {  	s7 =	simm.s32 $0x1;
	_ =	strace $0x80000068  }
0xf: {  	_ =	swait.ge [sflag:s7], $0xC80  }
0x10: {  	[sflag:s7] =	ssyncset.done $0x0  }
0x11: {  	[sflag:s7] =	ssyncadd.s32 $0xFFFFF380  }
0x12: {  	_ =	strace $0x90000068  }
0x13: {  	s8 =	simm.s32 $0x1900;
	s9 =	simm.s32 $0x5;
	_ =	strace $0x80000069  }
0x14: {  	[tilespmem:s8], [sflag:$0x5] =	stream.indirect.gather [hbm4b:s2+s6], $0x10, s3, s6, $0x2000b8;
	[tilespmem:$0x1A900] =	vst v63  }
0x15: {  	_ =	swait.ge [sflag:s9], $0xC800  }
0x16: {  	[sflag:s9] =	ssyncset.done $0x0  }
0x17: {  	s11 =	smul.u32 $0x1900, s14;
	[sflag:s9] =	ssyncadd.s32 $0xFFFF3800  }
0x18: {  	s15 =	sadd.s32 $0x28B800, s10;
	_ =	strace $0x90000069  }
0x19: {  	s10 =	sadd.s32 s15, s11;
	_ =	strace $0x8000006A  }
0x1a: {  	[hbm4b:s10+s3] =	stream.linear.scatter [tilespmem:s8], [sflag:$0x3], $0xC800, $0x200038;
	[tilespmem:$0x1A900] =	vst v63  }
0x1b: {  	_ =	strace $0x9000006A  }
0x1c: {  	s11 =	sadd.s32 $0x320, s16;
	_ =	strace $0x80000067  }
0x1d: {  	[tilespmem:s3], [sflag:$0x1] =	stream.linear.gather [hbm4b:s11+s3], $0xC80, $0x200038;
	[tilespmem:$0x1A900] =	vst v63  }
0x1e: {  	_ =	strace $0x90000067  }
0x1f: {  	s12 =	simm.s32 $0x2;
	_ =	strace $0x80000068  }
0x20: {  	_ =	swait.ge [sflag:s12], $0xC80  }
0x21: {  	[sflag:s12] =	ssyncset.done $0x0  }
0x22: {  	[sflag:s12] =	ssyncadd.s32 $0xFFFFF380  }
0x23: {  	_ =	strace $0x90000068  }
0x24: {  	s13 =	simm.s32 $0xE100;
	_ =	strace $0x80000069  }
0x25: {  	[tilespmem:s13], [sflag:$0x5] =	stream.indirect.gather [hbm4b:s2+s6], $0x10, s6, s6, $0x2000b8;
	[tilespmem:$0x1A900] =	vst v63  }
0x26: {  	s14 =	smul.u32 $0xC800, s14;
	_ =	swait.ge [sflag:s9], $0xC800  }
0x27: {  	[sflag:s9] =	ssyncset.done $0x0  }
0x28: {  	s14 =	sshrl.u32 s14, $0x3;
	[sflag:s9] =	ssyncadd.s32 $0xFFFF3800  }
0x29: {  	s19 =	sadd.s32 s15, s14;
	_ =	strace $0x90000069  }
0x2a: {  	s14 =	sadd.s32 $0x1900, s19;
	_ =	strace $0x8000006A  }
0x2b: {  	[hbm4b:s14+s3] =	stream.linear.scatter [tilespmem:s13], [sflag:$0x4], $0xC800, $0x200038;
	[tilespmem:$0x1A900] =	vst v63  }
0x2c: {  	_ =	strace $0x9000006A  }
0x2d: {  	s15 =	simm.s32 $0x3;
	_ =	strace $0x8000006B  }
0x2e: {  	_ =	swait.ge [sflag:s15], $0xC800  }
0x2f: {  	[sflag:s15] =	ssyncset.done $0x0  }
0x30: {  	[sflag:s15] =	ssyncadd.s32 $0xFFFF3800  }
0x31: {  	_ =	strace $0x9000006B  }
0x32: {  	s16 =	sadd.s32 $0x4B0, s16;
	_ =	strace $0x80000067  }
0x33: {  	[tilespmem:s6], [sflag:$0x2] =	stream.linear.gather [hbm4b:s16+s3], $0xC80, $0x200038;
	[tilespmem:$0x1A900] =	vst v63  }
0x34: {  	_ =	strace $0x90000067  }
0x35: {  	_ =	strace $0x80000068  }
0x36: {  	_ =	swait.ge [sflag:s7], $0xC80  }
0x37: {  	[sflag:s7] =	ssyncset.done $0x0  }
0x38: {  	[sflag:s7] =	ssyncadd.s32 $0xFFFFF380  }
0x39: {  	_ =	strace $0x90000068  }
0x3a: {  	_ =	strace $0x80000069  }
0x3b: {  	[tilespmem:s8], [sflag:$0x5] =	stream.indirect.gather [hbm4b:s2+s6], $0x10, s3, s6, $0x2000b8;
	[tilespmem:$0x1A900] =	vst v63  }
0x3c: {  	_ =	swait.ge [sflag:s9], $0xC800  }
0x3d: {  	[sflag:s9] =	ssyncset.done $0x0  }
0x3e: {  	[sflag:s9] =	ssyncadd.s32 $0xFFFF3800  }
0x3f: {  	_ =	strace $0x90000069  }
0x40: {  	s17 =	sadd.s32 $0x3200, s19;
	_ =	strace $0x8000006A  }
0x41: {  	[hbm4b:s17+s3] =	stream.linear.scatter [tilespmem:s8], [sflag:$0x3], $0xC800, $0x200038;
	[tilespmem:$0x1A900] =	vst v63  }
0x42: {  	_ =	strace $0x9000006A  }
0x43: {  	s18 =	simm.s32 $0x4;
	_ =	strace $0x8000006B  }
0x44: {  	_ =	swait.ge [sflag:s18], $0xC800  }
0x45: {  	[sflag:s18] =	ssyncset.done $0x0  }
0x46: {  	[sflag:s18] =	ssyncadd.s32 $0xFFFF3800  }
0x47: {  	_ =	strace $0x9000006B  }
0x48: {  	_ =	strace $0x80000068  }
0x49: {  	_ =	swait.ge [sflag:s12], $0xC80  }
0x4a: {  	[sflag:s12] =	ssyncset.done $0x0  }
0x4b: {  	[sflag:s12] =	ssyncadd.s32 $0xFFFFF380  }
0x4c: {  	_ =	strace $0x90000068  }
0x4d: {  	_ =	strace $0x80000069  }
0x4e: {  	[tilespmem:s13], [sflag:$0x5] =	stream.indirect.gather [hbm4b:s2+s6], $0x10, s6, s6, $0x2000b8;
	[tilespmem:$0x1A900] =	vst v63  }
0x4f: {  	_ =	swait.ge [sflag:s9], $0xC800  }
0x50: {  	[sflag:s9] =	ssyncset.done $0x0  }
0x51: {  	[sflag:s9] =	ssyncadd.s32 $0xFFFF3800  }
0x52: {  	_ =	strace $0x90000069  }
0x53: {  	s19 =	sadd.s32 $0x4B00, s19;
	_ =	strace $0x8000006A  }
0x54: {  	[hbm4b:s19+s3] =	stream.linear.scatter [tilespmem:s13], [sflag:$0x4], $0xC800, $0x200038;
	[tilespmem:$0x1A900] =	vst v63  }
0x55: {  	s20 =	ssub.s32 $0x2, s20;
	_ =	strace $0x9000006A  }
0x56: {  	s21 =	sshrl.u32 s20, $0x1;
	_ =	strace $0x8000006B  }
0x57: {  	s20 =	ssub.s32 s20, s21;
	_ =	swait.ge [sflag:s15], $0xC800  }
0x58: {  	s20 =	smax.u32 s20, $0x1;
	[sflag:s15] =	ssyncset.done $0x0  }
0x59: {  	p0 =	sne.s32 s20, $0x1;
	[sflag:s15] =	ssyncadd.s32 $0xFFFF3800  }
.Ltmp0:
0x5a: {  	_ =	strace $0x9000006B;
	(pc) =	sbr.rel @!p0 .LBB2_2-.Ltmp0, $4  }
0x5b: {  	_ =	strace $0x8000006C  }
0x5c: {  	_ =	swait.ge [sflag:s18], $0xC800  }
0x5d: {  	[sflag:s18] =	ssyncset.done $0x0  }
0x5e: {  	s20 =	sadd.s32 $0xFFFFFFFF, s20;
	[sflag:s18] =	ssyncadd.s32 $0xFFFF3800  }
.LBB2_1:
0x5f: {  	p0 =	sne.s32 s20, $0x1;
	s20 =	sadd.s32 $0xFFFFFFFF, s20;
	_ =	strace $0x9000006C  }
0x60: {  	_ =	strace $0x80000066  }
0x61: {  	[tilespmem:s3], [sflag:$0x1] =	stream.linear.gather [hbm4b:s4+s3], $0xC80, $0x200038;
	[tilespmem:$0x1A900] =	vst v63  }
0x62: {  	_ =	strace $0x90000066  }
0x63: {  	_ =	strace $0x80000067  }
0x64: {  	[tilespmem:s6], [sflag:$0x2] =	stream.linear.gather [hbm4b:s5+s3], $0xC80, $0x200038;
	[tilespmem:$0x1A900] =	vst v63  }
0x65: {  	_ =	strace $0x90000067  }
0x66: {  	_ =	strace $0x80000068  }
0x67: {  	_ =	swait.ge [sflag:s7], $0xC80  }
0x68: {  	[sflag:s7] =	ssyncset.done $0x0  }
0x69: {  	[sflag:s7] =	ssyncadd.s32 $0xFFFFF380  }
0x6a: {  	_ =	strace $0x90000068  }
0x6b: {  	_ =	strace $0x80000069  }
0x6c: {  	[tilespmem:s8], [sflag:$0x5] =	stream.indirect.gather [hbm4b:s2+s6], $0x10, s3, s6, $0x2000b8;
	[tilespmem:$0x1A900] =	vst v63  }
0x6d: {  	_ =	swait.ge [sflag:s9], $0xC800  }
0x6e: {  	[sflag:s9] =	ssyncset.done $0x0  }
0x6f: {  	[sflag:s9] =	ssyncadd.s32 $0xFFFF3800  }
0x70: {  	_ =	strace $0x90000069  }
0x71: {  	_ =	strace $0x8000006A  }
0x72: {  	[hbm4b:s10+s3] =	stream.linear.scatter [tilespmem:s8], [sflag:$0x3], $0xC800, $0x200038;
	[tilespmem:$0x1A900] =	vst v63  }
0x73: {  	_ =	strace $0x9000006A  }
0x74: {  	_ =	strace $0x80000067  }
0x75: {  	[tilespmem:s3], [sflag:$0x1] =	stream.linear.gather [hbm4b:s11+s3], $0xC80, $0x200038;
	[tilespmem:$0x1A900] =	vst v63  }
0x76: {  	_ =	strace $0x90000067  }
0x77: {  	_ =	strace $0x80000068  }
0x78: {  	_ =	swait.ge [sflag:s12], $0xC80  }
0x79: {  	[sflag:s12] =	ssyncset.done $0x0  }
0x7a: {  	[sflag:s12] =	ssyncadd.s32 $0xFFFFF380  }
0x7b: {  	_ =	strace $0x90000068  }
0x7c: {  	_ =	strace $0x80000069  }
0x7d: {  	[tilespmem:s13], [sflag:$0x5] =	stream.indirect.gather [hbm4b:s2+s6], $0x10, s6, s6, $0x2000b8;
	[tilespmem:$0x1A900] =	vst v63  }
0x7e: {  	_ =	swait.ge [sflag:s9], $0xC800  }
0x7f: {  	[sflag:s9] =	ssyncset.done $0x0  }
0x80: {  	[sflag:s9] =	ssyncadd.s32 $0xFFFF3800  }
0x81: {  	_ =	strace $0x90000069  }
0x82: {  	_ =	strace $0x8000006A  }
0x83: {  	[hbm4b:s14+s3] =	stream.linear.scatter [tilespmem:s13], [sflag:$0x4], $0xC800, $0x200038;
	[tilespmem:$0x1A900] =	vst v63  }
0x84: {  	_ =	strace $0x9000006A  }
0x85: {  	_ =	strace $0x8000006B  }
0x86: {  	_ =	swait.ge [sflag:s15], $0xC800  }
0x87: {  	[sflag:s15] =	ssyncset.done $0x0  }
0x88: {  	[sflag:s15] =	ssyncadd.s32 $0xFFFF3800  }
0x89: {  	_ =	strace $0x9000006B  }
0x8a: {  	_ =	strace $0x80000067  }
0x8b: {  	[tilespmem:s6], [sflag:$0x2] =	stream.linear.gather [hbm4b:s16+s3], $0xC80, $0x200038;
	[tilespmem:$0x1A900] =	vst v63  }
0x8c: {  	_ =	strace $0x90000067  }
0x8d: {  	_ =	strace $0x80000068  }
0x8e: {  	_ =	swait.ge [sflag:s7], $0xC80  }
0x8f: {  	[sflag:s7] =	ssyncset.done $0x0  }
0x90: {  	[sflag:s7] =	ssyncadd.s32 $0xFFFFF380  }
0x91: {  	_ =	strace $0x90000068  }
0x92: {  	_ =	strace $0x80000069  }
0x93: {  	[tilespmem:s8], [sflag:$0x5] =	stream.indirect.gather [hbm4b:s2+s6], $0x10, s3, s6, $0x2000b8;
	[tilespmem:$0x1A900] =	vst v63  }
0x94: {  	_ =	swait.ge [sflag:s9], $0xC800  }
0x95: {  	[sflag:s9] =	ssyncset.done $0x0  }
0x96: {  	[sflag:s9] =	ssyncadd.s32 $0xFFFF3800  }
0x97: {  	_ =	strace $0x90000069  }
0x98: {  	_ =	strace $0x8000006A  }
0x99: {  	[hbm4b:s17+s3] =	stream.linear.scatter [tilespmem:s8], [sflag:$0x3], $0xC800, $0x200038;
	[tilespmem:$0x1A900] =	vst v63  }
0x9a: {  	_ =	strace $0x9000006A  }
0x9b: {  	_ =	strace $0x8000006B  }
0x9c: {  	_ =	swait.ge [sflag:s18], $0xC800  }
0x9d: {  	[sflag:s18] =	ssyncset.done $0x0  }
0x9e: {  	[sflag:s18] =	ssyncadd.s32 $0xFFFF3800  }
0x9f: {  	_ =	strace $0x9000006B  }
0xa0: {  	_ =	strace $0x80000068  }
0xa1: {  	_ =	swait.ge [sflag:s12], $0xC80  }
0xa2: {  	[sflag:s12] =	ssyncset.done $0x0  }
0xa3: {  	[sflag:s12] =	ssyncadd.s32 $0xFFFFF380  }
0xa4: {  	_ =	strace $0x90000068  }
0xa5: {  	_ =	strace $0x80000069  }
0xa6: {  	[tilespmem:s13], [sflag:$0x5] =	stream.indirect.gather [hbm4b:s2+s6], $0x10, s6, s6, $0x2000b8;
	[tilespmem:$0x1A900] =	vst v63  }
0xa7: {  	_ =	swait.ge [sflag:s9], $0xC800  }
0xa8: {  	[sflag:s9] =	ssyncset.done $0x0  }
0xa9: {  	[sflag:s9] =	ssyncadd.s32 $0xFFFF3800  }
0xaa: {  	_ =	strace $0x90000069  }
0xab: {  	_ =	strace $0x8000006A  }
0xac: {  	[hbm4b:s19+s3] =	stream.linear.scatter [tilespmem:s13], [sflag:$0x4], $0xC800, $0x200038;
	[tilespmem:$0x1A900] =	vst v63  }
0xad: {  	_ =	strace $0x9000006A  }
0xae: {  	_ =	strace $0x8000006B  }
0xaf: {  	_ =	swait.ge [sflag:s15], $0xC800  }
0xb0: {  	[sflag:s15] =	ssyncset.done $0x0  }
0xb1: {  	[sflag:s15] =	ssyncadd.s32 $0xFFFF3800  }
.Ltmp1:
0xb2: {  	_ =	strace $0x9000006B;
	(pc) =	sbr.rel @p0 .LBB2_1-.Ltmp1, $4  }
0xb3: {  	_ =	strace $0x8000006C  }
0xb4: {  	_ =	swait.ge [sflag:s18], $0xC800  }
0xb5: {  	[sflag:s18] =	ssyncset.done $0x0  }
0xb6: {  	[sflag:s18] =	ssyncadd.s32 $0xFFFF3800  }
.LBB2_2:
0xb7: {  	_ =	strace $0x9000006C  }
0xb8: {  	_ =	sfence.sel $0x180000  }
0xb9: {  	[bflag:$0x0] =	sbarrier.arrive $0xFFFF  }
0xba: {  	p0 =	sne.s32 s0, $0x0;
	_ =	strace $0x90000065  }
0xbb: {  	s0 =	sadd.s32 @!p0 $0x100000, s1;
	[bflag:$0x2] =	sbarrier.arrive $0xFFFF  }
0xbc: {  	[sflag:s0] =	ssyncadd.tile.s32 @!p0 $0x1;
	_ =	shalt  }
.Lfunc_end2:
_tile_overlayer_lowered:
.L_overlay_start_2:
0xbd: {  	(tag) =	ssettag $0x2  }
0xbe: {  	s0 =	rddreg [dreg:$0x0];
	s2 =	stileid.u32  }
0xbf: {  	s1 =	rddreg [dreg:$0x1];
	p0 =	sne.s32 s2, $0x0  }
0xc0: {  	s3 =	rddreg [dreg:$0x2];
	[bflag:$0x3] =	sbarrier.arrive $0xFFFF;
	s2 =	simm.s32 @!p0 $0x1C01  }
0xc1: {  	[timem:s3], [sflag:s2] =	dma.local @!p0 [hbm:s0], s1  }
0xc2: {  	s0 =	simm.s32 @!p0 $0x1  }
0xc3: {  	_ =	swait.ge @!p0 [sflag:s0], s1  }
0xc4: {  	s1 =	ssub.s32 @!p0 $0x0, s1;
	[sflag:s0] =	ssyncset.done @!p0 $0x0  }
0xc5: {  	[sflag:s0] =	ssyncadd.s32 @!p0 s1  }
0xc6: {  	[bflag:$0x3] =	sbarrier.arrive $0xFFFF  }
0xc7: {  	_ =	shalt  }

// kernel: kernel.13.cloned.1.call-start
scs
__scs_entry_jumppad:
0x0: {  	(pc) =	sbr.rel $0x88, $3  }
0x1: {  	(tag) =	ssettag $0x0;
	lr =	simm.s32 $0x1  }
0x2: {  	[smem:$0x3F9D] =	sst lr;
	_ =	strace $0xD0000000  }
0x3: {  	_ = 	snop  }
0x4: {  	_ = 	snop  }
0x5: {  	_ = 	snop  }
0x6: {  	_ = 	snop  }
0x7: {  	_ = 	snop  }
__scs_overlays_trampoline_lowered:
0x8: {  	[smem:$0x3FAC] =	sst s0  }
0x9: {  	[smem:$0x3FAD] =	sst s1  }
0xa: {  	[smem:$0x3FAE] =	sst s2  }
0xb: {  	[smem:$0x3FAF] =	sst s3  }
0xc: {  	[smem:$0x3FB0] =	sst s4  }
0xd: {  	[smem:$0x3FB1] =	sst s5  }
0xe: {  	[smem:$0x3FB2] =	sst s6  }
0xf: {  	[smem:$0x3FB3] =	sst s7  }
0x10: {  	[smem:$0x3FB4] =	sst s8  }
0x11: {  	[smem:$0x3FB5] =	sst s9;
	s0 =	simm.s32 @!p0 $0x0  }
0x12: {  	s1 =	sld [smem:$0x3F9B];
	s0 =	simm.s32 @p0 $0x1  }
0x13: {  	[smem:$0x3FB6] =	sst s0;
	s0 =	simm.s32 @!p1 $0x0  }
0x14: {  	s2 =	sld [smem:$0x3F9A];
	s0 =	simm.s32 @p1 $0x1  }
0x15: {  	[smem:$0x3FB7] =	sst s0;
	s0 =	simm.s32 @!p2 $0x0  }
0x16: {  	s3 =	sld [smem:$0x3FDB];
	s0 =	simm.s32 @p2 $0x1  }
0x17: {  	s4 =	simm.s32 $0x1BF5;
	[smem:$0x3FB9] =	sst s0  }
0x18: {  	s0 =	sld [smem:$0x3F9C];
	_ =	swait.ge [sflag:s4], $0x0  }
0x19: {  	s7 =	sld [smem:$0x3F9D]  }
0x1a: {  	s8 =	sadd.s32 $0xFFFFE003, lr  }
0x1b: {  	s9 =	sadd.s32 $0xFFFFFEF7, lr;
	s5 =	simm.s32 $0xFFFFFFFF;
	p2 =	slt.u32 s8, $0xFFFFF086  }
0x1c: {  	p1 =	slt.u32 s9, $0xF7A;
	s5 =	simm.s32 @!p2 $0x0  }
0x1d: {  	s5 =	simm.s32 @p1 $0x1;
	p0 =	seq.s32 s7, s2  }
0x1e: {  	s7 =	smul.u32 @!p0 $0xF7A, s2;
	p2 =	seq.s32 @!p0 s5, $0x0  }
0x1f: {  	s9 =	smul.u32 $0xF7A, s1;
	s8 =	simm.s32 @!p0 $0x1BF5;
	p2 =	por !p2, p0  }
0x20: {  	[sflag:s8] =	ssyncset.s32 @!p0 $0xFFFFF086;
	s6 =	sadd.s32 @!p0 s3, s7;
	s7 =	simm.s32 @!p0 $0x108  }
0x21: {  	s3 =	sadd.s32 s3, s9;
	s6 =	sadd.s32 @!p0 $0x88, s6;
	s7 =	simm.s32 @p2 $0x1082  }
0x22: {  	[simem:s7], [sflag:s8] =	dma.local @!p0 [hbm:s6], $0xF7A  }
0x23: {  	s9 =	sor.u32 $0xD0000000, s2;
	s6 =	simm.s32 $0x108;
	_ =	swait.ge @!p0 [sflag:s8], $0x0  }
0x24: {  	s3 =	sadd.s32 $0x88, s3;
	s6 =	simm.s32 @!p1 $0x1082;
	[sflag:s4] =	ssyncset.s32 $0xFFFFF086  }
0x25: {  	[simem:s6], [sflag:s4] =	dma.local [hbm:s3], $0xF7A  }
0x26: {  	[smem:$0x3F9D] =	sst s1;
	(tag) =	ssettag s2;
	_ =	strace s9  }
0x27: {  	s1 =	sld [smem:$0x3FAD]  }
0x28: {  	s2 =	sld [smem:$0x3FAE]  }
0x29: {  	s4 =	sld [smem:$0x3FB0]  }
0x2a: {  	p0 =	seq.s32 s5, $0x0;
	s5 =	sld [smem:$0x3FB1]  }
0x2b: {  	s6 =	sld [smem:$0x3FB2]  }
0x2c: {  	s7 =	sld [smem:$0x3FB3]  }
0x2d: {  	s3 =	simm.s32 $0x108;
	s8 =	sld [smem:$0x3FB4]  }
0x2e: {  	s3 =	simm.s32 @!p0 $0x1082;
	s9 =	sld [smem:$0x3FB5]  }
0x2f: {  	lr =	sadd.s32 s0, s3;
	s0 =	sld [smem:$0x3FAC]  }
0x30: {  	s3 =	sld [smem:$0x3FAF]  }
0x31: {  	[smem:$0x3FB8] =	sst s10  }
0x32: {  	s10 =	sld [smem:$0x3FB6];
	_ =	sdelay $0x3  }
0x33: {  	p0 =	seq.s32 s10, $0x1;
	s10 =	sld [smem:$0x3FB8];
	_ =	sdelay $0x3  }
0x34: {  	[smem:$0x3FB8] =	sst s10  }
0x35: {  	s10 =	sld [smem:$0x3FB7];
	_ =	sdelay $0x3  }
0x36: {  	p1 =	seq.s32 s10, $0x1;
	s10 =	sld [smem:$0x3FB8];
	_ =	sdelay $0x3  }
0x37: {  	[smem:$0x3FB8] =	sst s10  }
0x38: {  	s10 =	sld [smem:$0x3FB9]  }
0x39: {  	_ = 	snop;
	(pc) =	sbr.ind lr, $3  }
0x3a: {  	_ = 	snop  }
0x3b: {  	_ = 	snop  }
0x3c: {  	p2 =	seq.s32 s10, $0x1;
	s10 =	sld [smem:$0x3FB8]  }
0x3d: {  	_ =	shalt  }
0x3e: {  	_ =	shalt  }
0x3f: {  	_ =	shalt  }
0x40: {  	_ =	shalt  }
0x41: {  	_ =	shalt  }
0x42: {  	_ =	shalt  }
0x43: {  	_ =	shalt  }
0x44: {  	_ =	shalt  }
0x45: {  	_ =	shalt  }
0x46: {  	_ =	shalt  }
0x47: {  	_ =	shalt  }
0x48: {  	_ =	shalt  }
0x49: {  	_ =	shalt  }
0x4a: {  	_ =	shalt  }
0x4b: {  	_ =	shalt  }
0x4c: {  	_ =	shalt  }
0x4d: {  	_ =	shalt  }
0x4e: {  	_ =	shalt  }
0x4f: {  	_ =	shalt  }
0x50: {  	_ =	shalt  }
0x51: {  	_ =	shalt  }
0x52: {  	_ =	shalt  }
0x53: {  	_ =	shalt  }
0x54: {  	_ =	shalt  }
0x55: {  	_ =	shalt  }
0x56: {  	_ =	shalt  }
0x57: {  	_ =	shalt  }
0x58: {  	_ =	shalt  }
0x59: {  	_ =	shalt  }
0x5a: {  	_ =	shalt  }
0x5b: {  	_ =	shalt  }
0x5c: {  	_ =	shalt  }
0x5d: {  	_ =	shalt  }
0x5e: {  	_ =	shalt  }
0x5f: {  	_ =	shalt  }
0x60: {  	_ =	shalt  }
0x61: {  	_ =	shalt  }
0x62: {  	_ =	shalt  }
0x63: {  	_ =	shalt  }
0x64: {  	_ =	shalt  }
0x65: {  	_ =	shalt  }
0x66: {  	_ =	shalt  }
0x67: {  	_ =	shalt  }
0x68: {  	_ =	shalt  }
0x69: {  	_ =	shalt  }
0x6a: {  	_ =	shalt  }
0x6b: {  	_ =	shalt  }
0x6c: {  	_ =	shalt  }
0x6d: {  	_ =	shalt  }
0x6e: {  	_ =	shalt  }
0x6f: {  	_ =	shalt  }
0x70: {  	_ =	shalt  }
0x71: {  	_ =	shalt  }
0x72: {  	_ =	shalt  }
0x73: {  	_ =	shalt  }
0x74: {  	_ =	shalt  }
0x75: {  	_ =	shalt  }
0x76: {  	_ =	shalt  }
0x77: {  	_ =	shalt  }
0x78: {  	_ =	shalt  }
0x79: {  	_ =	shalt  }
0x7a: {  	_ =	shalt  }
0x7b: {  	_ =	shalt  }
0x7c: {  	_ =	shalt  }
0x7d: {  	_ =	shalt  }
0x7e: {  	_ =	shalt  }
0x7f: {  	_ =	shalt  }
0x80: {  	_ =	shalt  }
0x81: {  	_ =	shalt  }
0x82: {  	_ =	shalt  }
0x83: {  	_ =	shalt  }
0x84: {  	_ =	shalt  }
0x85: {  	_ =	shalt  }
0x86: {  	_ =	shalt  }
0x87: {  	_ =	shalt  }
.Lfunc_end0:
.L_simem_size_0:
called_computation.1_lowered:
.L_overlay_start_0:
0x88: {  	s2 =	sld [smem:$0x3FD9]  }
0x89: {  	s3 =	sld [smem:$0x3FFE];
	_ =	sdelay $0x1  }
0x8a: {  	s1 =	srdreg.scid  }
0x8b: {  	s0 =	sand.u32 $0x1, s1  }
0x8c: {  	s17 =	sshll.u32 s0, $0xA;
	s2 =	sadd.s32 s3, s2  }
0x8d: {  	s2 =	sadd.s32 s2, s17  }
0x8e: {  	[smem:$0x3FC4] =	sst s2  }
0x8f: {  	_ = 	snop  }
0x90: {  	s18 =	sld [smem:$0x3FD0];
	(tm) =	ssettm $0x1  }
0x91: {  	s19 =	sld [smem:$0x3FFB];
	_ =	sdelay $0x3  }
0x92: {  	_ =	strace s19  }
0x93: {  	s2 =	sld [smem:$0x3FFC];
	_ =	sdelay $0x3  }
0x94: {  	_ =	strace s2  }
0x95: {  	s2 =	sld [smem:$0x3FFD];
	_ =	sdelay $0x3  }
0x96: {  	_ =	strace s2  }
0x97: {  	_ =	strace $0x8FFFFFFF  }
0x98: {  	s20 =	sld [smem:$0x3FDB];
	_ =	sdelay $0x1  }
0x99: {  	s4 =	simm.s32 $_scs_section_size  }
0x9a: {  	s5 =	simm.s32 $_size__tile_overlayer_lowered;
	s6 =	simm.s32 $_tile_overlayer_lowered  }
0x9b: {  	s7 =	simm.s32 $0x1BFF;
	s21 =	sshll.u32 s6, $0x1;
	s4 =	sadd.s32 s4, s20  }
0x9c: {  	s22 =	simm.s32 $0x0;
	s5 =	sshll.u32 s5, $0x1;
	s6 =	sadd.s32 s21, s4  }
0x9d: {  	[timem:s22], [sflag:s7] =	dma.local [hbm:s6], s5  }
0x9e: {  	_ =	swait.ge [sflag:s7], s5  }
0x9f: {  	s5 =	ssub.s32 $0x0, s5;
	[sflag:s7] =	ssyncset.done $0x0  }
0xa0: {  	[sflag:s7] =	ssyncadd.s32 s5;
	_ =	sdelay $0x1  }
0xa1: {  	s23 =	simm.s32 $0x1B8B  }
0xa2: {  	_ =	swait.ge [sflag:s23], $0x1  }
0xa3: {  	[sflag:s23] =	ssyncset.done $0x0  }
0xa4: {  	[sflag:s23] =	ssyncadd.s32 $0xFFFFFFFF  }
0xa5: {  	s5 =	sld [smem:$0x0]  }
0xa6: {  	s6 =	sand.u32 $0xFFFFFFFE, s1  }
0xa7: {  	p0 =	sne.s32 s1, s6  }
0xa8: {  	s6 =	sshll.u32 @p0 s6, $0xE  }
0xa9: {  	s6 =	sadd.s32 @p0 $0x11B8D, s6;
	s7 =	sshll.u32 @p0 s5, $0x11  }
0xaa: {  	s6 =	sor.u32 @p0 s7, s6  }
0xab: {  	[sflag:s6] =	ssyncadd.remote.s32 @p0 $0x1;
	_ =	sdelay $0x1  }
0xac: {  	s6 =	simm.s32 @p0 $0x1B8D  }
0xad: {  	_ =	swait.eq @p0 [sflag:s6], $0x1  }
0xae: {  	[sflag:s6] =	ssyncadd.s32 @p0 $0xFFFFFFFF  }
0xaf: {  	s7 =	sshll.u32 @!p0 s1, $0xE  }
0xb0: {  	s7 =	sor.u32 @!p0 $0x4000, s7;
	s6 =	simm.s32 @!p0 $0x1B8D  }
0xb1: {  	s5 =	sshll.u32 @!p0 s5, $0x11;
	s7 =	sadd.s32 @!p0 $0x11B8D, s7;
	_ =	swait.eq @!p0 [sflag:s6], $0x1  }
0xb2: {  	s5 =	sor.u32 @!p0 s5, s7;
	[sflag:s6] =	ssyncadd.s32 @!p0 $0xFFFFFFFF  }
0xb3: {  	s25 =	simm.s32 $0x1B8E;
	s24 =	sld [smem:$0x3FFE];
	[sflag:s5] =	ssyncadd.remote.s32 @!p0 $0x1  }
0xb4: {  	s26 =	simm.s32 $execute0_lowered;
	[smem:$0x3FD2] =	sst s25  }
0xb5: {  	s6 =	sshll.u32 s26, $0x1;
	_ =	strace $0x8000005A;
	[dreg:$0x1] =	wrdreg $0xFFFFFFFF  }
0xb6: {  	s28 =	simm.s32 $_size_execute0_lowered;
	s4 =	sadd.s32 s4, s6;
	[dreg:$0x0] =	wrdreg $0x0  }
0xb7: {  	s6 =	sshll.u32 s28, $0x1;
	[dreg:$0x2] =	wrdreg s4  }
0xb8: {  	[dreg:$0x3] =	wrdreg s6  }
0xb9: {  	[dreg:$0x4] =	wrdreg $0xC0  }
0xba: {  	_ =	task [dreg:s22], $0x5FFFF  }
0xbb: {  	[dreg:$0x1] =	wrdreg $0xFFFFFFFF  }
0xbc: {  	[dreg:$0x0] =	wrdreg $0x60  }
0xbd: {  	[dreg:$0x2] =	wrdreg s18  }
0xbe: {  	[dreg:$0x3] =	wrdreg s24  }
0xbf: {  	[dreg:$0x4] =	wrdreg $0xA  }
0xc0: {  	_ =	task.clear_ibuf [dreg:s22], $0x5FFFF;
	_ =	strace $0x9000005A  }
0xc1: {  	s29 =	simm.s32 $0xA;
	_ =	strace $0x80000063  }
0xc2: {  	_ =	swait.ge [sflag:s29], $0x1  }
0xc3: {  	[sflag:s29] =	ssyncadd.s32 $0xFFFFFFFF  }
0xc4: {  	_ =	strace $0x90000063  }
0xc5: {  	_ =	sfence  }
0xc6: {  	s30 =	sld [smem:$0x0];
	_ =	sdelay $0x2  }
0xc7: {  	s31 =	sshll.u32 s1, $0xD;
	s1 =	sshrl.u32 s1, $0x2  }
0xc8: {  	s4 =	sand.u32 $0x4000, s31;
	s1 =	sadd.s32 s1, s30  }
0xc9: {  	s0 =	sor.u32 s4, s0;
	s1 =	sshll.u32 s1, $0x11  }
0xca: {  	s0 =	sor.u32 s1, s0  }
0xcb: {  	s0 =	sadd.s32 $0x8F2B, s0  }
0xcc: {  	[sflag:s0] =	ssyncadd.remote.s32 $0x1  }
0xcd: {  	_ =	sfence.sel $0xFFFF  }
0xce: {  	[dreg:$0x0] =	wrdreg $0xFFFFFFFF;
	(pc) =	sbr.abs _section_cstart, $3  }
0xcf: {  	[dreg:$0x1] =	wrdreg $0xFFFFFFFF  }
0xd0: {  	_ =	task.clear_ibuf [dreg:s22], $0x2FFFF;
	_ =	strace $0x9FFFFFFF  }
0xd1: {  	(tm) =	ssettm $0x7FFFFFFF  }
tec
execute0_lowered:
.L_overlay_start_1:
0x0: {  	(tag) =	ssettag $0x1  }
0x1: {  	s1 =	srdreg.scid  }
0x2: {  	s0 =	stileid.u32;
	s20 =	sand.u32 $0x1, s1  }
0x3: {  	s3 =	sshll.u32 s0, $0x2;
	s1 =	sshll.u32 s20, $0x6  }
0x4: {  	s2 =	rddreg [dreg:$0x0];
	s14 =	sor.u32 s3, s1  }
0x5: {  	s10 =	rddreg [dreg:$0x1];
	s3 =	simm.s32 $0x0;
	s4 =	smul.u32 $0x190, s14  }
0x6: {  	[smem:$0x7FF] =	sst s3;
	s5 =	smul.u32 $0xC80, s14  }
0x7: {  	s6 =	sadd.s32 $0x1AA800, s10;
	s1 =	rddreg [dreg:$0x2];
	_ =	strace $0x8000005B  }
0x8: {  	s4 =	sadd.s32 s6, s4;
	s5 =	sshrl.u32 s5, $0x3;
	_ =	strace $0x8000005C  }
0x9: {  	[tilespmem:s3], [sflag:$0x1] =	stream.linear.gather [hbm4b:s4+s3], $0xC80, $0x200038;
	[tilespmem:$0x1A900] =	vst v63  }
0xa: {  	s16 =	sadd.s32 s6, s5;
	_ =	strace $0x9000005C  }
0xb: {  	s6 =	simm.s32 $0xC80;
	s5 =	sadd.s32 $0x190, s16;
	_ =	strace $0x8000005D  }
0xc: {  	[tilespmem:s6], [sflag:$0x2] =	stream.linear.gather [hbm4b:s5+s3], $0xC80, $0x200038;
	[tilespmem:$0x1A900] =	vst v63  }
0xd: {  	_ =	strace $0x9000005D  }
0xe: {  	s7 =	simm.s32 $0x1;
	_ =	strace $0x8000005E  }
0xf: {  	_ =	swait.ge [sflag:s7], $0xC80  }
0x10: {  	[sflag:s7] =	ssyncset.done $0x0  }
0x11: {  	[sflag:s7] =	ssyncadd.s32 $0xFFFFF380  }
0x12: {  	_ =	strace $0x9000005E  }
0x13: {  	s8 =	simm.s32 $0x1900;
	s9 =	simm.s32 $0x5;
	_ =	strace $0x8000005F  }
0x14: {  	[tilespmem:s8], [sflag:$0x5] =	stream.indirect.gather [hbm4b:s2+s6], $0x10, s3, s6, $0x2000b8;
	[tilespmem:$0x1A900] =	vst v63  }
0x15: {  	_ =	swait.ge [sflag:s9], $0xC800  }
0x16: {  	[sflag:s9] =	ssyncset.done $0x0  }
0x17: {  	s11 =	smul.u32 $0x1900, s14;
	[sflag:s9] =	ssyncadd.s32 $0xFFFF3800  }
0x18: {  	s15 =	sadd.s32 $0x1B7000, s10;
	_ =	strace $0x9000005F  }
0x19: {  	s10 =	sadd.s32 s15, s11;
	_ =	strace $0x80000060  }
0x1a: {  	[hbm4b:s10+s3] =	stream.linear.scatter [tilespmem:s8], [sflag:$0x3], $0xC800, $0x200038;
	[tilespmem:$0x1A900] =	vst v63  }
0x1b: {  	_ =	strace $0x90000060  }
0x1c: {  	s11 =	sadd.s32 $0x320, s16;
	_ =	strace $0x8000005D  }
0x1d: {  	[tilespmem:s3], [sflag:$0x1] =	stream.linear.gather [hbm4b:s11+s3], $0xC80, $0x200038;
	[tilespmem:$0x1A900] =	vst v63  }
0x1e: {  	_ =	strace $0x9000005D  }
0x1f: {  	s12 =	simm.s32 $0x2;
	_ =	strace $0x8000005E  }
0x20: {  	_ =	swait.ge [sflag:s12], $0xC80  }
0x21: {  	[sflag:s12] =	ssyncset.done $0x0  }
0x22: {  	[sflag:s12] =	ssyncadd.s32 $0xFFFFF380  }
0x23: {  	_ =	strace $0x9000005E  }
0x24: {  	s13 =	simm.s32 $0xE100;
	_ =	strace $0x8000005F  }
0x25: {  	[tilespmem:s13], [sflag:$0x5] =	stream.indirect.gather [hbm4b:s2+s6], $0x10, s6, s6, $0x2000b8;
	[tilespmem:$0x1A900] =	vst v63  }
0x26: {  	s14 =	smul.u32 $0xC800, s14;
	_ =	swait.ge [sflag:s9], $0xC800  }
0x27: {  	[sflag:s9] =	ssyncset.done $0x0  }
0x28: {  	s14 =	sshrl.u32 s14, $0x3;
	[sflag:s9] =	ssyncadd.s32 $0xFFFF3800  }
0x29: {  	s19 =	sadd.s32 s15, s14;
	_ =	strace $0x9000005F  }
0x2a: {  	s14 =	sadd.s32 $0x1900, s19;
	_ =	strace $0x80000060  }
0x2b: {  	[hbm4b:s14+s3] =	stream.linear.scatter [tilespmem:s13], [sflag:$0x4], $0xC800, $0x200038;
	[tilespmem:$0x1A900] =	vst v63  }
0x2c: {  	_ =	strace $0x90000060  }
0x2d: {  	s15 =	simm.s32 $0x3;
	_ =	strace $0x80000061  }
0x2e: {  	_ =	swait.ge [sflag:s15], $0xC800  }
0x2f: {  	[sflag:s15] =	ssyncset.done $0x0  }
0x30: {  	[sflag:s15] =	ssyncadd.s32 $0xFFFF3800  }
0x31: {  	_ =	strace $0x90000061  }
0x32: {  	s16 =	sadd.s32 $0x4B0, s16;
	_ =	strace $0x8000005D  }
0x33: {  	[tilespmem:s6], [sflag:$0x2] =	stream.linear.gather [hbm4b:s16+s3], $0xC80, $0x200038;
	[tilespmem:$0x1A900] =	vst v63  }
0x34: {  	_ =	strace $0x9000005D  }
0x35: {  	_ =	strace $0x8000005E  }
0x36: {  	_ =	swait.ge [sflag:s7], $0xC80  }
0x37: {  	[sflag:s7] =	ssyncset.done $0x0  }
0x38: {  	[sflag:s7] =	ssyncadd.s32 $0xFFFFF380  }
0x39: {  	_ =	strace $0x9000005E  }
0x3a: {  	_ =	strace $0x8000005F  }
0x3b: {  	[tilespmem:s8], [sflag:$0x5] =	stream.indirect.gather [hbm4b:s2+s6], $0x10, s3, s6, $0x2000b8;
	[tilespmem:$0x1A900] =	vst v63  }
0x3c: {  	_ =	swait.ge [sflag:s9], $0xC800  }
0x3d: {  	[sflag:s9] =	ssyncset.done $0x0  }
0x3e: {  	[sflag:s9] =	ssyncadd.s32 $0xFFFF3800  }
0x3f: {  	_ =	strace $0x9000005F  }
0x40: {  	s17 =	sadd.s32 $0x3200, s19;
	_ =	strace $0x80000060  }
0x41: {  	[hbm4b:s17+s3] =	stream.linear.scatter [tilespmem:s8], [sflag:$0x3], $0xC800, $0x200038;
	[tilespmem:$0x1A900] =	vst v63  }
0x42: {  	_ =	strace $0x90000060  }
0x43: {  	s18 =	simm.s32 $0x4;
	_ =	strace $0x80000061  }
0x44: {  	_ =	swait.ge [sflag:s18], $0xC800  }
0x45: {  	[sflag:s18] =	ssyncset.done $0x0  }
0x46: {  	[sflag:s18] =	ssyncadd.s32 $0xFFFF3800  }
0x47: {  	_ =	strace $0x90000061  }
0x48: {  	_ =	strace $0x8000005E  }
0x49: {  	_ =	swait.ge [sflag:s12], $0xC80  }
0x4a: {  	[sflag:s12] =	ssyncset.done $0x0  }
0x4b: {  	[sflag:s12] =	ssyncadd.s32 $0xFFFFF380  }
0x4c: {  	_ =	strace $0x9000005E  }
0x4d: {  	_ =	strace $0x8000005F  }
0x4e: {  	[tilespmem:s13], [sflag:$0x5] =	stream.indirect.gather [hbm4b:s2+s6], $0x10, s6, s6, $0x2000b8;
	[tilespmem:$0x1A900] =	vst v63  }
0x4f: {  	_ =	swait.ge [sflag:s9], $0xC800  }
0x50: {  	[sflag:s9] =	ssyncset.done $0x0  }
0x51: {  	[sflag:s9] =	ssyncadd.s32 $0xFFFF3800  }
0x52: {  	_ =	strace $0x9000005F  }
0x53: {  	s19 =	sadd.s32 $0x4B00, s19;
	_ =	strace $0x80000060  }
0x54: {  	[hbm4b:s19+s3] =	stream.linear.scatter [tilespmem:s13], [sflag:$0x4], $0xC800, $0x200038;
	[tilespmem:$0x1A900] =	vst v63  }
0x55: {  	s20 =	ssub.s32 $0x2, s20;
	_ =	strace $0x90000060  }
0x56: {  	s21 =	sshrl.u32 s20, $0x1;
	_ =	strace $0x80000061  }
0x57: {  	s20 =	ssub.s32 s20, s21;
	_ =	swait.ge [sflag:s15], $0xC800  }
0x58: {  	s20 =	smax.u32 s20, $0x1;
	[sflag:s15] =	ssyncset.done $0x0  }
0x59: {  	p0 =	sne.s32 s20, $0x1;
	[sflag:s15] =	ssyncadd.s32 $0xFFFF3800  }
.Ltmp0:
0x5a: {  	_ =	strace $0x90000061;
	(pc) =	sbr.rel @!p0 .LBB2_2-.Ltmp0, $4  }
0x5b: {  	_ =	strace $0x80000062  }
0x5c: {  	_ =	swait.ge [sflag:s18], $0xC800  }
0x5d: {  	[sflag:s18] =	ssyncset.done $0x0  }
0x5e: {  	s20 =	sadd.s32 $0xFFFFFFFF, s20;
	[sflag:s18] =	ssyncadd.s32 $0xFFFF3800  }
.LBB2_1:
0x5f: {  	p0 =	sne.s32 s20, $0x1;
	s20 =	sadd.s32 $0xFFFFFFFF, s20;
	_ =	strace $0x90000062  }
0x60: {  	_ =	strace $0x8000005C  }
0x61: {  	[tilespmem:s3], [sflag:$0x1] =	stream.linear.gather [hbm4b:s4+s3], $0xC80, $0x200038;
	[tilespmem:$0x1A900] =	vst v63  }
0x62: {  	_ =	strace $0x9000005C  }
0x63: {  	_ =	strace $0x8000005D  }
0x64: {  	[tilespmem:s6], [sflag:$0x2] =	stream.linear.gather [hbm4b:s5+s3], $0xC80, $0x200038;
	[tilespmem:$0x1A900] =	vst v63  }
0x65: {  	_ =	strace $0x9000005D  }
0x66: {  	_ =	strace $0x8000005E  }
0x67: {  	_ =	swait.ge [sflag:s7], $0xC80  }
0x68: {  	[sflag:s7] =	ssyncset.done $0x0  }
0x69: {  	[sflag:s7] =	ssyncadd.s32 $0xFFFFF380  }
0x6a: {  	_ =	strace $0x9000005E  }
0x6b: {  	_ =	strace $0x8000005F  }
0x6c: {  	[tilespmem:s8], [sflag:$0x5] =	stream.indirect.gather [hbm4b:s2+s6], $0x10, s3, s6, $0x2000b8;
	[tilespmem:$0x1A900] =	vst v63  }
0x6d: {  	_ =	swait.ge [sflag:s9], $0xC800  }
0x6e: {  	[sflag:s9] =	ssyncset.done $0x0  }
0x6f: {  	[sflag:s9] =	ssyncadd.s32 $0xFFFF3800  }
0x70: {  	_ =	strace $0x9000005F  }
0x71: {  	_ =	strace $0x80000060  }
0x72: {  	[hbm4b:s10+s3] =	stream.linear.scatter [tilespmem:s8], [sflag:$0x3], $0xC800, $0x200038;
	[tilespmem:$0x1A900] =	vst v63  }
0x73: {  	_ =	strace $0x90000060  }
0x74: {  	_ =	strace $0x8000005D  }
0x75: {  	[tilespmem:s3], [sflag:$0x1] =	stream.linear.gather [hbm4b:s11+s3], $0xC80, $0x200038;
	[tilespmem:$0x1A900] =	vst v63  }
0x76: {  	_ =	strace $0x9000005D  }
0x77: {  	_ =	strace $0x8000005E  }
0x78: {  	_ =	swait.ge [sflag:s12], $0xC80  }
0x79: {  	[sflag:s12] =	ssyncset.done $0x0  }
0x7a: {  	[sflag:s12] =	ssyncadd.s32 $0xFFFFF380  }
0x7b: {  	_ =	strace $0x9000005E  }
0x7c: {  	_ =	strace $0x8000005F  }
0x7d: {  	[tilespmem:s13], [sflag:$0x5] =	stream.indirect.gather [hbm4b:s2+s6], $0x10, s6, s6, $0x2000b8;
	[tilespmem:$0x1A900] =	vst v63  }
0x7e: {  	_ =	swait.ge [sflag:s9], $0xC800  }
0x7f: {  	[sflag:s9] =	ssyncset.done $0x0  }
0x80: {  	[sflag:s9] =	ssyncadd.s32 $0xFFFF3800  }
0x81: {  	_ =	strace $0x9000005F  }
0x82: {  	_ =	strace $0x80000060  }
0x83: {  	[hbm4b:s14+s3] =	stream.linear.scatter [tilespmem:s13], [sflag:$0x4], $0xC800, $0x200038;
	[tilespmem:$0x1A900] =	vst v63  }
0x84: {  	_ =	strace $0x90000060  }
0x85: {  	_ =	strace $0x80000061  }
0x86: {  	_ =	swait.ge [sflag:s15], $0xC800  }
0x87: {  	[sflag:s15] =	ssyncset.done $0x0  }
0x88: {  	[sflag:s15] =	ssyncadd.s32 $0xFFFF3800  }
0x89: {  	_ =	strace $0x90000061  }
0x8a: {  	_ =	strace $0x8000005D  }
0x8b: {  	[tilespmem:s6], [sflag:$0x2] =	stream.linear.gather [hbm4b:s16+s3], $0xC80, $0x200038;
	[tilespmem:$0x1A900] =	vst v63  }
0x8c: {  	_ =	strace $0x9000005D  }
0x8d: {  	_ =	strace $0x8000005E  }
0x8e: {  	_ =	swait.ge [sflag:s7], $0xC80  }
0x8f: {  	[sflag:s7] =	ssyncset.done $0x0  }
0x90: {  	[sflag:s7] =	ssyncadd.s32 $0xFFFFF380  }
0x91: {  	_ =	strace $0x9000005E  }
0x92: {  	_ =	strace $0x8000005F  }
0x93: {  	[tilespmem:s8], [sflag:$0x5] =	stream.indirect.gather [hbm4b:s2+s6], $0x10, s3, s6, $0x2000b8;
	[tilespmem:$0x1A900] =	vst v63  }
0x94: {  	_ =	swait.ge [sflag:s9], $0xC800  }
0x95: {  	[sflag:s9] =	ssyncset.done $0x0  }
0x96: {  	[sflag:s9] =	ssyncadd.s32 $0xFFFF3800  }
0x97: {  	_ =	strace $0x9000005F  }
0x98: {  	_ =	strace $0x80000060  }
0x99: {  	[hbm4b:s17+s3] =	stream.linear.scatter [tilespmem:s8], [sflag:$0x3], $0xC800, $0x200038;
	[tilespmem:$0x1A900] =	vst v63  }
0x9a: {  	_ =	strace $0x90000060  }
0x9b: {  	_ =	strace $0x80000061  }
0x9c: {  	_ =	swait.ge [sflag:s18], $0xC800  }
0x9d: {  	[sflag:s18] =	ssyncset.done $0x0  }
0x9e: {  	[sflag:s18] =	ssyncadd.s32 $0xFFFF3800  }
0x9f: {  	_ =	strace $0x90000061  }
0xa0: {  	_ =	strace $0x8000005E  }
0xa1: {  	_ =	swait.ge [sflag:s12], $0xC80  }
0xa2: {  	[sflag:s12] =	ssyncset.done $0x0  }
0xa3: {  	[sflag:s12] =	ssyncadd.s32 $0xFFFFF380  }
0xa4: {  	_ =	strace $0x9000005E  }
0xa5: {  	_ =	strace $0x8000005F  }
0xa6: {  	[tilespmem:s13], [sflag:$0x5] =	stream.indirect.gather [hbm4b:s2+s6], $0x10, s6, s6, $0x2000b8;
	[tilespmem:$0x1A900] =	vst v63  }
0xa7: {  	_ =	swait.ge [sflag:s9], $0xC800  }
0xa8: {  	[sflag:s9] =	ssyncset.done $0x0  }
0xa9: {  	[sflag:s9] =	ssyncadd.s32 $0xFFFF3800  }
0xaa: {  	_ =	strace $0x9000005F  }
0xab: {  	_ =	strace $0x80000060  }
0xac: {  	[hbm4b:s19+s3] =	stream.linear.scatter [tilespmem:s13], [sflag:$0x4], $0xC800, $0x200038;
	[tilespmem:$0x1A900] =	vst v63  }
0xad: {  	_ =	strace $0x90000060  }
0xae: {  	_ =	strace $0x80000061  }
0xaf: {  	_ =	swait.ge [sflag:s15], $0xC800  }
0xb0: {  	[sflag:s15] =	ssyncset.done $0x0  }
0xb1: {  	[sflag:s15] =	ssyncadd.s32 $0xFFFF3800  }
.Ltmp1:
0xb2: {  	_ =	strace $0x90000061;
	(pc) =	sbr.rel @p0 .LBB2_1-.Ltmp1, $4  }
0xb3: {  	_ =	strace $0x80000062  }
0xb4: {  	_ =	swait.ge [sflag:s18], $0xC800  }
0xb5: {  	[sflag:s18] =	ssyncset.done $0x0  }
0xb6: {  	[sflag:s18] =	ssyncadd.s32 $0xFFFF3800  }
.LBB2_2:
0xb7: {  	_ =	strace $0x90000062  }
0xb8: {  	_ =	sfence.sel $0x180000  }
0xb9: {  	[bflag:$0x0] =	sbarrier.arrive $0xFFFF  }
0xba: {  	p0 =	sne.s32 s0, $0x0;
	_ =	strace $0x9000005B  }
0xbb: {  	s0 =	sadd.s32 @!p0 $0x100000, s1;
	[bflag:$0x2] =	sbarrier.arrive $0xFFFF  }
0xbc: {  	[sflag:s0] =	ssyncadd.tile.s32 @!p0 $0x1;
	_ =	shalt  }
.Lfunc_end2:
_tile_overlayer_lowered:
.L_overlay_start_2:
0xbd: {  	(tag) =	ssettag $0x2  }
0xbe: {  	s0 =	rddreg [dreg:$0x0];
	s2 =	stileid.u32  }
0xbf: {  	s1 =	rddreg [dreg:$0x1];
	p0 =	sne.s32 s2, $0x0  }
0xc0: {  	s3 =	rddreg [dreg:$0x2];
	[bflag:$0x3] =	sbarrier.arrive $0xFFFF;
	s2 =	simm.s32 @!p0 $0x1C01  }
0xc1: {  	[timem:s3], [sflag:s2] =	dma.local @!p0 [hbm:s0], s1  }
0xc2: {  	s0 =	simm.s32 @!p0 $0x1  }
0xc3: {  	_ =	swait.ge @!p0 [sflag:s0], s1  }
0xc4: {  	s1 =	ssub.s32 @!p0 $0x0, s1;
	[sflag:s0] =	ssyncset.done @!p0 $0x0  }
0xc5: {  	[sflag:s0] =	ssyncadd.s32 @!p0 s1  }
0xc6: {  	[bflag:$0x3] =	sbarrier.arrive $0xFFFF  }
0xc7: {  	_ =	shalt  }

// kernel: kernel.16.cloned.1.call-start
scs
__scs_entry_jumppad:
0x0: {  	(pc) =	sbr.rel $0x88, $3  }
0x1: {  	(tag) =	ssettag $0x0;
	lr =	simm.s32 $0x1  }
0x2: {  	[smem:$0x3F9D] =	sst lr;
	_ =	strace $0xD0000000  }
0x3: {  	_ = 	snop  }
0x4: {  	_ = 	snop  }
0x5: {  	_ = 	snop  }
0x6: {  	_ = 	snop  }
0x7: {  	_ = 	snop  }
__scs_overlays_trampoline_lowered:
0x8: {  	[smem:$0x3FAC] =	sst s0  }
0x9: {  	[smem:$0x3FAD] =	sst s1  }
0xa: {  	[smem:$0x3FAE] =	sst s2  }
0xb: {  	[smem:$0x3FAF] =	sst s3  }
0xc: {  	[smem:$0x3FB0] =	sst s4  }
0xd: {  	[smem:$0x3FB1] =	sst s5  }
0xe: {  	[smem:$0x3FB2] =	sst s6  }
0xf: {  	[smem:$0x3FB3] =	sst s7  }
0x10: {  	[smem:$0x3FB4] =	sst s8  }
0x11: {  	[smem:$0x3FB5] =	sst s9;
	s0 =	simm.s32 @!p0 $0x0  }
0x12: {  	s1 =	sld [smem:$0x3F9B];
	s0 =	simm.s32 @p0 $0x1  }
0x13: {  	[smem:$0x3FB6] =	sst s0;
	s0 =	simm.s32 @!p1 $0x0  }
0x14: {  	s2 =	sld [smem:$0x3F9A];
	s0 =	simm.s32 @p1 $0x1  }
0x15: {  	[smem:$0x3FB7] =	sst s0;
	s0 =	simm.s32 @!p2 $0x0  }
0x16: {  	s3 =	sld [smem:$0x3FDB];
	s0 =	simm.s32 @p2 $0x1  }
0x17: {  	s4 =	simm.s32 $0x1BF5;
	[smem:$0x3FB9] =	sst s0  }
0x18: {  	s0 =	sld [smem:$0x3F9C];
	_ =	swait.ge [sflag:s4], $0x0  }
0x19: {  	s7 =	sld [smem:$0x3F9D]  }
0x1a: {  	s8 =	sadd.s32 $0xFFFFE003, lr  }
0x1b: {  	s9 =	sadd.s32 $0xFFFFFEF7, lr;
	s5 =	simm.s32 $0xFFFFFFFF;
	p2 =	slt.u32 s8, $0xFFFFF086  }
0x1c: {  	p1 =	slt.u32 s9, $0xF7A;
	s5 =	simm.s32 @!p2 $0x0  }
0x1d: {  	s5 =	simm.s32 @p1 $0x1;
	p0 =	seq.s32 s7, s2  }
0x1e: {  	s7 =	smul.u32 @!p0 $0xF7A, s2;
	p2 =	seq.s32 @!p0 s5, $0x0  }
0x1f: {  	s9 =	smul.u32 $0xF7A, s1;
	s8 =	simm.s32 @!p0 $0x1BF5;
	p2 =	por !p2, p0  }
0x20: {  	[sflag:s8] =	ssyncset.s32 @!p0 $0xFFFFF086;
	s6 =	sadd.s32 @!p0 s3, s7;
	s7 =	simm.s32 @!p0 $0x108  }
0x21: {  	s3 =	sadd.s32 s3, s9;
	s6 =	sadd.s32 @!p0 $0x88, s6;
	s7 =	simm.s32 @p2 $0x1082  }
0x22: {  	[simem:s7], [sflag:s8] =	dma.local @!p0 [hbm:s6], $0xF7A  }
0x23: {  	s9 =	sor.u32 $0xD0000000, s2;
	s6 =	simm.s32 $0x108;
	_ =	swait.ge @!p0 [sflag:s8], $0x0  }
0x24: {  	s3 =	sadd.s32 $0x88, s3;
	s6 =	simm.s32 @!p1 $0x1082;
	[sflag:s4] =	ssyncset.s32 $0xFFFFF086  }
0x25: {  	[simem:s6], [sflag:s4] =	dma.local [hbm:s3], $0xF7A  }
0x26: {  	[smem:$0x3F9D] =	sst s1;
	(tag) =	ssettag s2;
	_ =	strace s9  }
0x27: {  	s1 =	sld [smem:$0x3FAD]  }
0x28: {  	s2 =	sld [smem:$0x3FAE]  }
0x29: {  	s4 =	sld [smem:$0x3FB0]  }
0x2a: {  	p0 =	seq.s32 s5, $0x0;
	s5 =	sld [smem:$0x3FB1]  }
0x2b: {  	s6 =	sld [smem:$0x3FB2]  }
0x2c: {  	s7 =	sld [smem:$0x3FB3]  }
0x2d: {  	s3 =	simm.s32 $0x108;
	s8 =	sld [smem:$0x3FB4]  }
0x2e: {  	s3 =	simm.s32 @!p0 $0x1082;
	s9 =	sld [smem:$0x3FB5]  }
0x2f: {  	lr =	sadd.s32 s0, s3;
	s0 =	sld [smem:$0x3FAC]  }
0x30: {  	s3 =	sld [smem:$0x3FAF]  }
0x31: {  	[smem:$0x3FB8] =	sst s10  }
0x32: {  	s10 =	sld [smem:$0x3FB6];
	_ =	sdelay $0x3  }
0x33: {  	p0 =	seq.s32 s10, $0x1;
	s10 =	sld [smem:$0x3FB8];
	_ =	sdelay $0x3  }
0x34: {  	[smem:$0x3FB8] =	sst s10  }
0x35: {  	s10 =	sld [smem:$0x3FB7];
	_ =	sdelay $0x3  }
0x36: {  	p1 =	seq.s32 s10, $0x1;
	s10 =	sld [smem:$0x3FB8];
	_ =	sdelay $0x3  }
0x37: {  	[smem:$0x3FB8] =	sst s10  }
0x38: {  	s10 =	sld [smem:$0x3FB9]  }
0x39: {  	_ = 	snop;
	(pc) =	sbr.ind lr, $3  }
0x3a: {  	_ = 	snop  }
0x3b: {  	_ = 	snop  }
0x3c: {  	p2 =	seq.s32 s10, $0x1;
	s10 =	sld [smem:$0x3FB8]  }
0x3d: {  	_ =	shalt  }
0x3e: {  	_ =	shalt  }
0x3f: {  	_ =	shalt  }
0x40: {  	_ =	shalt  }
0x41: {  	_ =	shalt  }
0x42: {  	_ =	shalt  }
0x43: {  	_ =	shalt  }
0x44: {  	_ =	shalt  }
0x45: {  	_ =	shalt  }
0x46: {  	_ =	shalt  }
0x47: {  	_ =	shalt  }
0x48: {  	_ =	shalt  }
0x49: {  	_ =	shalt  }
0x4a: {  	_ =	shalt  }
0x4b: {  	_ =	shalt  }
0x4c: {  	_ =	shalt  }
0x4d: {  	_ =	shalt  }
0x4e: {  	_ =	shalt  }
0x4f: {  	_ =	shalt  }
0x50: {  	_ =	shalt  }
0x51: {  	_ =	shalt  }
0x52: {  	_ =	shalt  }
0x53: {  	_ =	shalt  }
0x54: {  	_ =	shalt  }
0x55: {  	_ =	shalt  }
0x56: {  	_ =	shalt  }
0x57: {  	_ =	shalt  }
0x58: {  	_ =	shalt  }
0x59: {  	_ =	shalt  }
0x5a: {  	_ =	shalt  }
0x5b: {  	_ =	shalt  }
0x5c: {  	_ =	shalt  }
0x5d: {  	_ =	shalt  }
0x5e: {  	_ =	shalt  }
0x5f: {  	_ =	shalt  }
0x60: {  	_ =	shalt  }
0x61: {  	_ =	shalt  }
0x62: {  	_ =	shalt  }
0x63: {  	_ =	shalt  }
0x64: {  	_ =	shalt  }
0x65: {  	_ =	shalt  }
0x66: {  	_ =	shalt  }
0x67: {  	_ =	shalt  }
0x68: {  	_ =	shalt  }
0x69: {  	_ =	shalt  }
0x6a: {  	_ =	shalt  }
0x6b: {  	_ =	shalt  }
0x6c: {  	_ =	shalt  }
0x6d: {  	_ =	shalt  }
0x6e: {  	_ =	shalt  }
0x6f: {  	_ =	shalt  }
0x70: {  	_ =	shalt  }
0x71: {  	_ =	shalt  }
0x72: {  	_ =	shalt  }
0x73: {  	_ =	shalt  }
0x74: {  	_ =	shalt  }
0x75: {  	_ =	shalt  }
0x76: {  	_ =	shalt  }
0x77: {  	_ =	shalt  }
0x78: {  	_ =	shalt  }
0x79: {  	_ =	shalt  }
0x7a: {  	_ =	shalt  }
0x7b: {  	_ =	shalt  }
0x7c: {  	_ =	shalt  }
0x7d: {  	_ =	shalt  }
0x7e: {  	_ =	shalt  }
0x7f: {  	_ =	shalt  }
0x80: {  	_ =	shalt  }
0x81: {  	_ =	shalt  }
0x82: {  	_ =	shalt  }
0x83: {  	_ =	shalt  }
0x84: {  	_ =	shalt  }
0x85: {  	_ =	shalt  }
0x86: {  	_ =	shalt  }
0x87: {  	_ =	shalt  }
.Lfunc_end0:
.L_simem_size_0:
called_computation.2_lowered:
.L_overlay_start_0:
0x88: {  	s2 =	sld [smem:$0x3FD9]  }
0x89: {  	s3 =	sld [smem:$0x3FFE];
	_ =	sdelay $0x1  }
0x8a: {  	s1 =	srdreg.scid  }
0x8b: {  	s0 =	sand.u32 $0x1, s1  }
0x8c: {  	s17 =	sshll.u32 s0, $0xA;
	s2 =	sadd.s32 s3, s2  }
0x8d: {  	s2 =	sadd.s32 s2, s17  }
0x8e: {  	[smem:$0x3FC4] =	sst s2  }
0x8f: {  	_ = 	snop  }
0x90: {  	s18 =	sld [smem:$0x3FD0];
	(tm) =	ssettm $0x1  }
0x91: {  	s19 =	sld [smem:$0x3FFB];
	_ =	sdelay $0x3  }
0x92: {  	_ =	strace s19  }
0x93: {  	s2 =	sld [smem:$0x3FFC];
	_ =	sdelay $0x3  }
0x94: {  	_ =	strace s2  }
0x95: {  	s2 =	sld [smem:$0x3FFD];
	_ =	sdelay $0x3  }
0x96: {  	_ =	strace s2  }
0x97: {  	_ =	strace $0x8FFFFFFF  }
0x98: {  	s20 =	sld [smem:$0x3FDB];
	_ =	sdelay $0x1  }
0x99: {  	s4 =	simm.s32 $_scs_section_size  }
0x9a: {  	s5 =	simm.s32 $_size__tile_overlayer_lowered;
	s6 =	simm.s32 $_tile_overlayer_lowered  }
0x9b: {  	s7 =	simm.s32 $0x1BFF;
	s21 =	sshll.u32 s6, $0x1;
	s4 =	sadd.s32 s4, s20  }
0x9c: {  	s22 =	simm.s32 $0x0;
	s5 =	sshll.u32 s5, $0x1;
	s6 =	sadd.s32 s21, s4  }
0x9d: {  	[timem:s22], [sflag:s7] =	dma.local [hbm:s6], s5  }
0x9e: {  	_ =	swait.ge [sflag:s7], s5  }
0x9f: {  	s5 =	ssub.s32 $0x0, s5;
	[sflag:s7] =	ssyncset.done $0x0  }
0xa0: {  	[sflag:s7] =	ssyncadd.s32 s5;
	_ =	sdelay $0x1  }
0xa1: {  	s23 =	simm.s32 $0x1B8B  }
0xa2: {  	_ =	swait.ge [sflag:s23], $0x1  }
0xa3: {  	[sflag:s23] =	ssyncset.done $0x0  }
0xa4: {  	[sflag:s23] =	ssyncadd.s32 $0xFFFFFFFF  }
0xa5: {  	s5 =	sld [smem:$0x0]  }
0xa6: {  	s6 =	sand.u32 $0xFFFFFFFE, s1  }
0xa7: {  	p0 =	sne.s32 s1, s6  }
0xa8: {  	s6 =	sshll.u32 @p0 s6, $0xE  }
0xa9: {  	s6 =	sadd.s32 @p0 $0x11B8D, s6;
	s7 =	sshll.u32 @p0 s5, $0x11  }
0xaa: {  	s6 =	sor.u32 @p0 s7, s6  }
0xab: {  	[sflag:s6] =	ssyncadd.remote.s32 @p0 $0x1;
	_ =	sdelay $0x1  }
0xac: {  	s6 =	simm.s32 @p0 $0x1B8D  }
0xad: {  	_ =	swait.eq @p0 [sflag:s6], $0x1  }
0xae: {  	[sflag:s6] =	ssyncadd.s32 @p0 $0xFFFFFFFF  }
0xaf: {  	s7 =	sshll.u32 @!p0 s1, $0xE  }
0xb0: {  	s7 =	sor.u32 @!p0 $0x4000, s7;
	s6 =	simm.s32 @!p0 $0x1B8D  }
0xb1: {  	s5 =	sshll.u32 @!p0 s5, $0x11;
	s7 =	sadd.s32 @!p0 $0x11B8D, s7;
	_ =	swait.eq @!p0 [sflag:s6], $0x1  }
0xb2: {  	s5 =	sor.u32 @!p0 s5, s7;
	[sflag:s6] =	ssyncadd.s32 @!p0 $0xFFFFFFFF  }
0xb3: {  	s25 =	simm.s32 $0x1B8E;
	s24 =	sld [smem:$0x3FFE];
	[sflag:s5] =	ssyncadd.remote.s32 @!p0 $0x1  }
0xb4: {  	s26 =	simm.s32 $execute0_lowered;
	[smem:$0x3FD2] =	sst s25  }
0xb5: {  	s6 =	sshll.u32 s26, $0x1;
	_ =	strace $0x80000050;
	[dreg:$0x1] =	wrdreg $0xFFFFFFFF  }
0xb6: {  	s28 =	simm.s32 $_size_execute0_lowered;
	s4 =	sadd.s32 s4, s6;
	[dreg:$0x0] =	wrdreg $0x0  }
0xb7: {  	s6 =	sshll.u32 s28, $0x1;
	[dreg:$0x2] =	wrdreg s4  }
0xb8: {  	[dreg:$0x3] =	wrdreg s6  }
0xb9: {  	[dreg:$0x4] =	wrdreg $0xC0  }
0xba: {  	_ =	task [dreg:s22], $0x5FFFF  }
0xbb: {  	[dreg:$0x1] =	wrdreg $0xFFFFFFFF  }
0xbc: {  	[dreg:$0x0] =	wrdreg $0x60  }
0xbd: {  	[dreg:$0x2] =	wrdreg s18  }
0xbe: {  	[dreg:$0x3] =	wrdreg s24  }
0xbf: {  	[dreg:$0x4] =	wrdreg $0xB  }
0xc0: {  	_ =	task.clear_ibuf [dreg:s22], $0x5FFFF;
	_ =	strace $0x90000050  }
0xc1: {  	s29 =	simm.s32 $0xB;
	_ =	strace $0x80000059  }
0xc2: {  	_ =	swait.ge [sflag:s29], $0x1  }
0xc3: {  	[sflag:s29] =	ssyncadd.s32 $0xFFFFFFFF  }
0xc4: {  	_ =	strace $0x90000059  }
0xc5: {  	_ =	sfence  }
0xc6: {  	s30 =	sld [smem:$0x0];
	_ =	sdelay $0x2  }
0xc7: {  	s31 =	sshll.u32 s1, $0xD;
	s1 =	sshrl.u32 s1, $0x2  }
0xc8: {  	s4 =	sand.u32 $0x4000, s31;
	s1 =	sadd.s32 s1, s30  }
0xc9: {  	s0 =	sor.u32 s4, s0;
	s1 =	sshll.u32 s1, $0x11  }
0xca: {  	s0 =	sor.u32 s1, s0  }
0xcb: {  	s0 =	sadd.s32 $0x8F2B, s0  }
0xcc: {  	[sflag:s0] =	ssyncadd.remote.s32 $0x1  }
0xcd: {  	_ =	sfence.sel $0xFFFF  }
0xce: {  	[dreg:$0x0] =	wrdreg $0xFFFFFFFF;
	(pc) =	sbr.abs _section_cstart, $3  }
0xcf: {  	[dreg:$0x1] =	wrdreg $0xFFFFFFFF  }
0xd0: {  	_ =	task.clear_ibuf [dreg:s22], $0x2FFFF;
	_ =	strace $0x9FFFFFFF  }
0xd1: {  	(tm) =	ssettm $0x7FFFFFFF  }
tec
execute0_lowered:
.L_overlay_start_1:
0x0: {  	(tag) =	ssettag $0x1  }
0x1: {  	s1 =	srdreg.scid  }
0x2: {  	s0 =	stileid.u32;
	s20 =	sand.u32 $0x1, s1  }
0x3: {  	s3 =	sshll.u32 s0, $0x2;
	s1 =	sshll.u32 s20, $0x6  }
0x4: {  	s2 =	rddreg [dreg:$0x0];
	s14 =	sor.u32 s3, s1  }
0x5: {  	s10 =	rddreg [dreg:$0x1];
	s3 =	simm.s32 $0x0;
	s4 =	smul.u32 $0x190, s14  }
0x6: {  	[smem:$0x7FF] =	sst s3;
	s5 =	smul.u32 $0xC80, s14  }
0x7: {  	s6 =	sadd.s32 $0xD6000, s10;
	s1 =	rddreg [dreg:$0x2];
	_ =	strace $0x80000051  }
0x8: {  	s4 =	sadd.s32 s6, s4;
	s5 =	sshrl.u32 s5, $0x3;
	_ =	strace $0x80000052  }
0x9: {  	[tilespmem:s3], [sflag:$0x1] =	stream.linear.gather [hbm4b:s4+s3], $0xC80, $0x200038;
	[tilespmem:$0x1A900] =	vst v63  }
0xa: {  	s16 =	sadd.s32 s6, s5;
	_ =	strace $0x90000052  }
0xb: {  	s6 =	simm.s32 $0xC80;
	s5 =	sadd.s32 $0x190, s16;
	_ =	strace $0x80000053  }
0xc: {  	[tilespmem:s6], [sflag:$0x2] =	stream.linear.gather [hbm4b:s5+s3], $0xC80, $0x200038;
	[tilespmem:$0x1A900] =	vst v63  }
0xd: {  	_ =	strace $0x90000053  }
0xe: {  	s7 =	simm.s32 $0x1;
	_ =	strace $0x80000054  }
0xf: {  	_ =	swait.ge [sflag:s7], $0xC80  }
0x10: {  	[sflag:s7] =	ssyncset.done $0x0  }
0x11: {  	[sflag:s7] =	ssyncadd.s32 $0xFFFFF380  }
0x12: {  	_ =	strace $0x90000054  }
0x13: {  	s8 =	simm.s32 $0x1900;
	s9 =	simm.s32 $0x5;
	_ =	strace $0x80000055  }
0x14: {  	[tilespmem:s8], [sflag:$0x5] =	stream.indirect.gather [hbm4b:s2+s6], $0x10, s3, s6, $0x2000b8;
	[tilespmem:$0x1A900] =	vst v63  }
0x15: {  	_ =	swait.ge [sflag:s9], $0xC800  }
0x16: {  	[sflag:s9] =	ssyncset.done $0x0  }
0x17: {  	s11 =	smul.u32 $0x1900, s14;
	[sflag:s9] =	ssyncadd.s32 $0xFFFF3800  }
0x18: {  	s15 =	sadd.s32 $0xE2800, s10;
	_ =	strace $0x90000055  }
0x19: {  	s10 =	sadd.s32 s15, s11;
	_ =	strace $0x80000056  }
0x1a: {  	[hbm4b:s10+s3] =	stream.linear.scatter [tilespmem:s8], [sflag:$0x3], $0xC800, $0x200038;
	[tilespmem:$0x1A900] =	vst v63  }
0x1b: {  	_ =	strace $0x90000056  }
0x1c: {  	s11 =	sadd.s32 $0x320, s16;
	_ =	strace $0x80000053  }
0x1d: {  	[tilespmem:s3], [sflag:$0x1] =	stream.linear.gather [hbm4b:s11+s3], $0xC80, $0x200038;
	[tilespmem:$0x1A900] =	vst v63  }
0x1e: {  	_ =	strace $0x90000053  }
0x1f: {  	s12 =	simm.s32 $0x2;
	_ =	strace $0x80000054  }
0x20: {  	_ =	swait.ge [sflag:s12], $0xC80  }
0x21: {  	[sflag:s12] =	ssyncset.done $0x0  }
0x22: {  	[sflag:s12] =	ssyncadd.s32 $0xFFFFF380  }
0x23: {  	_ =	strace $0x90000054  }
0x24: {  	s13 =	simm.s32 $0xE100;
	_ =	strace $0x80000055  }
0x25: {  	[tilespmem:s13], [sflag:$0x5] =	stream.indirect.gather [hbm4b:s2+s6], $0x10, s6, s6, $0x2000b8;
	[tilespmem:$0x1A900] =	vst v63  }
0x26: {  	s14 =	smul.u32 $0xC800, s14;
	_ =	swait.ge [sflag:s9], $0xC800  }
0x27: {  	[sflag:s9] =	ssyncset.done $0x0  }
0x28: {  	s14 =	sshrl.u32 s14, $0x3;
	[sflag:s9] =	ssyncadd.s32 $0xFFFF3800  }
0x29: {  	s19 =	sadd.s32 s15, s14;
	_ =	strace $0x90000055  }
0x2a: {  	s14 =	sadd.s32 $0x1900, s19;
	_ =	strace $0x80000056  }
0x2b: {  	[hbm4b:s14+s3] =	stream.linear.scatter [tilespmem:s13], [sflag:$0x4], $0xC800, $0x200038;
	[tilespmem:$0x1A900] =	vst v63  }
0x2c: {  	_ =	strace $0x90000056  }
0x2d: {  	s15 =	simm.s32 $0x3;
	_ =	strace $0x80000057  }
0x2e: {  	_ =	swait.ge [sflag:s15], $0xC800  }
0x2f: {  	[sflag:s15] =	ssyncset.done $0x0  }
0x30: {  	[sflag:s15] =	ssyncadd.s32 $0xFFFF3800  }
0x31: {  	_ =	strace $0x90000057  }
0x32: {  	s16 =	sadd.s32 $0x4B0, s16;
	_ =	strace $0x80000053  }
0x33: {  	[tilespmem:s6], [sflag:$0x2] =	stream.linear.gather [hbm4b:s16+s3], $0xC80, $0x200038;
	[tilespmem:$0x1A900] =	vst v63  }
0x34: {  	_ =	strace $0x90000053  }
0x35: {  	_ =	strace $0x80000054  }
0x36: {  	_ =	swait.ge [sflag:s7], $0xC80  }
0x37: {  	[sflag:s7] =	ssyncset.done $0x0  }
0x38: {  	[sflag:s7] =	ssyncadd.s32 $0xFFFFF380  }
0x39: {  	_ =	strace $0x90000054  }
0x3a: {  	_ =	strace $0x80000055  }
0x3b: {  	[tilespmem:s8], [sflag:$0x5] =	stream.indirect.gather [hbm4b:s2+s6], $0x10, s3, s6, $0x2000b8;
	[tilespmem:$0x1A900] =	vst v63  }
0x3c: {  	_ =	swait.ge [sflag:s9], $0xC800  }
0x3d: {  	[sflag:s9] =	ssyncset.done $0x0  }
0x3e: {  	[sflag:s9] =	ssyncadd.s32 $0xFFFF3800  }
0x3f: {  	_ =	strace $0x90000055  }
0x40: {  	s17 =	sadd.s32 $0x3200, s19;
	_ =	strace $0x80000056  }
0x41: {  	[hbm4b:s17+s3] =	stream.linear.scatter [tilespmem:s8], [sflag:$0x3], $0xC800, $0x200038;
	[tilespmem:$0x1A900] =	vst v63  }
0x42: {  	_ =	strace $0x90000056  }
0x43: {  	s18 =	simm.s32 $0x4;
	_ =	strace $0x80000057  }
0x44: {  	_ =	swait.ge [sflag:s18], $0xC800  }
0x45: {  	[sflag:s18] =	ssyncset.done $0x0  }
0x46: {  	[sflag:s18] =	ssyncadd.s32 $0xFFFF3800  }
0x47: {  	_ =	strace $0x90000057  }
0x48: {  	_ =	strace $0x80000054  }
0x49: {  	_ =	swait.ge [sflag:s12], $0xC80  }
0x4a: {  	[sflag:s12] =	ssyncset.done $0x0  }
0x4b: {  	[sflag:s12] =	ssyncadd.s32 $0xFFFFF380  }
0x4c: {  	_ =	strace $0x90000054  }
0x4d: {  	_ =	strace $0x80000055  }
0x4e: {  	[tilespmem:s13], [sflag:$0x5] =	stream.indirect.gather [hbm4b:s2+s6], $0x10, s6, s6, $0x2000b8;
	[tilespmem:$0x1A900] =	vst v63  }
0x4f: {  	_ =	swait.ge [sflag:s9], $0xC800  }
0x50: {  	[sflag:s9] =	ssyncset.done $0x0  }
0x51: {  	[sflag:s9] =	ssyncadd.s32 $0xFFFF3800  }
0x52: {  	_ =	strace $0x90000055  }
0x53: {  	s19 =	sadd.s32 $0x4B00, s19;
	_ =	strace $0x80000056  }
0x54: {  	[hbm4b:s19+s3] =	stream.linear.scatter [tilespmem:s13], [sflag:$0x4], $0xC800, $0x200038;
	[tilespmem:$0x1A900] =	vst v63  }
0x55: {  	s20 =	ssub.s32 $0x2, s20;
	_ =	strace $0x90000056  }
0x56: {  	s21 =	sshrl.u32 s20, $0x1;
	_ =	strace $0x80000057  }
0x57: {  	s20 =	ssub.s32 s20, s21;
	_ =	swait.ge [sflag:s15], $0xC800  }
0x58: {  	s20 =	smax.u32 s20, $0x1;
	[sflag:s15] =	ssyncset.done $0x0  }
0x59: {  	p0 =	sne.s32 s20, $0x1;
	[sflag:s15] =	ssyncadd.s32 $0xFFFF3800  }
.Ltmp0:
0x5a: {  	_ =	strace $0x90000057;
	(pc) =	sbr.rel @!p0 .LBB2_2-.Ltmp0, $4  }
0x5b: {  	_ =	strace $0x80000058  }
0x5c: {  	_ =	swait.ge [sflag:s18], $0xC800  }
0x5d: {  	[sflag:s18] =	ssyncset.done $0x0  }
0x5e: {  	s20 =	sadd.s32 $0xFFFFFFFF, s20;
	[sflag:s18] =	ssyncadd.s32 $0xFFFF3800  }
.LBB2_1:
0x5f: {  	p0 =	sne.s32 s20, $0x1;
	s20 =	sadd.s32 $0xFFFFFFFF, s20;
	_ =	strace $0x90000058  }
0x60: {  	_ =	strace $0x80000052  }
0x61: {  	[tilespmem:s3], [sflag:$0x1] =	stream.linear.gather [hbm4b:s4+s3], $0xC80, $0x200038;
	[tilespmem:$0x1A900] =	vst v63  }
0x62: {  	_ =	strace $0x90000052  }
0x63: {  	_ =	strace $0x80000053  }
0x64: {  	[tilespmem:s6], [sflag:$0x2] =	stream.linear.gather [hbm4b:s5+s3], $0xC80, $0x200038;
	[tilespmem:$0x1A900] =	vst v63  }
0x65: {  	_ =	strace $0x90000053  }
0x66: {  	_ =	strace $0x80000054  }
0x67: {  	_ =	swait.ge [sflag:s7], $0xC80  }
0x68: {  	[sflag:s7] =	ssyncset.done $0x0  }
0x69: {  	[sflag:s7] =	ssyncadd.s32 $0xFFFFF380  }
0x6a: {  	_ =	strace $0x90000054  }
0x6b: {  	_ =	strace $0x80000055  }
0x6c: {  	[tilespmem:s8], [sflag:$0x5] =	stream.indirect.gather [hbm4b:s2+s6], $0x10, s3, s6, $0x2000b8;
	[tilespmem:$0x1A900] =	vst v63  }
0x6d: {  	_ =	swait.ge [sflag:s9], $0xC800  }
0x6e: {  	[sflag:s9] =	ssyncset.done $0x0  }
0x6f: {  	[sflag:s9] =	ssyncadd.s32 $0xFFFF3800  }
0x70: {  	_ =	strace $0x90000055  }
0x71: {  	_ =	strace $0x80000056  }
0x72: {  	[hbm4b:s10+s3] =	stream.linear.scatter [tilespmem:s8], [sflag:$0x3], $0xC800, $0x200038;
	[tilespmem:$0x1A900] =	vst v63  }
0x73: {  	_ =	strace $0x90000056  }
0x74: {  	_ =	strace $0x80000053  }
0x75: {  	[tilespmem:s3], [sflag:$0x1] =	stream.linear.gather [hbm4b:s11+s3], $0xC80, $0x200038;
	[tilespmem:$0x1A900] =	vst v63  }
0x76: {  	_ =	strace $0x90000053  }
0x77: {  	_ =	strace $0x80000054  }
0x78: {  	_ =	swait.ge [sflag:s12], $0xC80  }
0x79: {  	[sflag:s12] =	ssyncset.done $0x0  }
0x7a: {  	[sflag:s12] =	ssyncadd.s32 $0xFFFFF380  }
0x7b: {  	_ =	strace $0x90000054  }
0x7c: {  	_ =	strace $0x80000055  }
0x7d: {  	[tilespmem:s13], [sflag:$0x5] =	stream.indirect.gather [hbm4b:s2+s6], $0x10, s6, s6, $0x2000b8;
	[tilespmem:$0x1A900] =	vst v63  }
0x7e: {  	_ =	swait.ge [sflag:s9], $0xC800  }
0x7f: {  	[sflag:s9] =	ssyncset.done $0x0  }
0x80: {  	[sflag:s9] =	ssyncadd.s32 $0xFFFF3800  }
0x81: {  	_ =	strace $0x90000055  }
0x82: {  	_ =	strace $0x80000056  }
0x83: {  	[hbm4b:s14+s3] =	stream.linear.scatter [tilespmem:s13], [sflag:$0x4], $0xC800, $0x200038;
	[tilespmem:$0x1A900] =	vst v63  }
0x84: {  	_ =	strace $0x90000056  }
0x85: {  	_ =	strace $0x80000057  }
0x86: {  	_ =	swait.ge [sflag:s15], $0xC800  }
0x87: {  	[sflag:s15] =	ssyncset.done $0x0  }
0x88: {  	[sflag:s15] =	ssyncadd.s32 $0xFFFF3800  }
0x89: {  	_ =	strace $0x90000057  }
0x8a: {  	_ =	strace $0x80000053  }
0x8b: {  	[tilespmem:s6], [sflag:$0x2] =	stream.linear.gather [hbm4b:s16+s3], $0xC80, $0x200038;
	[tilespmem:$0x1A900] =	vst v63  }
0x8c: {  	_ =	strace $0x90000053  }
0x8d: {  	_ =	strace $0x80000054  }
0x8e: {  	_ =	swait.ge [sflag:s7], $0xC80  }
0x8f: {  	[sflag:s7] =	ssyncset.done $0x0  }
0x90: {  	[sflag:s7] =	ssyncadd.s32 $0xFFFFF380  }
0x91: {  	_ =	strace $0x90000054  }
0x92: {  	_ =	strace $0x80000055  }
0x93: {  	[tilespmem:s8], [sflag:$0x5] =	stream.indirect.gather [hbm4b:s2+s6], $0x10, s3, s6, $0x2000b8;
	[tilespmem:$0x1A900] =	vst v63  }
0x94: {  	_ =	swait.ge [sflag:s9], $0xC800  }
0x95: {  	[sflag:s9] =	ssyncset.done $0x0  }
0x96: {  	[sflag:s9] =	ssyncadd.s32 $0xFFFF3800  }
0x97: {  	_ =	strace $0x90000055  }
0x98: {  	_ =	strace $0x80000056  }
0x99: {  	[hbm4b:s17+s3] =	stream.linear.scatter [tilespmem:s8], [sflag:$0x3], $0xC800, $0x200038;
	[tilespmem:$0x1A900] =	vst v63  }
0x9a: {  	_ =	strace $0x90000056  }
0x9b: {  	_ =	strace $0x80000057  }
0x9c: {  	_ =	swait.ge [sflag:s18], $0xC800  }
0x9d: {  	[sflag:s18] =	ssyncset.done $0x0  }
0x9e: {  	[sflag:s18] =	ssyncadd.s32 $0xFFFF3800  }
0x9f: {  	_ =	strace $0x90000057  }
0xa0: {  	_ =	strace $0x80000054  }
0xa1: {  	_ =	swait.ge [sflag:s12], $0xC80  }
0xa2: {  	[sflag:s12] =	ssyncset.done $0x0  }
0xa3: {  	[sflag:s12] =	ssyncadd.s32 $0xFFFFF380  }
0xa4: {  	_ =	strace $0x90000054  }
0xa5: {  	_ =	strace $0x80000055  }
0xa6: {  	[tilespmem:s13], [sflag:$0x5] =	stream.indirect.gather [hbm4b:s2+s6], $0x10, s6, s6, $0x2000b8;
	[tilespmem:$0x1A900] =	vst v63  }
0xa7: {  	_ =	swait.ge [sflag:s9], $0xC800  }
0xa8: {  	[sflag:s9] =	ssyncset.done $0x0  }
0xa9: {  	[sflag:s9] =	ssyncadd.s32 $0xFFFF3800  }
0xaa: {  	_ =	strace $0x90000055  }
0xab: {  	_ =	strace $0x80000056  }
0xac: {  	[hbm4b:s19+s3] =	stream.linear.scatter [tilespmem:s13], [sflag:$0x4], $0xC800, $0x200038;
	[tilespmem:$0x1A900] =	vst v63  }
0xad: {  	_ =	strace $0x90000056  }
0xae: {  	_ =	strace $0x80000057  }
0xaf: {  	_ =	swait.ge [sflag:s15], $0xC800  }
0xb0: {  	[sflag:s15] =	ssyncset.done $0x0  }
0xb1: {  	[sflag:s15] =	ssyncadd.s32 $0xFFFF3800  }
.Ltmp1:
0xb2: {  	_ =	strace $0x90000057;
	(pc) =	sbr.rel @p0 .LBB2_1-.Ltmp1, $4  }
0xb3: {  	_ =	strace $0x80000058  }
0xb4: {  	_ =	swait.ge [sflag:s18], $0xC800  }
0xb5: {  	[sflag:s18] =	ssyncset.done $0x0  }
0xb6: {  	[sflag:s18] =	ssyncadd.s32 $0xFFFF3800  }
.LBB2_2:
0xb7: {  	_ =	strace $0x90000058  }
0xb8: {  	_ =	sfence.sel $0x180000  }
0xb9: {  	[bflag:$0x0] =	sbarrier.arrive $0xFFFF  }
0xba: {  	p0 =	sne.s32 s0, $0x0;
	_ =	strace $0x90000051  }
0xbb: {  	s0 =	sadd.s32 @!p0 $0x100000, s1;
	[bflag:$0x2] =	sbarrier.arrive $0xFFFF  }
0xbc: {  	[sflag:s0] =	ssyncadd.tile.s32 @!p0 $0x1;
	_ =	shalt  }
.Lfunc_end2:
_tile_overlayer_lowered:
.L_overlay_start_2:
0xbd: {  	(tag) =	ssettag $0x2  }
0xbe: {  	s0 =	rddreg [dreg:$0x0];
	s2 =	stileid.u32  }
0xbf: {  	s1 =	rddreg [dreg:$0x1];
	p0 =	sne.s32 s2, $0x0  }
0xc0: {  	s3 =	rddreg [dreg:$0x2];
	[bflag:$0x3] =	sbarrier.arrive $0xFFFF;
	s2 =	simm.s32 @!p0 $0x1C01  }
0xc1: {  	[timem:s3], [sflag:s2] =	dma.local @!p0 [hbm:s0], s1  }
0xc2: {  	s0 =	simm.s32 @!p0 $0x1  }
0xc3: {  	_ =	swait.ge @!p0 [sflag:s0], s1  }
0xc4: {  	s1 =	ssub.s32 @!p0 $0x0, s1;
	[sflag:s0] =	ssyncset.done @!p0 $0x0  }
0xc5: {  	[sflag:s0] =	ssyncadd.s32 @!p0 s1  }
0xc6: {  	[bflag:$0x3] =	sbarrier.arrive $0xFFFF  }
0xc7: {  	_ =	shalt  }

// kernel: kernel.19.cloned.1.call-start
scs
__scs_entry_jumppad:
0x0: {  	(pc) =	sbr.rel $0x88, $3  }
0x1: {  	(tag) =	ssettag $0x0;
	lr =	simm.s32 $0x1  }
0x2: {  	[smem:$0x3F9D] =	sst lr;
	_ =	strace $0xD0000000  }
0x3: {  	_ = 	snop  }
0x4: {  	_ = 	snop  }
0x5: {  	_ = 	snop  }
0x6: {  	_ = 	snop  }
0x7: {  	_ = 	snop  }
__scs_overlays_trampoline_lowered:
0x8: {  	[smem:$0x3FAC] =	sst s0  }
0x9: {  	[smem:$0x3FAD] =	sst s1  }
0xa: {  	[smem:$0x3FAE] =	sst s2  }
0xb: {  	[smem:$0x3FAF] =	sst s3  }
0xc: {  	[smem:$0x3FB0] =	sst s4  }
0xd: {  	[smem:$0x3FB1] =	sst s5  }
0xe: {  	[smem:$0x3FB2] =	sst s6  }
0xf: {  	[smem:$0x3FB3] =	sst s7  }
0x10: {  	[smem:$0x3FB4] =	sst s8  }
0x11: {  	[smem:$0x3FB5] =	sst s9;
	s0 =	simm.s32 @!p0 $0x0  }
0x12: {  	s1 =	sld [smem:$0x3F9B];
	s0 =	simm.s32 @p0 $0x1  }
0x13: {  	[smem:$0x3FB6] =	sst s0;
	s0 =	simm.s32 @!p1 $0x0  }
0x14: {  	s2 =	sld [smem:$0x3F9A];
	s0 =	simm.s32 @p1 $0x1  }
0x15: {  	[smem:$0x3FB7] =	sst s0;
	s0 =	simm.s32 @!p2 $0x0  }
0x16: {  	s3 =	sld [smem:$0x3FDB];
	s0 =	simm.s32 @p2 $0x1  }
0x17: {  	s4 =	simm.s32 $0x1BF5;
	[smem:$0x3FB9] =	sst s0  }
0x18: {  	s0 =	sld [smem:$0x3F9C];
	_ =	swait.ge [sflag:s4], $0x0  }
0x19: {  	s7 =	sld [smem:$0x3F9D]  }
0x1a: {  	s8 =	sadd.s32 $0xFFFFE003, lr  }
0x1b: {  	s9 =	sadd.s32 $0xFFFFFEF7, lr;
	s5 =	simm.s32 $0xFFFFFFFF;
	p2 =	slt.u32 s8, $0xFFFFF086  }
0x1c: {  	p1 =	slt.u32 s9, $0xF7A;
	s5 =	simm.s32 @!p2 $0x0  }
0x1d: {  	s5 =	simm.s32 @p1 $0x1;
	p0 =	seq.s32 s7, s2  }
0x1e: {  	s7 =	smul.u32 @!p0 $0xF7A, s2;
	p2 =	seq.s32 @!p0 s5, $0x0  }
0x1f: {  	s9 =	smul.u32 $0xF7A, s1;
	s8 =	simm.s32 @!p0 $0x1BF5;
	p2 =	por !p2, p0  }
0x20: {  	[sflag:s8] =	ssyncset.s32 @!p0 $0xFFFFF086;
	s6 =	sadd.s32 @!p0 s3, s7;
	s7 =	simm.s32 @!p0 $0x108  }
0x21: {  	s3 =	sadd.s32 s3, s9;
	s6 =	sadd.s32 @!p0 $0x88, s6;
	s7 =	simm.s32 @p2 $0x1082  }
0x22: {  	[simem:s7], [sflag:s8] =	dma.local @!p0 [hbm:s6], $0xF7A  }
0x23: {  	s9 =	sor.u32 $0xD0000000, s2;
	s6 =	simm.s32 $0x108;
	_ =	swait.ge @!p0 [sflag:s8], $0x0  }
0x24: {  	s3 =	sadd.s32 $0x88, s3;
	s6 =	simm.s32 @!p1 $0x1082;
	[sflag:s4] =	ssyncset.s32 $0xFFFFF086  }
0x25: {  	[simem:s6], [sflag:s4] =	dma.local [hbm:s3], $0xF7A  }
0x26: {  	[smem:$0x3F9D] =	sst s1;
	(tag) =	ssettag s2;
	_ =	strace s9  }
0x27: {  	s1 =	sld [smem:$0x3FAD]  }
0x28: {  	s2 =	sld [smem:$0x3FAE]  }
0x29: {  	s4 =	sld [smem:$0x3FB0]  }
0x2a: {  	p0 =	seq.s32 s5, $0x0;
	s5 =	sld [smem:$0x3FB1]  }
0x2b: {  	s6 =	sld [smem:$0x3FB2]  }
0x2c: {  	s7 =	sld [smem:$0x3FB3]  }
0x2d: {  	s3 =	simm.s32 $0x108;
	s8 =	sld [smem:$0x3FB4]  }
0x2e: {  	s3 =	simm.s32 @!p0 $0x1082;
	s9 =	sld [smem:$0x3FB5]  }
0x2f: {  	lr =	sadd.s32 s0, s3;
	s0 =	sld [smem:$0x3FAC]  }
0x30: {  	s3 =	sld [smem:$0x3FAF]  }
0x31: {  	[smem:$0x3FB8] =	sst s10  }
0x32: {  	s10 =	sld [smem:$0x3FB6];
	_ =	sdelay $0x3  }
0x33: {  	p0 =	seq.s32 s10, $0x1;
	s10 =	sld [smem:$0x3FB8];
	_ =	sdelay $0x3  }
0x34: {  	[smem:$0x3FB8] =	sst s10  }
0x35: {  	s10 =	sld [smem:$0x3FB7];
	_ =	sdelay $0x3  }
0x36: {  	p1 =	seq.s32 s10, $0x1;
	s10 =	sld [smem:$0x3FB8];
	_ =	sdelay $0x3  }
0x37: {  	[smem:$0x3FB8] =	sst s10  }
0x38: {  	s10 =	sld [smem:$0x3FB9]  }
0x39: {  	_ = 	snop;
	(pc) =	sbr.ind lr, $3  }
0x3a: {  	_ = 	snop  }
0x3b: {  	_ = 	snop  }
0x3c: {  	p2 =	seq.s32 s10, $0x1;
	s10 =	sld [smem:$0x3FB8]  }
0x3d: {  	_ =	shalt  }
0x3e: {  	_ =	shalt  }
0x3f: {  	_ =	shalt  }
0x40: {  	_ =	shalt  }
0x41: {  	_ =	shalt  }
0x42: {  	_ =	shalt  }
0x43: {  	_ =	shalt  }
0x44: {  	_ =	shalt  }
0x45: {  	_ =	shalt  }
0x46: {  	_ =	shalt  }
0x47: {  	_ =	shalt  }
0x48: {  	_ =	shalt  }
0x49: {  	_ =	shalt  }
0x4a: {  	_ =	shalt  }
0x4b: {  	_ =	shalt  }
0x4c: {  	_ =	shalt  }
0x4d: {  	_ =	shalt  }
0x4e: {  	_ =	shalt  }
0x4f: {  	_ =	shalt  }
0x50: {  	_ =	shalt  }
0x51: {  	_ =	shalt  }
0x52: {  	_ =	shalt  }
0x53: {  	_ =	shalt  }
0x54: {  	_ =	shalt  }
0x55: {  	_ =	shalt  }
0x56: {  	_ =	shalt  }
0x57: {  	_ =	shalt  }
0x58: {  	_ =	shalt  }
0x59: {  	_ =	shalt  }
0x5a: {  	_ =	shalt  }
0x5b: {  	_ =	shalt  }
0x5c: {  	_ =	shalt  }
0x5d: {  	_ =	shalt  }
0x5e: {  	_ =	shalt  }
0x5f: {  	_ =	shalt  }
0x60: {  	_ =	shalt  }
0x61: {  	_ =	shalt  }
0x62: {  	_ =	shalt  }
0x63: {  	_ =	shalt  }
0x64: {  	_ =	shalt  }
0x65: {  	_ =	shalt  }
0x66: {  	_ =	shalt  }
0x67: {  	_ =	shalt  }
0x68: {  	_ =	shalt  }
0x69: {  	_ =	shalt  }
0x6a: {  	_ =	shalt  }
0x6b: {  	_ =	shalt  }
0x6c: {  	_ =	shalt  }
0x6d: {  	_ =	shalt  }
0x6e: {  	_ =	shalt  }
0x6f: {  	_ =	shalt  }
0x70: {  	_ =	shalt  }
0x71: {  	_ =	shalt  }
0x72: {  	_ =	shalt  }
0x73: {  	_ =	shalt  }
0x74: {  	_ =	shalt  }
0x75: {  	_ =	shalt  }
0x76: {  	_ =	shalt  }
0x77: {  	_ =	shalt  }
0x78: {  	_ =	shalt  }
0x79: {  	_ =	shalt  }
0x7a: {  	_ =	shalt  }
0x7b: {  	_ =	shalt  }
0x7c: {  	_ =	shalt  }
0x7d: {  	_ =	shalt  }
0x7e: {  	_ =	shalt  }
0x7f: {  	_ =	shalt  }
0x80: {  	_ =	shalt  }
0x81: {  	_ =	shalt  }
0x82: {  	_ =	shalt  }
0x83: {  	_ =	shalt  }
0x84: {  	_ =	shalt  }
0x85: {  	_ =	shalt  }
0x86: {  	_ =	shalt  }
0x87: {  	_ =	shalt  }
.Lfunc_end0:
.L_simem_size_0:
called_computation.3_lowered:
.L_overlay_start_0:
0x88: {  	s2 =	sld [smem:$0x3FD9]  }
0x89: {  	s3 =	sld [smem:$0x3FFE];
	_ =	sdelay $0x1  }
0x8a: {  	s1 =	srdreg.scid  }
0x8b: {  	s0 =	sand.u32 $0x1, s1  }
0x8c: {  	s17 =	sshll.u32 s0, $0xA;
	s2 =	sadd.s32 s3, s2  }
0x8d: {  	s2 =	sadd.s32 s2, s17  }
0x8e: {  	[smem:$0x3FC4] =	sst s2  }
0x8f: {  	_ = 	snop  }
0x90: {  	s2 =	sld [smem:$0x3FD0];
	(tm) =	ssettm $0x1  }
0x91: {  	s18 =	sld [smem:$0x3FFB];
	_ =	sdelay $0x3  }
0x92: {  	_ =	strace s18  }
0x93: {  	s3 =	sld [smem:$0x3FFC];
	_ =	sdelay $0x3  }
0x94: {  	_ =	strace s3  }
0x95: {  	s3 =	sld [smem:$0x3FFD];
	_ =	sdelay $0x3  }
0x96: {  	_ =	strace s3  }
0x97: {  	_ =	strace $0x8FFFFFFF  }
0x98: {  	s19 =	sld [smem:$0x3FDB];
	_ =	sdelay $0x1  }
0x99: {  	s4 =	simm.s32 $_scs_section_size  }
0x9a: {  	s5 =	simm.s32 $_size__tile_overlayer_lowered;
	s6 =	simm.s32 $_tile_overlayer_lowered  }
0x9b: {  	s22 =	simm.s32 $0x1BFF;
	s21 =	sshll.u32 s6, $0x1;
	s3 =	sadd.s32 s4, s19  }
0x9c: {  	s7 =	simm.s32 $0x0;
	s20 =	sshll.u32 s5, $0x1;
	s5 =	sadd.s32 s21, s3  }
0x9d: {  	[timem:s7], [sflag:s22] =	dma.local [hbm:s5], s20  }
0x9e: {  	_ =	swait.ge [sflag:s22], s20  }
0x9f: {  	s4 =	ssub.s32 $0x0, s20;
	[sflag:s22] =	ssyncset.done $0x0  }
0xa0: {  	[sflag:s22] =	ssyncadd.s32 s4;
	_ =	sdelay $0x1  }
0xa1: {  	s23 =	simm.s32 $0x1B8B  }
0xa2: {  	_ =	swait.ge [sflag:s23], $0x1  }
0xa3: {  	[sflag:s23] =	ssyncset.done $0x0  }
0xa4: {  	s25 =	simm.s32 $0x1B8E;
	s24 =	sld [smem:$0x3FFE];
	[sflag:s23] =	ssyncadd.s32 $0xFFFFFFFF  }
0xa5: {  	s26 =	simm.s32 $execute0_lowered;
	[smem:$0x3FD2] =	sst s25  }
0xa6: {  	s5 =	sshll.u32 s26, $0x1;
	_ =	strace $0x80000046;
	[dreg:$0x1] =	wrdreg $0xFFFFFFFF  }
0xa7: {  	s28 =	simm.s32 $_size_execute0_lowered;
	s3 =	sadd.s32 s3, s5;
	[dreg:$0x0] =	wrdreg $0x0  }
0xa8: {  	s5 =	sshll.u32 s28, $0x1;
	[dreg:$0x2] =	wrdreg s3  }
0xa9: {  	[dreg:$0x3] =	wrdreg s5  }
0xaa: {  	[dreg:$0x4] =	wrdreg $0xC0  }
0xab: {  	_ =	task [dreg:s7], $0x5FFFF  }
0xac: {  	[dreg:$0x1] =	wrdreg $0xFFFFFFFF  }
0xad: {  	[dreg:$0x0] =	wrdreg $0x60  }
0xae: {  	[dreg:$0x2] =	wrdreg s2  }
0xaf: {  	[dreg:$0x3] =	wrdreg s24  }
0xb0: {  	[dreg:$0x4] =	wrdreg $0xC  }
0xb1: {  	_ =	task.clear_ibuf [dreg:s7], $0x5FFFF;
	_ =	strace $0x90000046  }
0xb2: {  	s29 =	simm.s32 $0xC;
	_ =	strace $0x8000004F  }
0xb3: {  	_ =	swait.ge [sflag:s29], $0x1  }
0xb4: {  	[sflag:s29] =	ssyncadd.s32 $0xFFFFFFFF  }
0xb5: {  	_ =	strace $0x9000004F  }
0xb6: {  	_ =	sfence  }
0xb7: {  	s30 =	sld [smem:$0x0];
	_ =	sdelay $0x2  }
0xb8: {  	s31 =	sshll.u32 s1, $0xD;
	s1 =	sshrl.u32 s1, $0x2  }
0xb9: {  	s3 =	sand.u32 $0x4000, s31;
	s1 =	sadd.s32 s1, s30  }
0xba: {  	s0 =	sor.u32 s3, s0;
	s1 =	sshll.u32 s1, $0x11  }
0xbb: {  	s0 =	sor.u32 s1, s0  }
0xbc: {  	s0 =	sadd.s32 $0x8F2B, s0  }
0xbd: {  	[sflag:s0] =	ssyncadd.remote.s32 $0x1  }
0xbe: {  	_ =	sfence.sel $0xFFFF  }
0xbf: {  	[dreg:$0x0] =	wrdreg $0xFFFFFFFF;
	(pc) =	sbr.abs _section_cstart, $3  }
0xc0: {  	[dreg:$0x1] =	wrdreg $0xFFFFFFFF  }
0xc1: {  	_ =	task.clear_ibuf [dreg:s7], $0x2FFFF;
	_ =	strace $0x9FFFFFFF  }
0xc2: {  	(tm) =	ssettm $0x7FFFFFFF  }
0xc3: {  	_ =	shalt  }
tec
execute0_lowered:
.L_overlay_start_1:
0x0: {  	(tag) =	ssettag $0x1  }
0x1: {  	s1 =	srdreg.scid  }
0x2: {  	s0 =	stileid.u32;
	s20 =	sand.u32 $0x1, s1  }
0x3: {  	s3 =	sshll.u32 s0, $0x2;
	s1 =	sshll.u32 s20, $0x6  }
0x4: {  	s2 =	rddreg [dreg:$0x0];
	s14 =	sor.u32 s3, s1  }
0x5: {  	s10 =	rddreg [dreg:$0x1];
	s3 =	simm.s32 $0x0;
	s4 =	smul.u32 $0x190, s14  }
0x6: {  	[smem:$0x7FF] =	sst s3;
	s5 =	smul.u32 $0xC80, s14  }
0x7: {  	s6 =	sadd.s32 $0x1800, s10;
	s1 =	rddreg [dreg:$0x2];
	_ =	strace $0x80000047  }
0x8: {  	s4 =	sadd.s32 s6, s4;
	s5 =	sshrl.u32 s5, $0x3;
	_ =	strace $0x80000048  }
0x9: {  	[tilespmem:s3], [sflag:$0x1] =	stream.linear.gather [hbm4b:s4+s3], $0xC80, $0x200038;
	[tilespmem:$0x1A900] =	vst v63  }
0xa: {  	s16 =	sadd.s32 s6, s5;
	_ =	strace $0x90000048  }
0xb: {  	s6 =	simm.s32 $0xC80;
	s5 =	sadd.s32 $0x190, s16;
	_ =	strace $0x80000049  }
0xc: {  	[tilespmem:s6], [sflag:$0x2] =	stream.linear.gather [hbm4b:s5+s3], $0xC80, $0x200038;
	[tilespmem:$0x1A900] =	vst v63  }
0xd: {  	_ =	strace $0x90000049  }
0xe: {  	s7 =	simm.s32 $0x1;
	_ =	strace $0x8000004A  }
0xf: {  	_ =	swait.ge [sflag:s7], $0xC80  }
0x10: {  	[sflag:s7] =	ssyncset.done $0x0  }
0x11: {  	[sflag:s7] =	ssyncadd.s32 $0xFFFFF380  }
0x12: {  	_ =	strace $0x9000004A  }
0x13: {  	s8 =	simm.s32 $0x1900;
	s9 =	simm.s32 $0x5;
	_ =	strace $0x8000004B  }
0x14: {  	[tilespmem:s8], [sflag:$0x5] =	stream.indirect.gather [hbm4b:s2+s6], $0x10, s3, s6, $0x2000b8;
	[tilespmem:$0x1A900] =	vst v63  }
0x15: {  	_ =	swait.ge [sflag:s9], $0xC800  }
0x16: {  	[sflag:s9] =	ssyncset.done $0x0  }
0x17: {  	s11 =	smul.u32 $0x1900, s14;
	[sflag:s9] =	ssyncadd.s32 $0xFFFF3800  }
0x18: {  	s15 =	sadd.s32 $0xE000, s10;
	_ =	strace $0x9000004B  }
0x19: {  	s10 =	sadd.s32 s15, s11;
	_ =	strace $0x8000004C  }
0x1a: {  	[hbm4b:s10+s3] =	stream.linear.scatter [tilespmem:s8], [sflag:$0x3], $0xC800, $0x200038;
	[tilespmem:$0x1A900] =	vst v63  }
0x1b: {  	_ =	strace $0x9000004C  }
0x1c: {  	s11 =	sadd.s32 $0x320, s16;
	_ =	strace $0x80000049  }
0x1d: {  	[tilespmem:s3], [sflag:$0x1] =	stream.linear.gather [hbm4b:s11+s3], $0xC80, $0x200038;
	[tilespmem:$0x1A900] =	vst v63  }
0x1e: {  	_ =	strace $0x90000049  }
0x1f: {  	s12 =	simm.s32 $0x2;
	_ =	strace $0x8000004A  }
0x20: {  	_ =	swait.ge [sflag:s12], $0xC80  }
0x21: {  	[sflag:s12] =	ssyncset.done $0x0  }
0x22: {  	[sflag:s12] =	ssyncadd.s32 $0xFFFFF380  }
0x23: {  	_ =	strace $0x9000004A  }
0x24: {  	s13 =	simm.s32 $0xE100;
	_ =	strace $0x8000004B  }
0x25: {  	[tilespmem:s13], [sflag:$0x5] =	stream.indirect.gather [hbm4b:s2+s6], $0x10, s6, s6, $0x2000b8;
	[tilespmem:$0x1A900] =	vst v63  }
0x26: {  	s14 =	smul.u32 $0xC800, s14;
	_ =	swait.ge [sflag:s9], $0xC800  }
0x27: {  	[sflag:s9] =	ssyncset.done $0x0  }
0x28: {  	s14 =	sshrl.u32 s14, $0x3;
	[sflag:s9] =	ssyncadd.s32 $0xFFFF3800  }
0x29: {  	s19 =	sadd.s32 s15, s14;
	_ =	strace $0x9000004B  }
0x2a: {  	s14 =	sadd.s32 $0x1900, s19;
	_ =	strace $0x8000004C  }
0x2b: {  	[hbm4b:s14+s3] =	stream.linear.scatter [tilespmem:s13], [sflag:$0x4], $0xC800, $0x200038;
	[tilespmem:$0x1A900] =	vst v63  }
0x2c: {  	_ =	strace $0x9000004C  }
0x2d: {  	s15 =	simm.s32 $0x3;
	_ =	strace $0x8000004D  }
0x2e: {  	_ =	swait.ge [sflag:s15], $0xC800  }
0x2f: {  	[sflag:s15] =	ssyncset.done $0x0  }
0x30: {  	[sflag:s15] =	ssyncadd.s32 $0xFFFF3800  }
0x31: {  	_ =	strace $0x9000004D  }
0x32: {  	s16 =	sadd.s32 $0x4B0, s16;
	_ =	strace $0x80000049  }
0x33: {  	[tilespmem:s6], [sflag:$0x2] =	stream.linear.gather [hbm4b:s16+s3], $0xC80, $0x200038;
	[tilespmem:$0x1A900] =	vst v63  }
0x34: {  	_ =	strace $0x90000049  }
0x35: {  	_ =	strace $0x8000004A  }
0x36: {  	_ =	swait.ge [sflag:s7], $0xC80  }
0x37: {  	[sflag:s7] =	ssyncset.done $0x0  }
0x38: {  	[sflag:s7] =	ssyncadd.s32 $0xFFFFF380  }
0x39: {  	_ =	strace $0x9000004A  }
0x3a: {  	_ =	strace $0x8000004B  }
0x3b: {  	[tilespmem:s8], [sflag:$0x5] =	stream.indirect.gather [hbm4b:s2+s6], $0x10, s3, s6, $0x2000b8;
	[tilespmem:$0x1A900] =	vst v63  }
0x3c: {  	_ =	swait.ge [sflag:s9], $0xC800  }
0x3d: {  	[sflag:s9] =	ssyncset.done $0x0  }
0x3e: {  	[sflag:s9] =	ssyncadd.s32 $0xFFFF3800  }
0x3f: {  	_ =	strace $0x9000004B  }
0x40: {  	s17 =	sadd.s32 $0x3200, s19;
	_ =	strace $0x8000004C  }
0x41: {  	[hbm4b:s17+s3] =	stream.linear.scatter [tilespmem:s8], [sflag:$0x3], $0xC800, $0x200038;
	[tilespmem:$0x1A900] =	vst v63  }
0x42: {  	_ =	strace $0x9000004C  }
0x43: {  	s18 =	simm.s32 $0x4;
	_ =	strace $0x8000004D  }
0x44: {  	_ =	swait.ge [sflag:s18], $0xC800  }
0x45: {  	[sflag:s18] =	ssyncset.done $0x0  }
0x46: {  	[sflag:s18] =	ssyncadd.s32 $0xFFFF3800  }
0x47: {  	_ =	strace $0x9000004D  }
0x48: {  	_ =	strace $0x8000004A  }
0x49: {  	_ =	swait.ge [sflag:s12], $0xC80  }
0x4a: {  	[sflag:s12] =	ssyncset.done $0x0  }
0x4b: {  	[sflag:s12] =	ssyncadd.s32 $0xFFFFF380  }
0x4c: {  	_ =	strace $0x9000004A  }
0x4d: {  	_ =	strace $0x8000004B  }
0x4e: {  	[tilespmem:s13], [sflag:$0x5] =	stream.indirect.gather [hbm4b:s2+s6], $0x10, s6, s6, $0x2000b8;
	[tilespmem:$0x1A900] =	vst v63  }
0x4f: {  	_ =	swait.ge [sflag:s9], $0xC800  }
0x50: {  	[sflag:s9] =	ssyncset.done $0x0  }
0x51: {  	[sflag:s9] =	ssyncadd.s32 $0xFFFF3800  }
0x52: {  	_ =	strace $0x9000004B  }
0x53: {  	s19 =	sadd.s32 $0x4B00, s19;
	_ =	strace $0x8000004C  }
0x54: {  	[hbm4b:s19+s3] =	stream.linear.scatter [tilespmem:s13], [sflag:$0x4], $0xC800, $0x200038;
	[tilespmem:$0x1A900] =	vst v63  }
0x55: {  	s20 =	ssub.s32 $0x2, s20;
	_ =	strace $0x9000004C  }
0x56: {  	s21 =	sshrl.u32 s20, $0x1;
	_ =	strace $0x8000004D  }
0x57: {  	s20 =	ssub.s32 s20, s21;
	_ =	swait.ge [sflag:s15], $0xC800  }
0x58: {  	s20 =	smax.u32 s20, $0x1;
	[sflag:s15] =	ssyncset.done $0x0  }
0x59: {  	p0 =	sne.s32 s20, $0x1;
	[sflag:s15] =	ssyncadd.s32 $0xFFFF3800  }
.Ltmp0:
0x5a: {  	_ =	strace $0x9000004D;
	(pc) =	sbr.rel @!p0 .LBB2_2-.Ltmp0, $4  }
0x5b: {  	_ =	strace $0x8000004E  }
0x5c: {  	_ =	swait.ge [sflag:s18], $0xC800  }
0x5d: {  	[sflag:s18] =	ssyncset.done $0x0  }
0x5e: {  	s20 =	sadd.s32 $0xFFFFFFFF, s20;
	[sflag:s18] =	ssyncadd.s32 $0xFFFF3800  }
.LBB2_1:
0x5f: {  	p0 =	sne.s32 s20, $0x1;
	s20 =	sadd.s32 $0xFFFFFFFF, s20;
	_ =	strace $0x9000004E  }
0x60: {  	_ =	strace $0x80000048  }
0x61: {  	[tilespmem:s3], [sflag:$0x1] =	stream.linear.gather [hbm4b:s4+s3], $0xC80, $0x200038;
	[tilespmem:$0x1A900] =	vst v63  }
0x62: {  	_ =	strace $0x90000048  }
0x63: {  	_ =	strace $0x80000049  }
0x64: {  	[tilespmem:s6], [sflag:$0x2] =	stream.linear.gather [hbm4b:s5+s3], $0xC80, $0x200038;
	[tilespmem:$0x1A900] =	vst v63  }
0x65: {  	_ =	strace $0x90000049  }
0x66: {  	_ =	strace $0x8000004A  }
0x67: {  	_ =	swait.ge [sflag:s7], $0xC80  }
0x68: {  	[sflag:s7] =	ssyncset.done $0x0  }
0x69: {  	[sflag:s7] =	ssyncadd.s32 $0xFFFFF380  }
0x6a: {  	_ =	strace $0x9000004A  }
0x6b: {  	_ =	strace $0x8000004B  }
0x6c: {  	[tilespmem:s8], [sflag:$0x5] =	stream.indirect.gather [hbm4b:s2+s6], $0x10, s3, s6, $0x2000b8;
	[tilespmem:$0x1A900] =	vst v63  }
0x6d: {  	_ =	swait.ge [sflag:s9], $0xC800  }
0x6e: {  	[sflag:s9] =	ssyncset.done $0x0  }
0x6f: {  	[sflag:s9] =	ssyncadd.s32 $0xFFFF3800  }
0x70: {  	_ =	strace $0x9000004B  }
0x71: {  	_ =	strace $0x8000004C  }
0x72: {  	[hbm4b:s10+s3] =	stream.linear.scatter [tilespmem:s8], [sflag:$0x3], $0xC800, $0x200038;
	[tilespmem:$0x1A900] =	vst v63  }
0x73: {  	_ =	strace $0x9000004C  }
0x74: {  	_ =	strace $0x80000049  }
0x75: {  	[tilespmem:s3], [sflag:$0x1] =	stream.linear.gather [hbm4b:s11+s3], $0xC80, $0x200038;
	[tilespmem:$0x1A900] =	vst v63  }
0x76: {  	_ =	strace $0x90000049  }
0x77: {  	_ =	strace $0x8000004A  }
0x78: {  	_ =	swait.ge [sflag:s12], $0xC80  }
0x79: {  	[sflag:s12] =	ssyncset.done $0x0  }
0x7a: {  	[sflag:s12] =	ssyncadd.s32 $0xFFFFF380  }
0x7b: {  	_ =	strace $0x9000004A  }
0x7c: {  	_ =	strace $0x8000004B  }
0x7d: {  	[tilespmem:s13], [sflag:$0x5] =	stream.indirect.gather [hbm4b:s2+s6], $0x10, s6, s6, $0x2000b8;
	[tilespmem:$0x1A900] =	vst v63  }
0x7e: {  	_ =	swait.ge [sflag:s9], $0xC800  }
0x7f: {  	[sflag:s9] =	ssyncset.done $0x0  }
0x80: {  	[sflag:s9] =	ssyncadd.s32 $0xFFFF3800  }
0x81: {  	_ =	strace $0x9000004B  }
0x82: {  	_ =	strace $0x8000004C  }
0x83: {  	[hbm4b:s14+s3] =	stream.linear.scatter [tilespmem:s13], [sflag:$0x4], $0xC800, $0x200038;
	[tilespmem:$0x1A900] =	vst v63  }
0x84: {  	_ =	strace $0x9000004C  }
0x85: {  	_ =	strace $0x8000004D  }
0x86: {  	_ =	swait.ge [sflag:s15], $0xC800  }
0x87: {  	[sflag:s15] =	ssyncset.done $0x0  }
0x88: {  	[sflag:s15] =	ssyncadd.s32 $0xFFFF3800  }
0x89: {  	_ =	strace $0x9000004D  }
0x8a: {  	_ =	strace $0x80000049  }
0x8b: {  	[tilespmem:s6], [sflag:$0x2] =	stream.linear.gather [hbm4b:s16+s3], $0xC80, $0x200038;
	[tilespmem:$0x1A900] =	vst v63  }
0x8c: {  	_ =	strace $0x90000049  }
0x8d: {  	_ =	strace $0x8000004A  }
0x8e: {  	_ =	swait.ge [sflag:s7], $0xC80  }
0x8f: {  	[sflag:s7] =	ssyncset.done $0x0  }
0x90: {  	[sflag:s7] =	ssyncadd.s32 $0xFFFFF380  }
0x91: {  	_ =	strace $0x9000004A  }
0x92: {  	_ =	strace $0x8000004B  }
0x93: {  	[tilespmem:s8], [sflag:$0x5] =	stream.indirect.gather [hbm4b:s2+s6], $0x10, s3, s6, $0x2000b8;
	[tilespmem:$0x1A900] =	vst v63  }
0x94: {  	_ =	swait.ge [sflag:s9], $0xC800  }
0x95: {  	[sflag:s9] =	ssyncset.done $0x0  }
0x96: {  	[sflag:s9] =	ssyncadd.s32 $0xFFFF3800  }
0x97: {  	_ =	strace $0x9000004B  }
0x98: {  	_ =	strace $0x8000004C  }
0x99: {  	[hbm4b:s17+s3] =	stream.linear.scatter [tilespmem:s8], [sflag:$0x3], $0xC800, $0x200038;
	[tilespmem:$0x1A900] =	vst v63  }
0x9a: {  	_ =	strace $0x9000004C  }
0x9b: {  	_ =	strace $0x8000004D  }
0x9c: {  	_ =	swait.ge [sflag:s18], $0xC800  }
0x9d: {  	[sflag:s18] =	ssyncset.done $0x0  }
0x9e: {  	[sflag:s18] =	ssyncadd.s32 $0xFFFF3800  }
0x9f: {  	_ =	strace $0x9000004D  }
0xa0: {  	_ =	strace $0x8000004A  }
0xa1: {  	_ =	swait.ge [sflag:s12], $0xC80  }
0xa2: {  	[sflag:s12] =	ssyncset.done $0x0  }
0xa3: {  	[sflag:s12] =	ssyncadd.s32 $0xFFFFF380  }
0xa4: {  	_ =	strace $0x9000004A  }
0xa5: {  	_ =	strace $0x8000004B  }
0xa6: {  	[tilespmem:s13], [sflag:$0x5] =	stream.indirect.gather [hbm4b:s2+s6], $0x10, s6, s6, $0x2000b8;
	[tilespmem:$0x1A900] =	vst v63  }
0xa7: {  	_ =	swait.ge [sflag:s9], $0xC800  }
0xa8: {  	[sflag:s9] =	ssyncset.done $0x0  }
0xa9: {  	[sflag:s9] =	ssyncadd.s32 $0xFFFF3800  }
0xaa: {  	_ =	strace $0x9000004B  }
0xab: {  	_ =	strace $0x8000004C  }
0xac: {  	[hbm4b:s19+s3] =	stream.linear.scatter [tilespmem:s13], [sflag:$0x4], $0xC800, $0x200038;
	[tilespmem:$0x1A900] =	vst v63  }
0xad: {  	_ =	strace $0x9000004C  }
0xae: {  	_ =	strace $0x8000004D  }
0xaf: {  	_ =	swait.ge [sflag:s15], $0xC800  }
0xb0: {  	[sflag:s15] =	ssyncset.done $0x0  }
0xb1: {  	[sflag:s15] =	ssyncadd.s32 $0xFFFF3800  }
.Ltmp1:
0xb2: {  	_ =	strace $0x9000004D;
	(pc) =	sbr.rel @p0 .LBB2_1-.Ltmp1, $4  }
0xb3: {  	_ =	strace $0x8000004E  }
0xb4: {  	_ =	swait.ge [sflag:s18], $0xC800  }
0xb5: {  	[sflag:s18] =	ssyncset.done $0x0  }
0xb6: {  	[sflag:s18] =	ssyncadd.s32 $0xFFFF3800  }
.LBB2_2:
0xb7: {  	_ =	strace $0x9000004E  }
0xb8: {  	_ =	sfence.sel $0x180000  }
0xb9: {  	[bflag:$0x0] =	sbarrier.arrive $0xFFFF  }
0xba: {  	p0 =	sne.s32 s0, $0x0;
	_ =	strace $0x90000047  }
0xbb: {  	s0 =	sadd.s32 @!p0 $0x100000, s1;
	[bflag:$0x2] =	sbarrier.arrive $0xFFFF  }
0xbc: {  	[sflag:s0] =	ssyncadd.tile.s32 @!p0 $0x1;
	_ =	shalt  }
.Lfunc_end2:
_tile_overlayer_lowered:
.L_overlay_start_2:
0xbd: {  	(tag) =	ssettag $0x2  }
0xbe: {  	s0 =	rddreg [dreg:$0x0];
	s2 =	stileid.u32  }
0xbf: {  	s1 =	rddreg [dreg:$0x1];
	p0 =	sne.s32 s2, $0x0  }
0xc0: {  	s3 =	rddreg [dreg:$0x2];
	[bflag:$0x3] =	sbarrier.arrive $0xFFFF;
	s2 =	simm.s32 @!p0 $0x1C01  }
0xc1: {  	[timem:s3], [sflag:s2] =	dma.local @!p0 [hbm:s0], s1  }
0xc2: {  	s0 =	simm.s32 @!p0 $0x1  }
0xc3: {  	_ =	swait.ge @!p0 [sflag:s0], s1  }
0xc4: {  	s1 =	ssub.s32 @!p0 $0x0, s1;
	[sflag:s0] =	ssyncset.done @!p0 $0x0  }
0xc5: {  	[sflag:s0] =	ssyncadd.s32 @!p0 s1  }
0xc6: {  	[bflag:$0x3] =	sbarrier.arrive $0xFFFF  }
0xc7: {  	_ =	shalt  }

</sc_bundles>
